<compile_context>
chip_gen: v7x
topology: tpu7x:2x2x1
jax: 0.10.2.dev20260603
libtpu: 0.0.44.dev20260713+nightly
codegen_flags: <defaults>
</compile_context>

<pallas_src>
import functools

import jax
import jax.numpy as jnp
from jax import lax
from jax.experimental import pallas as pl
from jax.experimental.pallas import tpu as pltpu
from jax.experimental.pallas import tpu_sc as plsc

_R = 16384
_C = 100
_D = 9
_L = 16
_ROWS_STEP = 32
_OFFS = (0, 16, 32, 48, 64, 80, 84)


def _sc_gather(table_t, idx):
    mesh = plsc.VectorSubcoreMesh(core_axis_name="core", subcore_axis_name="subcore")

    @functools.partial(
        pl.kernel,
        out_type=jax.ShapeDtypeStruct((_R, _C * _D), jnp.float32),
        mesh=mesh,
        scratch_types=[
            pltpu.VMEM((_D, 256), jnp.float32),
            pltpu.SemaphoreType.DMA,
        ],
        compiler_params=pltpu.CompilerParams(
            use_tc_tiling_on_sc=True, needs_layout_passes=False
        ),
    )
    def k(table_hbm, i_hbm, o_hbm, tbl_vmem, sem):
        pltpu.async_copy(table_hbm, tbl_vmem, sem).wait()
        jiota = lax.iota(jnp.int32, _L)
        jiota9 = jiota * _D
        kvecs = [jnp.full((_L,), kk, jnp.int32) for kk in range(_D)]

        def body(i_vmem, o_vmem):
            @plsc.parallel_loop(0, _ROWS_STEP, unroll=4)
            def _(r):
                rv = jnp.full((_L,), r, jnp.int32)
                for off in _OFFS:
                    t = plsc.load_gather(i_vmem, [rv, jiota + off])
                    gs = [
                        plsc.load_gather(tbl_vmem, [kvecs[kk], t])
                        for kk in range(_D)
                    ]
                    for kk in range(_D):
                        plsc.store_scatter(
                            o_vmem, [rv, jiota9 + (off * _D + kk)], gs[kk]
                        )

        pltpu.emit_pipeline(
            body,
            grid=(_R // _ROWS_STEP,),
            in_specs=[pl.BlockSpec((_ROWS_STEP, _C), index_map=lambda i: (i, 0))],
            out_specs=[pl.BlockSpec((_ROWS_STEP, _C * _D), index_map=lambda i: (i, 0))],
            core_axis_name=("core", "subcore"),
            dimension_semantics=(pltpu.PARALLEL,),
        )(i_hbm, o_hbm)

    return k(table_t, idx)


def kernel(tensor, int_to_feat_matrix, extra_embeddings):
    combined = jnp.concatenate([int_to_feat_matrix, extra_embeddings], axis=0)
    table_t = combined.T.reshape(_D, 256)
    return _sc_gather(table_t, tensor)

# --- scband reference (transcript-rebuilt; emitter-appended) ---
"""Pipeline reference for scband-fourier-featurizer-pos-cos-90245852824254 (READ-ONLY COPY).

The authoritative reference and input builder live on the scoring server;
editing this copy changes nothing except your own understanding.
"""

import jax, jax.numpy as jnp
import numpy as np

MAX_COUNT_INT = 255
NUM_EXTRA_EMBEDDINGS = 1


def _build_table(num_funcs=9):
    max_freq = int(np.ceil(np.log2(MAX_COUNT_INT))) + 1
    freqs = 0.5 ** np.linspace(1, max_freq, num_funcs)
    freqs_time_2pi = (2.0 * np.pi * freqs).astype(np.float32)
    combo = np.arange(MAX_COUNT_INT, dtype=np.float32)[:, None] * freqs_time_2pi[None, :]
    return jnp.asarray((-np.cos(combo) + 1.0).astype(np.float32))


def setup_inputs(seed: int = 0) -> dict:
    key = jax.random.key(seed)
    k1, k2 = jax.random.split(key)
    tensor = jax.random.randint(k1, (16384, 100), 0, 255, dtype=jnp.int32)
    int_to_feat_matrix = _build_table(9)  # [255, 9], non-trainable buffer
    extra_embeddings = jax.random.normal(k2, (NUM_EXTRA_EMBEDDINGS, 9), dtype=jnp.float32)
    return {"tensor": tensor, "int_to_feat_matrix": int_to_feat_matrix, "extra_embeddings": extra_embeddings}


def reference(tensor, int_to_feat_matrix, extra_embeddings):
    orig_shape = tensor.shape
    extra_embed = tensor >= MAX_COUNT_INT
    # gather from the fixed Fourier table for values < 255
    norm_idx = jnp.clip(tensor, 0, MAX_COUNT_INT - 1)
    norm_embeds = jnp.take(int_to_feat_matrix, norm_idx, axis=0)
    # gather from the learned extra embedding rows for values >= 255
    extra_idx = jnp.clip(tensor - MAX_COUNT_INT, 0, NUM_EXTRA_EMBEDDINGS - 1)
    extra_embeds = jnp.take(extra_embeddings, extra_idx, axis=0)
    out = jnp.where(extra_embed[..., None], extra_embeds, norm_embeds)
    return out.reshape(orig_shape[:-1] + (-1,))

if __name__ == "__main__":
    import jax
    _d = setup_inputs()
    print(jax.jit(kernel)(*tuple(_d.values())))

</pallas_src>

<mosaic_0001>
#map = affine_map<(d0, d1) -> (0, 0)>
module attributes {stable_mosaic.version = 14 : i64} {
  func.func @k(%arg0: i32, %arg1: i32, %arg2: memref<9x256xf32, #tpu.memory_space<hbm>>, %arg3: memref<16384x100xi32, #tpu.memory_space<hbm>>, %arg4: memref<16384x900xf32, #tpu.memory_space<hbm>>, %arg5: memref<9x256xf32, #tpu.memory_space<vmem>>, %arg6: memref<!tpu.dma_semaphore, #tpu.memory_space<semaphore_mem>>) attributes {dimension_semantics = [#tpu.dimension_semantics<core_parallel>, #tpu.dimension_semantics<subcore_parallel>], iteration_bounds = array<i64: 2, 16>, scalar_prefetch = 0 : i64, scratch_operands = 2 : i64, tpu.core_type = #tpu.core_type<sc_vector_subcore>, window_params = [{transform_indices = #map}, {transform_indices = #map}, {transform_indices = #map}]} {
    tpu.enqueue_dma source(%arg2 : memref<9x256xf32, #tpu.memory_space<hbm>>) target(%arg5 : memref<9x256xf32, #tpu.memory_space<vmem>>) target_semaphore(%arg6 : memref<!tpu.dma_semaphore, #tpu.memory_space<semaphore_mem>>)
    tpu.wait_dma2 semaphore(%arg6 : memref<!tpu.dma_semaphore, #tpu.memory_space<semaphore_mem>>) src(%arg2 : memref<9x256xf32, #tpu.memory_space<hbm>>) dst(%arg5 : memref<9x256xf32, #tpu.memory_space<vmem>>)
    %iota3A = tpu.iota {dimensions = array<i32: 0>} : vector<16xi32>
    %mul3A = arith.constant 9 : i32
    %mul3A_0 = vector.broadcast %mul3A : i32 to vector<16xi32>
    %mul3A_1 = arith.muli %iota3A, %mul3A_0 : vector<16xi32>
    %broadcast_in_dim3A = arith.constant 0 : i32
    %broadcast_in_dim3A_2 = vector.broadcast %broadcast_in_dim3A : i32 to vector<16xi32>
    %broadcast_in_dim3A_3 = arith.constant 1 : i32
    %broadcast_in_dim3A_4 = vector.broadcast %broadcast_in_dim3A_3 : i32 to vector<16xi32>
    %broadcast_in_dim3A_5 = arith.constant 2 : i32
    %broadcast_in_dim3A_6 = vector.broadcast %broadcast_in_dim3A_5 : i32 to vector<16xi32>
    %broadcast_in_dim3A_7 = arith.constant 3 : i32
    %broadcast_in_dim3A_8 = vector.broadcast %broadcast_in_dim3A_7 : i32 to vector<16xi32>
    %broadcast_in_dim3A_9 = arith.constant 4 : i32
    %broadcast_in_dim3A_10 = vector.broadcast %broadcast_in_dim3A_9 : i32 to vector<16xi32>
    %broadcast_in_dim3A_11 = arith.constant 5 : i32
    %broadcast_in_dim3A_12 = vector.broadcast %broadcast_in_dim3A_11 : i32 to vector<16xi32>
    %broadcast_in_dim3A_13 = arith.constant 6 : i32
    %broadcast_in_dim3A_14 = vector.broadcast %broadcast_in_dim3A_13 : i32 to vector<16xi32>
    %broadcast_in_dim3A_15 = arith.constant 7 : i32
    %broadcast_in_dim3A_16 = vector.broadcast %broadcast_in_dim3A_15 : i32 to vector<16xi32>
    %broadcast_in_dim3A_17 = arith.constant 8 : i32
    %broadcast_in_dim3A_18 = vector.broadcast %broadcast_in_dim3A_17 : i32 to vector<16xi32>
    %mul3A_19 = arith.constant 1 : i32
    %mul3A_20 = arith.muli %arg1, %mul3A_19 : i32
    %add3A = arith.constant 0 : i32
    %add3A_21 = arith.addi %add3A, %mul3A_20 : i32
    %mul3A_22 = arith.constant 16 : i32
    %mul3A_23 = arith.muli %arg0, %mul3A_22 : i32
    %add3A_24 = arith.addi %add3A_21, %mul3A_23 : i32
    %mul3A_25 = arith.constant 16 : i32
    %mul3A_26 = arith.muli %add3A_24, %mul3A_25 : i32
    "tpu.region"() ({
      %run_scoped3A = memref.alloca() : memref<2x32x100xi32, #tpu.memory_space<vmem>>
      %run_scoped3A_27 = tpu.sem_alloc : memref<2x!tpu.dma_semaphore, #tpu.memory_space<semaphore_mem>>
      %run_scoped3A_28 = memref.alloca() : memref<2x32x900xf32, #tpu.memory_space<vmem>>
      %run_scoped3A_29 = tpu.sem_alloc : memref<2x!tpu.dma_semaphore, #tpu.memory_space<semaphore_mem>>
      %add3A_30 = arith.constant 0 : i32
      %add3A_31 = arith.addi %add3A_30, %mul3A_26 : i32
      %select_n3A = arith.constant true
      %select_n3A_32 = arith.constant 0 : i32
      %select_n3A_33 = arith.constant -1 : i32
      %select_n3A_34 = arith.select %select_n3A, %select_n3A_33, %select_n3A_32 : i32
      %eq3A = arith.constant -1 : i32
      %eq3A_35 = arith.cmpi eq, %select_n3A_34, %eq3A : i32
      %select_n3A_36 = arith.constant 15 : i32
      %select_n3A_37 = arith.select %eq3A_35, %select_n3A_36, %select_n3A_34 : i32
      %add3A_38 = arith.addi %select_n3A_37, %mul3A_26 : i32
      %select_n3A_39 = arith.constant true
      %select_n3A_40 = arith.constant 0 : i32
      %select_n3A_41 = arith.constant 1 : i32
      %select_n3A_42 = arith.select %select_n3A_39, %select_n3A_41, %select_n3A_40 : i32
      %eq3A_43 = arith.constant 16 : i32
      %eq3A_44 = arith.cmpi eq, %select_n3A_42, %eq3A_43 : i32
      %select_n3A_45 = arith.constant 0 : i32
      %select_n3A_46 = arith.select %eq3A_44, %select_n3A_45, %select_n3A_42 : i32
      %add3A_47 = arith.addi %select_n3A_46, %mul3A_26 : i32
      %add3A_48 = arith.constant 1 : i32
      %add3A_49 = arith.addi %select_n3A_46, %add3A_48 : i32
      %select_n3A_50 = arith.constant true
      %select_n3A_51 = arith.select %select_n3A_50, %add3A_49, %select_n3A_46 : i32
      %eq3A_52 = arith.constant 16 : i32
      %eq3A_53 = arith.cmpi eq, %select_n3A_51, %eq3A_52 : i32
      %select_n3A_54 = arith.constant 0 : i32
      %select_n3A_55 = arith.select %eq3A_53, %select_n3A_54, %select_n3A_51 : i32
      %add3A_56 = arith.addi %select_n3A_55, %mul3A_26 : i32
      "tpu.trace_start"() <{level = 10 : i32, message = "ep_initialize_0"}> : () -> ()
      %rem3A = arith.constant 0 : i32
      %rem3A_57 = arith.constant 2 : i32
      %rem3A_58 = arith.remui %rem3A, %rem3A_57 : i32
      %mul3A_59 = arith.constant 32 : i32
      %mul3A_60 = arith.muli %mul3A_59, %add3A_31 : i32
      %dma_start3A = arith.constant 0 : i32
      %dma_start3A_61 = arith.constant 0 : i32
      %dma_start3A_62 = tpu.memref_slice %run_scoped3A[%rem3A_58, %dma_start3A, %dma_start3A_61] : memref<2x32x100xi32, #tpu.memory_space<vmem>> -> memref<1x32x100xi32, #tpu.memory_space<vmem>>
      %dma_start3A_63 = tpu.memref_squeeze %dma_start3A_62 : memref<1x32x100xi32, #tpu.memory_space<vmem>> -> memref<32x100xi32, #tpu.memory_space<vmem>>
      %dma_start3A_64 = arith.constant 0 : i32
      %dma_start3A_65 = tpu.memref_slice %arg3[%mul3A_60, %dma_start3A_64] : memref<16384x100xi32, #tpu.memory_space<hbm>> -> memref<32x100xi32, #tpu.memory_space<hbm>>
      %dma_start3A_66 = tpu.memref_slice %run_scoped3A_27[%rem3A_58] : memref<2x!tpu.dma_semaphore, #tpu.memory_space<semaphore_mem>> -> memref<1x!tpu.dma_semaphore, #tpu.memory_space<semaphore_mem>>
      %dma_start3A_67 = tpu.memref_squeeze %dma_start3A_66 : memref<1x!tpu.dma_semaphore, #tpu.memory_space<semaphore_mem>> -> memref<!tpu.dma_semaphore, #tpu.memory_space<semaphore_mem>>
      %dma_start3A_68 = arith.constant 0 : i32
      %dma_start3A_69 = arith.constant 0 : i32
      %dma_start3A_70 = tpu.memref_slice %run_scoped3A[%rem3A_58, %dma_start3A_68, %dma_start3A_69] : memref<2x32x100xi32, #tpu.memory_space<vmem>> -> memref<1x32x100xi32, #tpu.memory_space<vmem>>
      %dma_start3A_71 = tpu.memref_squeeze %dma_start3A_70 : memref<1x32x100xi32, #tpu.memory_space<vmem>> -> memref<32x100xi32, #tpu.memory_space<vmem>>
      %dma_start3A_72 = arith.constant 0 : i32
      %dma_start3A_73 = tpu.memref_slice %arg3[%mul3A_60, %dma_start3A_72] : memref<16384x100xi32, #tpu.memory_space<hbm>> -> memref<32x100xi32, #tpu.memory_space<hbm>>
      tpu.enqueue_dma source(%dma_start3A_73 : memref<32x100xi32, #tpu.memory_space<hbm>>) target(%dma_start3A_71 : memref<32x100xi32, #tpu.memory_space<vmem>>) target_semaphore(%dma_start3A_67 : memref<!tpu.dma_semaphore, #tpu.memory_space<semaphore_mem>>)
      %add3A_74 = arith.constant 0 : i32
      %add3A_75 = arith.constant 1 : i32
      %add3A_76 = arith.addi %add3A_74, %add3A_75 : i32
      %select_n3A_77 = arith.constant true
      %select_n3A_78 = arith.constant 0 : i32
      %select_n3A_79 = arith.select %select_n3A_77, %add3A_76, %select_n3A_78 : i32
      "tpu.trace_stop"() : () -> ()
      %scan3A = arith.constant 0 : i32
      %scan3A_80 = arith.constant 0 : i32
      %scan3A_81 = arith.constant 0 : i32
      %scan3A_82 = arith.constant 0 : i32
      %scan3A_83 = arith.constant 0 : i32
      %scan3A_84 = arith.constant 16 : i32
      %scan3A_85 = arith.addi %scan3A_83, %scan3A_84 : i32
      %scan3A_86 = arith.constant 1 : i32
      %scan3A_87:5 = scf.for %scan3A_141 = %scan3A_83 to %scan3A_85 step %scan3A_86 iter_args(%scan3A_142 = %select_n3A_79, %scan3A_143 = %scan3A, %scan3A_144 = %scan3A_80, %scan3A_145 = %scan3A_81, %scan3A_146 = %scan3A_82) -> (i32, i32, i32, i32, i32)  : i32 {
        %eq3A_147 = arith.constant 0 : i32
        %eq3A_148 = arith.cmpi eq, %scan3A_141, %eq3A_147 : i32
        %eq3A_149 = arith.constant 15 : i32
        %eq3A_150 = arith.cmpi eq, %scan3A_141, %eq3A_149 : i32
        %add3A_151 = arith.addi %scan3A_146, %mul3A_26 : i32
        %sub3A_152 = arith.constant 1 : i32
        %sub3A_153 = arith.subi %scan3A_146, %sub3A_152 : i32
        %select_n3A_154 = arith.constant true
        %select_n3A_155 = arith.select %select_n3A_154, %sub3A_153, %scan3A_146 : i32
        %eq3A_156 = arith.constant -1 : i32
        %eq3A_157 = arith.cmpi eq, %select_n3A_155, %eq3A_156 : i32
        %select_n3A_158 = arith.constant 15 : i32
        %select_n3A_159 = arith.select %eq3A_157, %select_n3A_158, %select_n3A_155 : i32
        %add3A_160 = arith.addi %select_n3A_159, %mul3A_26 : i32
        %add3A_161 = arith.constant 1 : i32
        %add3A_162 = arith.addi %scan3A_146, %add3A_161 : i32
        %select_n3A_163 = arith.constant true
        %select_n3A_164 = arith.select %select_n3A_163, %add3A_162, %scan3A_146 : i32
        %eq3A_165 = arith.constant 16 : i32
        %eq3A_166 = arith.cmpi eq, %select_n3A_164, %eq3A_165 : i32
        %select_n3A_167 = arith.constant 0 : i32
        %select_n3A_168 = arith.select %eq3A_166, %select_n3A_167, %select_n3A_164 : i32
        %add3A_169 = arith.addi %select_n3A_168, %mul3A_26 : i32
        %add3A_170 = arith.constant 1 : i32
        %add3A_171 = arith.addi %select_n3A_168, %add3A_170 : i32
        %select_n3A_172 = arith.constant true
        %select_n3A_173 = arith.select %select_n3A_172, %add3A_171, %select_n3A_168 : i32
        %eq3A_174 = arith.constant 16 : i32
        %eq3A_175 = arith.cmpi eq, %select_n3A_173, %eq3A_174 : i32
        %select_n3A_176 = arith.constant 0 : i32
        %select_n3A_177 = arith.select %eq3A_175, %select_n3A_176, %select_n3A_173 : i32
        %add3A_178 = arith.addi %select_n3A_177, %mul3A_26 : i32
        %ne3A = arith.cmpi ne, %add3A_151, %add3A_169 : i32
        %or3A = arith.constant false
        %or3A_179 = arith.ori %or3A, %ne3A : i1
        %or3A_180 = arith.constant false
        %or3A_181 = arith.ori %or3A_179, %or3A_180 : i1
        %ge3A = arith.constant 15 : i32
        %ge3A_182 = arith.cmpi sge, %scan3A_141, %ge3A : i32
        %not3A = arith.constant true
        %not3A_183 = arith.xori %ge3A_182, %not3A : i1
        %and3A = arith.andi %or3A_181, %not3A_183 : i1
        %convert_element_type3A = arith.extui %and3A : i1 to i32
        %cond3A = arith.constant 0 : i32
        %cond3A_184 = arith.cmpi ne, %convert_element_type3A, %cond3A : i32
        scf.if %cond3A_184 {
          "tpu.trace_start"() <{level = 10 : i32, message = "ep_copy_in"}> : () -> ()
          %rem3A_295 = arith.constant 2 : i32
          %rem3A_296 = arith.remui %scan3A_142, %rem3A_295 : i32
          %mul3A_297 = arith.constant 32 : i32
          %mul3A_298 = arith.muli %mul3A_297, %add3A_169 : i32
          %dma_start3A_299 = arith.constant 0 : i32
          %dma_start3A_300 = arith.constant 0 : i32
          %dma_start3A_301 = tpu.memref_slice %run_scoped3A[%rem3A_296, %dma_start3A_299, %dma_start3A_300] : memref<2x32x100xi32, #tpu.memory_space<vmem>> -> memref<1x32x100xi32, #tpu.memory_space<vmem>>
          %dma_start3A_302 = tpu.memref_squeeze %dma_start3A_301 : memref<1x32x100xi32, #tpu.memory_space<vmem>> -> memref<32x100xi32, #tpu.memory_space<vmem>>
          %dma_start3A_303 = arith.constant 0 : i32
          %dma_start3A_304 = tpu.memref_slice %arg3[%mul3A_298, %dma_start3A_303] : memref<16384x100xi32, #tpu.memory_space<hbm>> -> memref<32x100xi32, #tpu.memory_space<hbm>>
          %dma_start3A_305 = tpu.memref_slice %run_scoped3A_27[%rem3A_296] : memref<2x!tpu.dma_semaphore, #tpu.memory_space<semaphore_mem>> -> memref<1x!tpu.dma_semaphore, #tpu.memory_space<semaphore_mem>>
          %dma_start3A_306 = tpu.memref_squeeze %dma_start3A_305 : memref<1x!tpu.dma_semaphore, #tpu.memory_space<semaphore_mem>> -> memref<!tpu.dma_semaphore, #tpu.memory_space<semaphore_mem>>
          %dma_start3A_307 = arith.constant 0 : i32
          %dma_start3A_308 = arith.constant 0 : i32
          %dma_start3A_309 = tpu.memref_slice %run_scoped3A[%rem3A_296, %dma_start3A_307, %dma_start3A_308] : memref<2x32x100xi32, #tpu.memory_space<vmem>> -> memref<1x32x100xi32, #tpu.memory_space<vmem>>
          %dma_start3A_310 = tpu.memref_squeeze %dma_start3A_309 : memref<1x32x100xi32, #tpu.memory_space<vmem>> -> memref<32x100xi32, #tpu.memory_space<vmem>>
          %dma_start3A_311 = arith.constant 0 : i32
          %dma_start3A_312 = tpu.memref_slice %arg3[%mul3A_298, %dma_start3A_311] : memref<16384x100xi32, #tpu.memory_space<hbm>> -> memref<32x100xi32, #tpu.memory_space<hbm>>
          tpu.enqueue_dma source(%dma_start3A_312 : memref<32x100xi32, #tpu.memory_space<hbm>>) target(%dma_start3A_310 : memref<32x100xi32, #tpu.memory_space<vmem>>) target_semaphore(%dma_start3A_306 : memref<!tpu.dma_semaphore, #tpu.memory_space<semaphore_mem>>)
          "tpu.trace_stop"() : () -> ()
        } else {
        }
        %and3A_185 = arith.constant true
        %and3A_186 = arith.andi %and3A, %and3A_185 : i1
        %add3A_187 = arith.constant 1 : i32
        %add3A_188 = arith.addi %scan3A_142, %add3A_187 : i32
        %select_n3A_189 = arith.select %and3A_186, %add3A_188, %scan3A_142 : i32
        %ne3A_190 = arith.cmpi ne, %add3A_151, %add3A_169 : i32
        %or3A_191 = arith.constant false
        %or3A_192 = arith.ori %or3A_191, %ne3A_190 : i1
        %or3A_193 = arith.constant false
        %or3A_194 = arith.ori %or3A_192, %or3A_193 : i1
        %ge3A_195 = arith.constant 15 : i32
        %ge3A_196 = arith.cmpi sge, %scan3A_141, %ge3A_195 : i32
        %not3A_197 = arith.constant true
        %not3A_198 = arith.xori %ge3A_196, %not3A_197 : i1
        %and3A_199 = arith.andi %or3A_194, %not3A_198 : i1
        %ne3A_200 = arith.cmpi ne, %add3A_151, %add3A_160 : i32
        %or3A_201 = arith.constant false
        %or3A_202 = arith.ori %or3A_201, %ne3A_200 : i1
        %or3A_203 = arith.constant false
        %or3A_204 = arith.ori %or3A_202, %or3A_203 : i1
        %or3A_205 = arith.ori %or3A_204, %eq3A_148 : i1
        %convert_element_type3A_206 = arith.extui %or3A_205 : i1 to i32
        %cond3A_207 = arith.constant 0 : i32
        %cond3A_208 = arith.cmpi ne, %convert_element_type3A_206, %cond3A_207 : i32
        scf.if %cond3A_208 {
          "tpu.trace_start"() <{level = 10 : i32, message = "ep_wait_in"}> : () -> ()
          %mul3A_295 = arith.constant 32 : i32
          %mul3A_296 = arith.muli %mul3A_295, %add3A_151 : i32
          %rem3A_297 = arith.constant 2 : i32
          %rem3A_298 = arith.remui %scan3A_143, %rem3A_297 : i32
          %dma_wait3A_299 = arith.constant 0 : i32
          %dma_wait3A_300 = arith.constant 0 : i32
          %dma_wait3A_301 = tpu.memref_slice %run_scoped3A[%rem3A_298, %dma_wait3A_299, %dma_wait3A_300] : memref<2x32x100xi32, #tpu.memory_space<vmem>> -> memref<1x32x100xi32, #tpu.memory_space<vmem>>
          %dma_wait3A_302 = tpu.memref_squeeze %dma_wait3A_301 : memref<1x32x100xi32, #tpu.memory_space<vmem>> -> memref<32x100xi32, #tpu.memory_space<vmem>>
          %dma_wait3A_303 = arith.constant 0 : i32
          %dma_wait3A_304 = tpu.memref_slice %arg3[%mul3A_296, %dma_wait3A_303] : memref<16384x100xi32, #tpu.memory_space<hbm>> -> memref<32x100xi32, #tpu.memory_space<hbm>>
          %dma_wait3A_305 = tpu.memref_slice %run_scoped3A_27[%rem3A_298] : memref<2x!tpu.dma_semaphore, #tpu.memory_space<semaphore_mem>> -> memref<1x!tpu.dma_semaphore, #tpu.memory_space<semaphore_mem>>
          %dma_wait3A_306 = tpu.memref_squeeze %dma_wait3A_305 : memref<1x!tpu.dma_semaphore, #tpu.memory_space<semaphore_mem>> -> memref<!tpu.dma_semaphore, #tpu.memory_space<semaphore_mem>>
          %dma_wait3A_307 = arith.constant 0 : i32
          %dma_wait3A_308 = arith.constant 0 : i32
          %dma_wait3A_309 = tpu.memref_slice %run_scoped3A[%rem3A_298, %dma_wait3A_307, %dma_wait3A_308] : memref<2x32x100xi32, #tpu.memory_space<vmem>> -> memref<1x32x100xi32, #tpu.memory_space<vmem>>
          %dma_wait3A_310 = tpu.memref_squeeze %dma_wait3A_309 : memref<1x32x100xi32, #tpu.memory_space<vmem>> -> memref<32x100xi32, #tpu.memory_space<vmem>>
          %dma_wait3A_311 = arith.constant 0 : i32
          %dma_wait3A_312 = tpu.memref_slice %arg3[%mul3A_296, %dma_wait3A_311] : memref<16384x100xi32, #tpu.memory_space<hbm>> -> memref<32x100xi32, #tpu.memory_space<hbm>>
          tpu.wait_dma2 semaphore(%dma_wait3A_306 : memref<!tpu.dma_semaphore, #tpu.memory_space<semaphore_mem>>) src(%dma_wait3A_312 : memref<32x100xi32, #tpu.memory_space<hbm>>) dst(%dma_wait3A_310 : memref<32x100xi32, #tpu.memory_space<vmem>>)
          "tpu.trace_stop"() : () -> ()
        } else {
        }
        %ne3A_209 = arith.cmpi ne, %add3A_151, %add3A_160 : i32
        %or3A_210 = arith.constant false
        %or3A_211 = arith.ori %or3A_210, %ne3A_209 : i1
        %or3A_212 = arith.constant false
        %or3A_213 = arith.ori %or3A_211, %or3A_212 : i1
        %or3A_214 = arith.ori %or3A_213, %eq3A_148 : i1
        %convert_element_type3A_215 = arith.extui %or3A_214 : i1 to i32
        %cond3A_216 = arith.constant 0 : i32
        %cond3A_217 = arith.cmpi ne, %convert_element_type3A_215, %cond3A_216 : i32
        scf.if %cond3A_217 {
        } else {
        }
        %rem3A_218 = arith.constant 2 : i32
        %rem3A_219 = arith.remui %scan3A_143, %rem3A_218 : i32
        %rem3A_220 = arith.constant 2 : i32
        %rem3A_221 = arith.remui %scan3A_144, %rem3A_220 : i32
        %parallel_loop3A = arith.constant 0 : i32
        %parallel_loop3A_222 = arith.constant 32 : i32
        %parallel_loop3A_223 = arith.constant 1 : i32
        "tpu.trace_start"() <{level = 10 : i32, message = "ep_run_kernel"}> : () -> ()
        scf.for %parallel_loop3A_295 = %parallel_loop3A to %parallel_loop3A_222 step %parallel_loop3A_223  : i32 {
          %parallel_loop3A_296 = vector.broadcast %parallel_loop3A_295 : i32 to vector<16xi32>
          %parallel_loop3A_297 = arith.constant 0 : i32
          %parallel_loop3A_298 = vector.broadcast %parallel_loop3A_297 : i32 to vector<16xi32>
          %parallel_loop3A_299 = arith.addi %iota3A, %parallel_loop3A_298 : vector<16xi32>
          %parallel_loop3A_300 = arith.constant 0 : i32
          %parallel_loop3A_301 = arith.constant 0 : i32
          %parallel_loop3A_302 = tpu.memref_slice %run_scoped3A[%rem3A_219, %parallel_loop3A_300, %parallel_loop3A_301] : memref<2x32x100xi32, #tpu.memory_space<vmem>> -> memref<1x32x100xi32, #tpu.memory_space<vmem>>
          %parallel_loop3A_303 = tpu.memref_squeeze %parallel_loop3A_302 : memref<1x32x100xi32, #tpu.memory_space<vmem>> -> memref<32x100xi32, #tpu.memory_space<vmem>>
          %parallel_loop3A_304 = tpu.vector_load_idx %parallel_loop3A_303[%parallel_loop3A_296, %parallel_loop3A_299] : memref<32x100xi32, #tpu.memory_space<vmem>>[vector<16xi32>, vector<16xi32>], vector<16xi32>,
          %parallel_loop3A_305 = tpu.vector_load_idx %arg5[%broadcast_in_dim3A_2, %parallel_loop3A_304] : memref<9x256xf32, #tpu.memory_space<vmem>>[vector<16xi32>, vector<16xi32>], vector<16xf32>,
          %parallel_loop3A_306 = tpu.vector_load_idx %arg5[%broadcast_in_dim3A_4, %parallel_loop3A_304] : memref<9x256xf32, #tpu.memory_space<vmem>>[vector<16xi32>, vector<16xi32>], vector<16xf32>,
          %parallel_loop3A_307 = tpu.vector_load_idx %arg5[%broadcast_in_dim3A_6, %parallel_loop3A_304] : memref<9x256xf32, #tpu.memory_space<vmem>>[vector<16xi32>, vector<16xi32>], vector<16xf32>,
          %parallel_loop3A_308 = tpu.vector_load_idx %arg5[%broadcast_in_dim3A_8, %parallel_loop3A_304] : memref<9x256xf32, #tpu.memory_space<vmem>>[vector<16xi32>, vector<16xi32>], vector<16xf32>,
          %parallel_loop3A_309 = tpu.vector_load_idx %arg5[%broadcast_in_dim3A_10, %parallel_loop3A_304] : memref<9x256xf32, #tpu.memory_space<vmem>>[vector<16xi32>, vector<16xi32>], vector<16xf32>,
          %parallel_loop3A_310 = tpu.vector_load_idx %arg5[%broadcast_in_dim3A_12, %parallel_loop3A_304] : memref<9x256xf32, #tpu.memory_space<vmem>>[vector<16xi32>, vector<16xi32>], vector<16xf32>,
          %parallel_loop3A_311 = tpu.vector_load_idx %arg5[%broadcast_in_dim3A_14, %parallel_loop3A_304] : memref<9x256xf32, #tpu.memory_space<vmem>>[vector<16xi32>, vector<16xi32>], vector<16xf32>,
          %parallel_loop3A_312 = tpu.vector_load_idx %arg5[%broadcast_in_dim3A_16, %parallel_loop3A_304] : memref<9x256xf32, #tpu.memory_space<vmem>>[vector<16xi32>, vector<16xi32>], vector<16xf32>,
          %parallel_loop3A_313 = tpu.vector_load_idx %arg5[%broadcast_in_dim3A_18, %parallel_loop3A_304] : memref<9x256xf32, #tpu.memory_space<vmem>>[vector<16xi32>, vector<16xi32>], vector<16xf32>,
          %parallel_loop3A_314 = arith.constant 0 : i32
          %parallel_loop3A_315 = vector.broadcast %parallel_loop3A_314 : i32 to vector<16xi32>
          %parallel_loop3A_316 = arith.addi %mul3A_1, %parallel_loop3A_315 : vector<16xi32>
          %parallel_loop3A_317 = arith.constant 0 : i32
          %parallel_loop3A_318 = arith.constant 0 : i32
          %parallel_loop3A_319 = tpu.memref_slice %run_scoped3A_28[%rem3A_221, %parallel_loop3A_317, %parallel_loop3A_318] : memref<2x32x900xf32, #tpu.memory_space<vmem>> -> memref<1x32x900xf32, #tpu.memory_space<vmem>>
          %parallel_loop3A_320 = tpu.memref_squeeze %parallel_loop3A_319 : memref<1x32x900xf32, #tpu.memory_space<vmem>> -> memref<32x900xf32, #tpu.memory_space<vmem>>
          tpu.vector_store_idx %parallel_loop3A_320[%parallel_loop3A_296, %parallel_loop3A_316], %parallel_loop3A_305 : memref<32x900xf32, #tpu.memory_space<vmem>>[vector<16xi32>, vector<16xi32>], vector<16xf32>,
          %parallel_loop3A_321 = arith.constant 1 : i32
          %parallel_loop3A_322 = vector.broadcast %parallel_loop3A_321 : i32 to vector<16xi32>
          %parallel_loop3A_323 = arith.addi %mul3A_1, %parallel_loop3A_322 : vector<16xi32>
          %parallel_loop3A_324 = arith.constant 0 : i32
          %parallel_loop3A_325 = arith.constant 0 : i32
          %parallel_loop3A_326 = tpu.memref_slice %run_scoped3A_28[%rem3A_221, %parallel_loop3A_324, %parallel_loop3A_325] : memref<2x32x900xf32, #tpu.memory_space<vmem>> -> memref<1x32x900xf32, #tpu.memory_space<vmem>>
          %parallel_loop3A_327 = tpu.memref_squeeze %parallel_loop3A_326 : memref<1x32x900xf32, #tpu.memory_space<vmem>> -> memref<32x900xf32, #tpu.memory_space<vmem>>
          tpu.vector_store_idx %parallel_loop3A_327[%parallel_loop3A_296, %parallel_loop3A_323], %parallel_loop3A_306 : memref<32x900xf32, #tpu.memory_space<vmem>>[vector<16xi32>, vector<16xi32>], vector<16xf32>,
          %parallel_loop3A_328 = arith.constant 2 : i32
          %parallel_loop3A_329 = vector.broadcast %parallel_loop3A_328 : i32 to vector<16xi32>
          %parallel_loop3A_330 = arith.addi %mul3A_1, %parallel_loop3A_329 : vector<16xi32>
          %parallel_loop3A_331 = arith.constant 0 : i32
          %parallel_loop3A_332 = arith.constant 0 : i32
          %parallel_loop3A_333 = tpu.memref_slice %run_scoped3A_28[%rem3A_221, %parallel_loop3A_331, %parallel_loop3A_332] : memref<2x32x900xf32, #tpu.memory_space<vmem>> -> memref<1x32x900xf32, #tpu.memory_space<vmem>>
          %parallel_loop3A_334 = tpu.memref_squeeze %parallel_loop3A_333 : memref<1x32x900xf32, #tpu.memory_space<vmem>> -> memref<32x900xf32, #tpu.memory_space<vmem>>
          tpu.vector_store_idx %parallel_loop3A_334[%parallel_loop3A_296, %parallel_loop3A_330], %parallel_loop3A_307 : memref<32x900xf32, #tpu.memory_space<vmem>>[vector<16xi32>, vector<16xi32>], vector<16xf32>,
          %parallel_loop3A_335 = arith.constant 3 : i32
          %parallel_loop3A_336 = vector.broadcast %parallel_loop3A_335 : i32 to vector<16xi32>
          %parallel_loop3A_337 = arith.addi %mul3A_1, %parallel_loop3A_336 : vector<16xi32>
          %parallel_loop3A_338 = arith.constant 0 : i32
          %parallel_loop3A_339 = arith.constant 0 : i32
          %parallel_loop3A_340 = tpu.memref_slice %run_scoped3A_28[%rem3A_221, %parallel_loop3A_338, %parallel_loop3A_339] : memref<2x32x900xf32, #tpu.memory_space<vmem>> -> memref<1x32x900xf32, #tpu.memory_space<vmem>>
          %parallel_loop3A_341 = tpu.memref_squeeze %parallel_loop3A_340 : memref<1x32x900xf32, #tpu.memory_space<vmem>> -> memref<32x900xf32, #tpu.memory_space<vmem>>
          tpu.vector_store_idx %parallel_loop3A_341[%parallel_loop3A_296, %parallel_loop3A_337], %parallel_loop3A_308 : memref<32x900xf32, #tpu.memory_space<vmem>>[vector<16xi32>, vector<16xi32>], vector<16xf32>,
          %parallel_loop3A_342 = arith.constant 4 : i32
          %parallel_loop3A_343 = vector.broadcast %parallel_loop3A_342 : i32 to vector<16xi32>
          %parallel_loop3A_344 = arith.addi %mul3A_1, %parallel_loop3A_343 : vector<16xi32>
          %parallel_loop3A_345 = arith.constant 0 : i32
          %parallel_loop3A_346 = arith.constant 0 : i32
          %parallel_loop3A_347 = tpu.memref_slice %run_scoped3A_28[%rem3A_221, %parallel_loop3A_345, %parallel_loop3A_346] : memref<2x32x900xf32, #tpu.memory_space<vmem>> -> memref<1x32x900xf32, #tpu.memory_space<vmem>>
          %parallel_loop3A_348 = tpu.memref_squeeze %parallel_loop3A_347 : memref<1x32x900xf32, #tpu.memory_space<vmem>> -> memref<32x900xf32, #tpu.memory_space<vmem>>
          tpu.vector_store_idx %parallel_loop3A_348[%parallel_loop3A_296, %parallel_loop3A_344], %parallel_loop3A_309 : memref<32x900xf32, #tpu.memory_space<vmem>>[vector<16xi32>, vector<16xi32>], vector<16xf32>,
          %parallel_loop3A_349 = arith.constant 5 : i32
          %parallel_loop3A_350 = vector.broadcast %parallel_loop3A_349 : i32 to vector<16xi32>
          %parallel_loop3A_351 = arith.addi %mul3A_1, %parallel_loop3A_350 : vector<16xi32>
          %parallel_loop3A_352 = arith.constant 0 : i32
          %parallel_loop3A_353 = arith.constant 0 : i32
          %parallel_loop3A_354 = tpu.memref_slice %run_scoped3A_28[%rem3A_221, %parallel_loop3A_352, %parallel_loop3A_353] : memref<2x32x900xf32, #tpu.memory_space<vmem>> -> memref<1x32x900xf32, #tpu.memory_space<vmem>>
          %parallel_loop3A_355 = tpu.memref_squeeze %parallel_loop3A_354 : memref<1x32x900xf32, #tpu.memory_space<vmem>> -> memref<32x900xf32, #tpu.memory_space<vmem>>
          tpu.vector_store_idx %parallel_loop3A_355[%parallel_loop3A_296, %parallel_loop3A_351], %parallel_loop3A_310 : memref<32x900xf32, #tpu.memory_space<vmem>>[vector<16xi32>, vector<16xi32>], vector<16xf32>,
          %parallel_loop3A_356 = arith.constant 6 : i32
          %parallel_loop3A_357 = vector.broadcast %parallel_loop3A_356 : i32 to vector<16xi32>
          %parallel_loop3A_358 = arith.addi %mul3A_1, %parallel_loop3A_357 : vector<16xi32>
          %parallel_loop3A_359 = arith.constant 0 : i32
          %parallel_loop3A_360 = arith.constant 0 : i32
          %parallel_loop3A_361 = tpu.memref_slice %run_scoped3A_28[%rem3A_221, %parallel_loop3A_359, %parallel_loop3A_360] : memref<2x32x900xf32, #tpu.memory_space<vmem>> -> memref<1x32x900xf32, #tpu.memory_space<vmem>>
          %parallel_loop3A_362 = tpu.memref_squeeze %parallel_loop3A_361 : memref<1x32x900xf32, #tpu.memory_space<vmem>> -> memref<32x900xf32, #tpu.memory_space<vmem>>
          tpu.vector_store_idx %parallel_loop3A_362[%parallel_loop3A_296, %parallel_loop3A_358], %parallel_loop3A_311 : memref<32x900xf32, #tpu.memory_space<vmem>>[vector<16xi32>, vector<16xi32>], vector<16xf32>,
          %parallel_loop3A_363 = arith.constant 7 : i32
          %parallel_loop3A_364 = vector.broadcast %parallel_loop3A_363 : i32 to vector<16xi32>
          %parallel_loop3A_365 = arith.addi %mul3A_1, %parallel_loop3A_364 : vector<16xi32>
          %parallel_loop3A_366 = arith.constant 0 : i32
          %parallel_loop3A_367 = arith.constant 0 : i32
          %parallel_loop3A_368 = tpu.memref_slice %run_scoped3A_28[%rem3A_221, %parallel_loop3A_366, %parallel_loop3A_367] : memref<2x32x900xf32, #tpu.memory_space<vmem>> -> memref<1x32x900xf32, #tpu.memory_space<vmem>>
          %parallel_loop3A_369 = tpu.memref_squeeze %parallel_loop3A_368 : memref<1x32x900xf32, #tpu.memory_space<vmem>> -> memref<32x900xf32, #tpu.memory_space<vmem>>
          tpu.vector_store_idx %parallel_loop3A_369[%parallel_loop3A_296, %parallel_loop3A_365], %parallel_loop3A_312 : memref<32x900xf32, #tpu.memory_space<vmem>>[vector<16xi32>, vector<16xi32>], vector<16xf32>,
          %parallel_loop3A_370 = arith.constant 8 : i32
          %parallel_loop3A_371 = vector.broadcast %parallel_loop3A_370 : i32 to vector<16xi32>
          %parallel_loop3A_372 = arith.addi %mul3A_1, %parallel_loop3A_371 : vector<16xi32>
          %parallel_loop3A_373 = arith.constant 0 : i32
          %parallel_loop3A_374 = arith.constant 0 : i32
          %parallel_loop3A_375 = tpu.memref_slice %run_scoped3A_28[%rem3A_221, %parallel_loop3A_373, %parallel_loop3A_374] : memref<2x32x900xf32, #tpu.memory_space<vmem>> -> memref<1x32x900xf32, #tpu.memory_space<vmem>>
          %parallel_loop3A_376 = tpu.memref_squeeze %parallel_loop3A_375 : memref<1x32x900xf32, #tpu.memory_space<vmem>> -> memref<32x900xf32, #tpu.memory_space<vmem>>
          tpu.vector_store_idx %parallel_loop3A_376[%parallel_loop3A_296, %parallel_loop3A_372], %parallel_loop3A_313 : memref<32x900xf32, #tpu.memory_space<vmem>>[vector<16xi32>, vector<16xi32>], vector<16xf32>,
          %parallel_loop3A_377 = arith.constant 16 : i32
          %parallel_loop3A_378 = vector.broadcast %parallel_loop3A_377 : i32 to vector<16xi32>
          %parallel_loop3A_379 = arith.addi %iota3A, %parallel_loop3A_378 : vector<16xi32>
          %parallel_loop3A_380 = arith.constant 0 : i32
          %parallel_loop3A_381 = arith.constant 0 : i32
          %parallel_loop3A_382 = tpu.memref_slice %run_scoped3A[%rem3A_219, %parallel_loop3A_380, %parallel_loop3A_381] : memref<2x32x100xi32, #tpu.memory_space<vmem>> -> memref<1x32x100xi32, #tpu.memory_space<vmem>>
          %parallel_loop3A_383 = tpu.memref_squeeze %parallel_loop3A_382 : memref<1x32x100xi32, #tpu.memory_space<vmem>> -> memref<32x100xi32, #tpu.memory_space<vmem>>
          %parallel_loop3A_384 = tpu.vector_load_idx %parallel_loop3A_383[%parallel_loop3A_296, %parallel_loop3A_379] : memref<32x100xi32, #tpu.memory_space<vmem>>[vector<16xi32>, vector<16xi32>], vector<16xi32>,
          %parallel_loop3A_385 = tpu.vector_load_idx %arg5[%broadcast_in_dim3A_2, %parallel_loop3A_384] : memref<9x256xf32, #tpu.memory_space<vmem>>[vector<16xi32>, vector<16xi32>], vector<16xf32>,
          %parallel_loop3A_386 = tpu.vector_load_idx %arg5[%broadcast_in_dim3A_4, %parallel_loop3A_384] : memref<9x256xf32, #tpu.memory_space<vmem>>[vector<16xi32>, vector<16xi32>], vector<16xf32>,
          %parallel_loop3A_387 = tpu.vector_load_idx %arg5[%broadcast_in_dim3A_6, %parallel_loop3A_384] : memref<9x256xf32, #tpu.memory_space<vmem>>[vector<16xi32>, vector<16xi32>], vector<16xf32>,
          %parallel_loop3A_388 = tpu.vector_load_idx %arg5[%broadcast_in_dim3A_8, %parallel_loop3A_384] : memref<9x256xf32, #tpu.memory_space<vmem>>[vector<16xi32>, vector<16xi32>], vector<16xf32>,
          %parallel_loop3A_389 = tpu.vector_load_idx %arg5[%broadcast_in_dim3A_10, %parallel_loop3A_384] : memref<9x256xf32, #tpu.memory_space<vmem>>[vector<16xi32>, vector<16xi32>], vector<16xf32>,
          %parallel_loop3A_390 = tpu.vector_load_idx %arg5[%broadcast_in_dim3A_12, %parallel_loop3A_384] : memref<9x256xf32, #tpu.memory_space<vmem>>[vector<16xi32>, vector<16xi32>], vector<16xf32>,
          %parallel_loop3A_391 = tpu.vector_load_idx %arg5[%broadcast_in_dim3A_14, %parallel_loop3A_384] : memref<9x256xf32, #tpu.memory_space<vmem>>[vector<16xi32>, vector<16xi32>], vector<16xf32>,
          %parallel_loop3A_392 = tpu.vector_load_idx %arg5[%broadcast_in_dim3A_16, %parallel_loop3A_384] : memref<9x256xf32, #tpu.memory_space<vmem>>[vector<16xi32>, vector<16xi32>], vector<16xf32>,
          %parallel_loop3A_393 = tpu.vector_load_idx %arg5[%broadcast_in_dim3A_18, %parallel_loop3A_384] : memref<9x256xf32, #tpu.memory_space<vmem>>[vector<16xi32>, vector<16xi32>], vector<16xf32>,
          %parallel_loop3A_394 = arith.constant 144 : i32
          %parallel_loop3A_395 = vector.broadcast %parallel_loop3A_394 : i32 to vector<16xi32>
          %parallel_loop3A_396 = arith.addi %mul3A_1, %parallel_loop3A_395 : vector<16xi32>
          %parallel_loop3A_397 = arith.constant 0 : i32
          %parallel_loop3A_398 = arith.constant 0 : i32
          %parallel_loop3A_399 = tpu.memref_slice %run_scoped3A_28[%rem3A_221, %parallel_loop3A_397, %parallel_loop3A_398] : memref<2x32x900xf32, #tpu.memory_space<vmem>> -> memref<1x32x900xf32, #tpu.memory_space<vmem>>
          %parallel_loop3A_400 = tpu.memref_squeeze %parallel_loop3A_399 : memref<1x32x900xf32, #tpu.memory_space<vmem>> -> memref<32x900xf32, #tpu.memory_space<vmem>>
          tpu.vector_store_idx %parallel_loop3A_400[%parallel_loop3A_296, %parallel_loop3A_396], %parallel_loop3A_385 : memref<32x900xf32, #tpu.memory_space<vmem>>[vector<16xi32>, vector<16xi32>], vector<16xf32>,
          %parallel_loop3A_401 = arith.constant 145 : i32
          %parallel_loop3A_402 = vector.broadcast %parallel_loop3A_401 : i32 to vector<16xi32>
          %parallel_loop3A_403 = arith.addi %mul3A_1, %parallel_loop3A_402 : vector<16xi32>
          %parallel_loop3A_404 = arith.constant 0 : i32
          %parallel_loop3A_405 = arith.constant 0 : i32
          %parallel_loop3A_406 = tpu.memref_slice %run_scoped3A_28[%rem3A_221, %parallel_loop3A_404, %parallel_loop3A_405] : memref<2x32x900xf32, #tpu.memory_space<vmem>> -> memref<1x32x900xf32, #tpu.memory_space<vmem>>
          %parallel_loop3A_407 = tpu.memref_squeeze %parallel_loop3A_406 : memref<1x32x900xf32, #tpu.memory_space<vmem>> -> memref<32x900xf32, #tpu.memory_space<vmem>>
          tpu.vector_store_idx %parallel_loop3A_407[%parallel_loop3A_296, %parallel_loop3A_403], %parallel_loop3A_386 : memref<32x900xf32, #tpu.memory_space<vmem>>[vector<16xi32>, vector<16xi32>], vector<16xf32>,
          %parallel_loop3A_408 = arith.constant 146 : i32
          %parallel_loop3A_409 = vector.broadcast %parallel_loop3A_408 : i32 to vector<16xi32>
          %parallel_loop3A_410 = arith.addi %mul3A_1, %parallel_loop3A_409 : vector<16xi32>
          %parallel_loop3A_411 = arith.constant 0 : i32
          %parallel_loop3A_412 = arith.constant 0 : i32
          %parallel_loop3A_413 = tpu.memref_slice %run_scoped3A_28[%rem3A_221, %parallel_loop3A_411, %parallel_loop3A_412] : memref<2x32x900xf32, #tpu.memory_space<vmem>> -> memref<1x32x900xf32, #tpu.memory_space<vmem>>
          %parallel_loop3A_414 = tpu.memref_squeeze %parallel_loop3A_413 : memref<1x32x900xf32, #tpu.memory_space<vmem>> -> memref<32x900xf32, #tpu.memory_space<vmem>>
          tpu.vector_store_idx %parallel_loop3A_414[%parallel_loop3A_296, %parallel_loop3A_410], %parallel_loop3A_387 : memref<32x900xf32, #tpu.memory_space<vmem>>[vector<16xi32>, vector<16xi32>], vector<16xf32>,
          %parallel_loop3A_415 = arith.constant 147 : i32
          %parallel_loop3A_416 = vector.broadcast %parallel_loop3A_415 : i32 to vector<16xi32>
          %parallel_loop3A_417 = arith.addi %mul3A_1, %parallel_loop3A_416 : vector<16xi32>
          %parallel_loop3A_418 = arith.constant 0 : i32
          %parallel_loop3A_419 = arith.constant 0 : i32
          %parallel_loop3A_420 = tpu.memref_slice %run_scoped3A_28[%rem3A_221, %parallel_loop3A_418, %parallel_loop3A_419] : memref<2x32x900xf32, #tpu.memory_space<vmem>> -> memref<1x32x900xf32, #tpu.memory_space<vmem>>
          %parallel_loop3A_421 = tpu.memref_squeeze %parallel_loop3A_420 : memref<1x32x900xf32, #tpu.memory_space<vmem>> -> memref<32x900xf32, #tpu.memory_space<vmem>>
          tpu.vector_store_idx %parallel_loop3A_421[%parallel_loop3A_296, %parallel_loop3A_417], %parallel_loop3A_388 : memref<32x900xf32, #tpu.memory_space<vmem>>[vector<16xi32>, vector<16xi32>], vector<16xf32>,
          %parallel_loop3A_422 = arith.constant 148 : i32
          %parallel_loop3A_423 = vector.broadcast %parallel_loop3A_422 : i32 to vector<16xi32>
          %parallel_loop3A_424 = arith.addi %mul3A_1, %parallel_loop3A_423 : vector<16xi32>
          %parallel_loop3A_425 = arith.constant 0 : i32
          %parallel_loop3A_426 = arith.constant 0 : i32
          %parallel_loop3A_427 = tpu.memref_slice %run_scoped3A_28[%rem3A_221, %parallel_loop3A_425, %parallel_loop3A_426] : memref<2x32x900xf32, #tpu.memory_space<vmem>> -> memref<1x32x900xf32, #tpu.memory_space<vmem>>
          %parallel_loop3A_428 = tpu.memref_squeeze %parallel_loop3A_427 : memref<1x32x900xf32, #tpu.memory_space<vmem>> -> memref<32x900xf32, #tpu.memory_space<vmem>>
          tpu.vector_store_idx %parallel_loop3A_428[%parallel_loop3A_296, %parallel_loop3A_424], %parallel_loop3A_389 : memref<32x900xf32, #tpu.memory_space<vmem>>[vector<16xi32>, vector<16xi32>], vector<16xf32>,
          %parallel_loop3A_429 = arith.constant 149 : i32
          %parallel_loop3A_430 = vector.broadcast %parallel_loop3A_429 : i32 to vector<16xi32>
          %parallel_loop3A_431 = arith.addi %mul3A_1, %parallel_loop3A_430 : vector<16xi32>
          %parallel_loop3A_432 = arith.constant 0 : i32
          %parallel_loop3A_433 = arith.constant 0 : i32
          %parallel_loop3A_434 = tpu.memref_slice %run_scoped3A_28[%rem3A_221, %parallel_loop3A_432, %parallel_loop3A_433] : memref<2x32x900xf32, #tpu.memory_space<vmem>> -> memref<1x32x900xf32, #tpu.memory_space<vmem>>
          %parallel_loop3A_435 = tpu.memref_squeeze %parallel_loop3A_434 : memref<1x32x900xf32, #tpu.memory_space<vmem>> -> memref<32x900xf32, #tpu.memory_space<vmem>>
          tpu.vector_store_idx %parallel_loop3A_435[%parallel_loop3A_296, %parallel_loop3A_431], %parallel_loop3A_390 : memref<32x900xf32, #tpu.memory_space<vmem>>[vector<16xi32>, vector<16xi32>], vector<16xf32>,
          %parallel_loop3A_436 = arith.constant 150 : i32
          %parallel_loop3A_437 = vector.broadcast %parallel_loop3A_436 : i32 to vector<16xi32>
          %parallel_loop3A_438 = arith.addi %mul3A_1, %parallel_loop3A_437 : vector<16xi32>
          %parallel_loop3A_439 = arith.constant 0 : i32
          %parallel_loop3A_440 = arith.constant 0 : i32
          %parallel_loop3A_441 = tpu.memref_slice %run_scoped3A_28[%rem3A_221, %parallel_loop3A_439, %parallel_loop3A_440] : memref<2x32x900xf32, #tpu.memory_space<vmem>> -> memref<1x32x900xf32, #tpu.memory_space<vmem>>
          %parallel_loop3A_442 = tpu.memref_squeeze %parallel_loop3A_441 : memref<1x32x900xf32, #tpu.memory_space<vmem>> -> memref<32x900xf32, #tpu.memory_space<vmem>>
          tpu.vector_store_idx %parallel_loop3A_442[%parallel_loop3A_296, %parallel_loop3A_438], %parallel_loop3A_391 : memref<32x900xf32, #tpu.memory_space<vmem>>[vector<16xi32>, vector<16xi32>], vector<16xf32>,
          %parallel_loop3A_443 = arith.constant 151 : i32
          %parallel_loop3A_444 = vector.broadcast %parallel_loop3A_443 : i32 to vector<16xi32>
          %parallel_loop3A_445 = arith.addi %mul3A_1, %parallel_loop3A_444 : vector<16xi32>
          %parallel_loop3A_446 = arith.constant 0 : i32
          %parallel_loop3A_447 = arith.constant 0 : i32
          %parallel_loop3A_448 = tpu.memref_slice %run_scoped3A_28[%rem3A_221, %parallel_loop3A_446, %parallel_loop3A_447] : memref<2x32x900xf32, #tpu.memory_space<vmem>> -> memref<1x32x900xf32, #tpu.memory_space<vmem>>
          %parallel_loop3A_449 = tpu.memref_squeeze %parallel_loop3A_448 : memref<1x32x900xf32, #tpu.memory_space<vmem>> -> memref<32x900xf32, #tpu.memory_space<vmem>>
          tpu.vector_store_idx %parallel_loop3A_449[%parallel_loop3A_296, %parallel_loop3A_445], %parallel_loop3A_392 : memref<32x900xf32, #tpu.memory_space<vmem>>[vector<16xi32>, vector<16xi32>], vector<16xf32>,
          %parallel_loop3A_450 = arith.constant 152 : i32
          %parallel_loop3A_451 = vector.broadcast %parallel_loop3A_450 : i32 to vector<16xi32>
          %parallel_loop3A_452 = arith.addi %mul3A_1, %parallel_loop3A_451 : vector<16xi32>
          %parallel_loop3A_453 = arith.constant 0 : i32
          %parallel_loop3A_454 = arith.constant 0 : i32
          %parallel_loop3A_455 = tpu.memref_slice %run_scoped3A_28[%rem3A_221, %parallel_loop3A_453, %parallel_loop3A_454] : memref<2x32x900xf32, #tpu.memory_space<vmem>> -> memref<1x32x900xf32, #tpu.memory_space<vmem>>
          %parallel_loop3A_456 = tpu.memref_squeeze %parallel_loop3A_455 : memref<1x32x900xf32, #tpu.memory_space<vmem>> -> memref<32x900xf32, #tpu.memory_space<vmem>>
          tpu.vector_store_idx %parallel_loop3A_456[%parallel_loop3A_296, %parallel_loop3A_452], %parallel_loop3A_393 : memref<32x900xf32, #tpu.memory_space<vmem>>[vector<16xi32>, vector<16xi32>], vector<16xf32>,
          %parallel_loop3A_457 = arith.constant 32 : i32
          %parallel_loop3A_458 = vector.broadcast %parallel_loop3A_457 : i32 to vector<16xi32>
          %parallel_loop3A_459 = arith.addi %iota3A, %parallel_loop3A_458 : vector<16xi32>
          %parallel_loop3A_460 = arith.constant 0 : i32
          %parallel_loop3A_461 = arith.constant 0 : i32
          %parallel_loop3A_462 = tpu.memref_slice %run_scoped3A[%rem3A_219, %parallel_loop3A_460, %parallel_loop3A_461] : memref<2x32x100xi32, #tpu.memory_space<vmem>> -> memref<1x32x100xi32, #tpu.memory_space<vmem>>
          %parallel_loop3A_463 = tpu.memref_squeeze %parallel_loop3A_462 : memref<1x32x100xi32, #tpu.memory_space<vmem>> -> memref<32x100xi32, #tpu.memory_space<vmem>>
          %parallel_loop3A_464 = tpu.vector_load_idx %parallel_loop3A_463[%parallel_loop3A_296, %parallel_loop3A_459] : memref<32x100xi32, #tpu.memory_space<vmem>>[vector<16xi32>, vector<16xi32>], vector<16xi32>,
          %parallel_loop3A_465 = tpu.vector_load_idx %arg5[%broadcast_in_dim3A_2, %parallel_loop3A_464] : memref<9x256xf32, #tpu.memory_space<vmem>>[vector<16xi32>, vector<16xi32>], vector<16xf32>,
          %parallel_loop3A_466 = tpu.vector_load_idx %arg5[%broadcast_in_dim3A_4, %parallel_loop3A_464] : memref<9x256xf32, #tpu.memory_space<vmem>>[vector<16xi32>, vector<16xi32>], vector<16xf32>,
          %parallel_loop3A_467 = tpu.vector_load_idx %arg5[%broadcast_in_dim3A_6, %parallel_loop3A_464] : memref<9x256xf32, #tpu.memory_space<vmem>>[vector<16xi32>, vector<16xi32>], vector<16xf32>,
          %parallel_loop3A_468 = tpu.vector_load_idx %arg5[%broadcast_in_dim3A_8, %parallel_loop3A_464] : memref<9x256xf32, #tpu.memory_space<vmem>>[vector<16xi32>, vector<16xi32>], vector<16xf32>,
          %parallel_loop3A_469 = tpu.vector_load_idx %arg5[%broadcast_in_dim3A_10, %parallel_loop3A_464] : memref<9x256xf32, #tpu.memory_space<vmem>>[vector<16xi32>, vector<16xi32>], vector<16xf32>,
          %parallel_loop3A_470 = tpu.vector_load_idx %arg5[%broadcast_in_dim3A_12, %parallel_loop3A_464] : memref<9x256xf32, #tpu.memory_space<vmem>>[vector<16xi32>, vector<16xi32>], vector<16xf32>,
          %parallel_loop3A_471 = tpu.vector_load_idx %arg5[%broadcast_in_dim3A_14, %parallel_loop3A_464] : memref<9x256xf32, #tpu.memory_space<vmem>>[vector<16xi32>, vector<16xi32>], vector<16xf32>,
          %parallel_loop3A_472 = tpu.vector_load_idx %arg5[%broadcast_in_dim3A_16, %parallel_loop3A_464] : memref<9x256xf32, #tpu.memory_space<vmem>>[vector<16xi32>, vector<16xi32>], vector<16xf32>,
          %parallel_loop3A_473 = tpu.vector_load_idx %arg5[%broadcast_in_dim3A_18, %parallel_loop3A_464] : memref<9x256xf32, #tpu.memory_space<vmem>>[vector<16xi32>, vector<16xi32>], vector<16xf32>,
          %parallel_loop3A_474 = arith.constant 288 : i32
          %parallel_loop3A_475 = vector.broadcast %parallel_loop3A_474 : i32 to vector<16xi32>
          %parallel_loop3A_476 = arith.addi %mul3A_1, %parallel_loop3A_475 : vector<16xi32>
          %parallel_loop3A_477 = arith.constant 0 : i32
          %parallel_loop3A_478 = arith.constant 0 : i32
          %parallel_loop3A_479 = tpu.memref_slice %run_scoped3A_28[%rem3A_221, %parallel_loop3A_477, %parallel_loop3A_478] : memref<2x32x900xf32, #tpu.memory_space<vmem>> -> memref<1x32x900xf32, #tpu.memory_space<vmem>>
          %parallel_loop3A_480 = tpu.memref_squeeze %parallel_loop3A_479 : memref<1x32x900xf32, #tpu.memory_space<vmem>> -> memref<32x900xf32, #tpu.memory_space<vmem>>
          tpu.vector_store_idx %parallel_loop3A_480[%parallel_loop3A_296, %parallel_loop3A_476], %parallel_loop3A_465 : memref<32x900xf32, #tpu.memory_space<vmem>>[vector<16xi32>, vector<16xi32>], vector<16xf32>,
          %parallel_loop3A_481 = arith.constant 289 : i32
          %parallel_loop3A_482 = vector.broadcast %parallel_loop3A_481 : i32 to vector<16xi32>
          %parallel_loop3A_483 = arith.addi %mul3A_1, %parallel_loop3A_482 : vector<16xi32>
          %parallel_loop3A_484 = arith.constant 0 : i32
          %parallel_loop3A_485 = arith.constant 0 : i32
          %parallel_loop3A_486 = tpu.memref_slice %run_scoped3A_28[%rem3A_221, %parallel_loop3A_484, %parallel_loop3A_485] : memref<2x32x900xf32, #tpu.memory_space<vmem>> -> memref<1x32x900xf32, #tpu.memory_space<vmem>>
          %parallel_loop3A_487 = tpu.memref_squeeze %parallel_loop3A_486 : memref<1x32x900xf32, #tpu.memory_space<vmem>> -> memref<32x900xf32, #tpu.memory_space<vmem>>
          tpu.vector_store_idx %parallel_loop3A_487[%parallel_loop3A_296, %parallel_loop3A_483], %parallel_loop3A_466 : memref<32x900xf32, #tpu.memory_space<vmem>>[vector<16xi32>, vector<16xi32>], vector<16xf32>,
          %parallel_loop3A_488 = arith.constant 290 : i32
          %parallel_loop3A_489 = vector.broadcast %parallel_loop3A_488 : i32 to vector<16xi32>
          %parallel_loop3A_490 = arith.addi %mul3A_1, %parallel_loop3A_489 : vector<16xi32>
          %parallel_loop3A_491 = arith.constant 0 : i32
          %parallel_loop3A_492 = arith.constant 0 : i32
          %parallel_loop3A_493 = tpu.memref_slice %run_scoped3A_28[%rem3A_221, %parallel_loop3A_491, %parallel_loop3A_492] : memref<2x32x900xf32, #tpu.memory_space<vmem>> -> memref<1x32x900xf32, #tpu.memory_space<vmem>>
          %parallel_loop3A_494 = tpu.memref_squeeze %parallel_loop3A_493 : memref<1x32x900xf32, #tpu.memory_space<vmem>> -> memref<32x900xf32, #tpu.memory_space<vmem>>
          tpu.vector_store_idx %parallel_loop3A_494[%parallel_loop3A_296, %parallel_loop3A_490], %parallel_loop3A_467 : memref<32x900xf32, #tpu.memory_space<vmem>>[vector<16xi32>, vector<16xi32>], vector<16xf32>,
          %parallel_loop3A_495 = arith.constant 291 : i32
          %parallel_loop3A_496 = vector.broadcast %parallel_loop3A_495 : i32 to vector<16xi32>
          %parallel_loop3A_497 = arith.addi %mul3A_1, %parallel_loop3A_496 : vector<16xi32>
          %parallel_loop3A_498 = arith.constant 0 : i32
          %parallel_loop3A_499 = arith.constant 0 : i32
          %parallel_loop3A_500 = tpu.memref_slice %run_scoped3A_28[%rem3A_221, %parallel_loop3A_498, %parallel_loop3A_499] : memref<2x32x900xf32, #tpu.memory_space<vmem>> -> memref<1x32x900xf32, #tpu.memory_space<vmem>>
          %parallel_loop3A_501 = tpu.memref_squeeze %parallel_loop3A_500 : memref<1x32x900xf32, #tpu.memory_space<vmem>> -> memref<32x900xf32, #tpu.memory_space<vmem>>
          tpu.vector_store_idx %parallel_loop3A_501[%parallel_loop3A_296, %parallel_loop3A_497], %parallel_loop3A_468 : memref<32x900xf32, #tpu.memory_space<vmem>>[vector<16xi32>, vector<16xi32>], vector<16xf32>,
          %parallel_loop3A_502 = arith.constant 292 : i32
          %parallel_loop3A_503 = vector.broadcast %parallel_loop3A_502 : i32 to vector<16xi32>
          %parallel_loop3A_504 = arith.addi %mul3A_1, %parallel_loop3A_503 : vector<16xi32>
          %parallel_loop3A_505 = arith.constant 0 : i32
          %parallel_loop3A_506 = arith.constant 0 : i32
          %parallel_loop3A_507 = tpu.memref_slice %run_scoped3A_28[%rem3A_221, %parallel_loop3A_505, %parallel_loop3A_506] : memref<2x32x900xf32, #tpu.memory_space<vmem>> -> memref<1x32x900xf32, #tpu.memory_space<vmem>>
          %parallel_loop3A_508 = tpu.memref_squeeze %parallel_loop3A_507 : memref<1x32x900xf32, #tpu.memory_space<vmem>> -> memref<32x900xf32, #tpu.memory_space<vmem>>
          tpu.vector_store_idx %parallel_loop3A_508[%parallel_loop3A_296, %parallel_loop3A_504], %parallel_loop3A_469 : memref<32x900xf32, #tpu.memory_space<vmem>>[vector<16xi32>, vector<16xi32>], vector<16xf32>,
          %parallel_loop3A_509 = arith.constant 293 : i32
          %parallel_loop3A_510 = vector.broadcast %parallel_loop3A_509 : i32 to vector<16xi32>
          %parallel_loop3A_511 = arith.addi %mul3A_1, %parallel_loop3A_510 : vector<16xi32>
          %parallel_loop3A_512 = arith.constant 0 : i32
          %parallel_loop3A_513 = arith.constant 0 : i32
          %parallel_loop3A_514 = tpu.memref_slice %run_scoped3A_28[%rem3A_221, %parallel_loop3A_512, %parallel_loop3A_513] : memref<2x32x900xf32, #tpu.memory_space<vmem>> -> memref<1x32x900xf32, #tpu.memory_space<vmem>>
          %parallel_loop3A_515 = tpu.memref_squeeze %parallel_loop3A_514 : memref<1x32x900xf32, #tpu.memory_space<vmem>> -> memref<32x900xf32, #tpu.memory_space<vmem>>
          tpu.vector_store_idx %parallel_loop3A_515[%parallel_loop3A_296, %parallel_loop3A_511], %parallel_loop3A_470 : memref<32x900xf32, #tpu.memory_space<vmem>>[vector<16xi32>, vector<16xi32>], vector<16xf32>,
          %parallel_loop3A_516 = arith.constant 294 : i32
          %parallel_loop3A_517 = vector.broadcast %parallel_loop3A_516 : i32 to vector<16xi32>
          %parallel_loop3A_518 = arith.addi %mul3A_1, %parallel_loop3A_517 : vector<16xi32>
          %parallel_loop3A_519 = arith.constant 0 : i32
          %parallel_loop3A_520 = arith.constant 0 : i32
          %parallel_loop3A_521 = tpu.memref_slice %run_scoped3A_28[%rem3A_221, %parallel_loop3A_519, %parallel_loop3A_520] : memref<2x32x900xf32, #tpu.memory_space<vmem>> -> memref<1x32x900xf32, #tpu.memory_space<vmem>>
          %parallel_loop3A_522 = tpu.memref_squeeze %parallel_loop3A_521 : memref<1x32x900xf32, #tpu.memory_space<vmem>> -> memref<32x900xf32, #tpu.memory_space<vmem>>
          tpu.vector_store_idx %parallel_loop3A_522[%parallel_loop3A_296, %parallel_loop3A_518], %parallel_loop3A_471 : memref<32x900xf32, #tpu.memory_space<vmem>>[vector<16xi32>, vector<16xi32>], vector<16xf32>,
          %parallel_loop3A_523 = arith.constant 295 : i32
          %parallel_loop3A_524 = vector.broadcast %parallel_loop3A_523 : i32 to vector<16xi32>
          %parallel_loop3A_525 = arith.addi %mul3A_1, %parallel_loop3A_524 : vector<16xi32>
          %parallel_loop3A_526 = arith.constant 0 : i32
          %parallel_loop3A_527 = arith.constant 0 : i32
          %parallel_loop3A_528 = tpu.memref_slice %run_scoped3A_28[%rem3A_221, %parallel_loop3A_526, %parallel_loop3A_527] : memref<2x32x900xf32, #tpu.memory_space<vmem>> -> memref<1x32x900xf32, #tpu.memory_space<vmem>>
          %parallel_loop3A_529 = tpu.memref_squeeze %parallel_loop3A_528 : memref<1x32x900xf32, #tpu.memory_space<vmem>> -> memref<32x900xf32, #tpu.memory_space<vmem>>
          tpu.vector_store_idx %parallel_loop3A_529[%parallel_loop3A_296, %parallel_loop3A_525], %parallel_loop3A_472 : memref<32x900xf32, #tpu.memory_space<vmem>>[vector<16xi32>, vector<16xi32>], vector<16xf32>,
          %parallel_loop3A_530 = arith.constant 296 : i32
          %parallel_loop3A_531 = vector.broadcast %parallel_loop3A_530 : i32 to vector<16xi32>
          %parallel_loop3A_532 = arith.addi %mul3A_1, %parallel_loop3A_531 : vector<16xi32>
          %parallel_loop3A_533 = arith.constant 0 : i32
          %parallel_loop3A_534 = arith.constant 0 : i32
          %parallel_loop3A_535 = tpu.memref_slice %run_scoped3A_28[%rem3A_221, %parallel_loop3A_533, %parallel_loop3A_534] : memref<2x32x900xf32, #tpu.memory_space<vmem>> -> memref<1x32x900xf32, #tpu.memory_space<vmem>>
          %parallel_loop3A_536 = tpu.memref_squeeze %parallel_loop3A_535 : memref<1x32x900xf32, #tpu.memory_space<vmem>> -> memref<32x900xf32, #tpu.memory_space<vmem>>
          tpu.vector_store_idx %parallel_loop3A_536[%parallel_loop3A_296, %parallel_loop3A_532], %parallel_loop3A_473 : memref<32x900xf32, #tpu.memory_space<vmem>>[vector<16xi32>, vector<16xi32>], vector<16xf32>,
          %parallel_loop3A_537 = arith.constant 48 : i32
          %parallel_loop3A_538 = vector.broadcast %parallel_loop3A_537 : i32 to vector<16xi32>
          %parallel_loop3A_539 = arith.addi %iota3A, %parallel_loop3A_538 : vector<16xi32>
          %parallel_loop3A_540 = arith.constant 0 : i32
          %parallel_loop3A_541 = arith.constant 0 : i32
          %parallel_loop3A_542 = tpu.memref_slice %run_scoped3A[%rem3A_219, %parallel_loop3A_540, %parallel_loop3A_541] : memref<2x32x100xi32, #tpu.memory_space<vmem>> -> memref<1x32x100xi32, #tpu.memory_space<vmem>>
          %parallel_loop3A_543 = tpu.memref_squeeze %parallel_loop3A_542 : memref<1x32x100xi32, #tpu.memory_space<vmem>> -> memref<32x100xi32, #tpu.memory_space<vmem>>
          %parallel_loop3A_544 = tpu.vector_load_idx %parallel_loop3A_543[%parallel_loop3A_296, %parallel_loop3A_539] : memref<32x100xi32, #tpu.memory_space<vmem>>[vector<16xi32>, vector<16xi32>], vector<16xi32>,
          %parallel_loop3A_545 = tpu.vector_load_idx %arg5[%broadcast_in_dim3A_2, %parallel_loop3A_544] : memref<9x256xf32, #tpu.memory_space<vmem>>[vector<16xi32>, vector<16xi32>], vector<16xf32>,
          %parallel_loop3A_546 = tpu.vector_load_idx %arg5[%broadcast_in_dim3A_4, %parallel_loop3A_544] : memref<9x256xf32, #tpu.memory_space<vmem>>[vector<16xi32>, vector<16xi32>], vector<16xf32>,
          %parallel_loop3A_547 = tpu.vector_load_idx %arg5[%broadcast_in_dim3A_6, %parallel_loop3A_544] : memref<9x256xf32, #tpu.memory_space<vmem>>[vector<16xi32>, vector<16xi32>], vector<16xf32>,
          %parallel_loop3A_548 = tpu.vector_load_idx %arg5[%broadcast_in_dim3A_8, %parallel_loop3A_544] : memref<9x256xf32, #tpu.memory_space<vmem>>[vector<16xi32>, vector<16xi32>], vector<16xf32>,
          %parallel_loop3A_549 = tpu.vector_load_idx %arg5[%broadcast_in_dim3A_10, %parallel_loop3A_544] : memref<9x256xf32, #tpu.memory_space<vmem>>[vector<16xi32>, vector<16xi32>], vector<16xf32>,
          %parallel_loop3A_550 = tpu.vector_load_idx %arg5[%broadcast_in_dim3A_12, %parallel_loop3A_544] : memref<9x256xf32, #tpu.memory_space<vmem>>[vector<16xi32>, vector<16xi32>], vector<16xf32>,
          %parallel_loop3A_551 = tpu.vector_load_idx %arg5[%broadcast_in_dim3A_14, %parallel_loop3A_544] : memref<9x256xf32, #tpu.memory_space<vmem>>[vector<16xi32>, vector<16xi32>], vector<16xf32>,
          %parallel_loop3A_552 = tpu.vector_load_idx %arg5[%broadcast_in_dim3A_16, %parallel_loop3A_544] : memref<9x256xf32, #tpu.memory_space<vmem>>[vector<16xi32>, vector<16xi32>], vector<16xf32>,
          %parallel_loop3A_553 = tpu.vector_load_idx %arg5[%broadcast_in_dim3A_18, %parallel_loop3A_544] : memref<9x256xf32, #tpu.memory_space<vmem>>[vector<16xi32>, vector<16xi32>], vector<16xf32>,
          %parallel_loop3A_554 = arith.constant 432 : i32
          %parallel_loop3A_555 = vector.broadcast %parallel_loop3A_554 : i32 to vector<16xi32>
          %parallel_loop3A_556 = arith.addi %mul3A_1, %parallel_loop3A_555 : vector<16xi32>
          %parallel_loop3A_557 = arith.constant 0 : i32
          %parallel_loop3A_558 = arith.constant 0 : i32
          %parallel_loop3A_559 = tpu.memref_slice %run_scoped3A_28[%rem3A_221, %parallel_loop3A_557, %parallel_loop3A_558] : memref<2x32x900xf32, #tpu.memory_space<vmem>> -> memref<1x32x900xf32, #tpu.memory_space<vmem>>
          %parallel_loop3A_560 = tpu.memref_squeeze %parallel_loop3A_559 : memref<1x32x900xf32, #tpu.memory_space<vmem>> -> memref<32x900xf32, #tpu.memory_space<vmem>>
          tpu.vector_store_idx %parallel_loop3A_560[%parallel_loop3A_296, %parallel_loop3A_556], %parallel_loop3A_545 : memref<32x900xf32, #tpu.memory_space<vmem>>[vector<16xi32>, vector<16xi32>], vector<16xf32>,
          %parallel_loop3A_561 = arith.constant 433 : i32
          %parallel_loop3A_562 = vector.broadcast %parallel_loop3A_561 : i32 to vector<16xi32>
          %parallel_loop3A_563 = arith.addi %mul3A_1, %parallel_loop3A_562 : vector<16xi32>
          %parallel_loop3A_564 = arith.constant 0 : i32
          %parallel_loop3A_565 = arith.constant 0 : i32
          %parallel_loop3A_566 = tpu.memref_slice %run_scoped3A_28[%rem3A_221, %parallel_loop3A_564, %parallel_loop3A_565] : memref<2x32x900xf32, #tpu.memory_space<vmem>> -> memref<1x32x900xf32, #tpu.memory_space<vmem>>
          %parallel_loop3A_567 = tpu.memref_squeeze %parallel_loop3A_566 : memref<1x32x900xf32, #tpu.memory_space<vmem>> -> memref<32x900xf32, #tpu.memory_space<vmem>>
          tpu.vector_store_idx %parallel_loop3A_567[%parallel_loop3A_296, %parallel_loop3A_563], %parallel_loop3A_546 : memref<32x900xf32, #tpu.memory_space<vmem>>[vector<16xi32>, vector<16xi32>], vector<16xf32>,
          %parallel_loop3A_568 = arith.constant 434 : i32
          %parallel_loop3A_569 = vector.broadcast %parallel_loop3A_568 : i32 to vector<16xi32>
          %parallel_loop3A_570 = arith.addi %mul3A_1, %parallel_loop3A_569 : vector<16xi32>
          %parallel_loop3A_571 = arith.constant 0 : i32
          %parallel_loop3A_572 = arith.constant 0 : i32
          %parallel_loop3A_573 = tpu.memref_slice %run_scoped3A_28[%rem3A_221, %parallel_loop3A_571, %parallel_loop3A_572] : memref<2x32x900xf32, #tpu.memory_space<vmem>> -> memref<1x32x900xf32, #tpu.memory_space<vmem>>
          %parallel_loop3A_574 = tpu.memref_squeeze %parallel_loop3A_573 : memref<1x32x900xf32, #tpu.memory_space<vmem>> -> memref<32x900xf32, #tpu.memory_space<vmem>>
          tpu.vector_store_idx %parallel_loop3A_574[%parallel_loop3A_296, %parallel_loop3A_570], %parallel_loop3A_547 : memref<32x900xf32, #tpu.memory_space<vmem>>[vector<16xi32>, vector<16xi32>], vector<16xf32>,
          %parallel_loop3A_575 = arith.constant 435 : i32
          %parallel_loop3A_576 = vector.broadcast %parallel_loop3A_575 : i32 to vector<16xi32>
          %parallel_loop3A_577 = arith.addi %mul3A_1, %parallel_loop3A_576 : vector<16xi32>
          %parallel_loop3A_578 = arith.constant 0 : i32
          %parallel_loop3A_579 = arith.constant 0 : i32
          %parallel_loop3A_580 = tpu.memref_slice %run_scoped3A_28[%rem3A_221, %parallel_loop3A_578, %parallel_loop3A_579] : memref<2x32x900xf32, #tpu.memory_space<vmem>> -> memref<1x32x900xf32, #tpu.memory_space<vmem>>
          %parallel_loop3A_581 = tpu.memref_squeeze %parallel_loop3A_580 : memref<1x32x900xf32, #tpu.memory_space<vmem>> -> memref<32x900xf32, #tpu.memory_space<vmem>>
          tpu.vector_store_idx %parallel_loop3A_581[%parallel_loop3A_296, %parallel_loop3A_577], %parallel_loop3A_548 : memref<32x900xf32, #tpu.memory_space<vmem>>[vector<16xi32>, vector<16xi32>], vector<16xf32>,
          %parallel_loop3A_582 = arith.constant 436 : i32
          %parallel_loop3A_583 = vector.broadcast %parallel_loop3A_582 : i32 to vector<16xi32>
          %parallel_loop3A_584 = arith.addi %mul3A_1, %parallel_loop3A_583 : vector<16xi32>
          %parallel_loop3A_585 = arith.constant 0 : i32
          %parallel_loop3A_586 = arith.constant 0 : i32
          %parallel_loop3A_587 = tpu.memref_slice %run_scoped3A_28[%rem3A_221, %parallel_loop3A_585, %parallel_loop3A_586] : memref<2x32x900xf32, #tpu.memory_space<vmem>> -> memref<1x32x900xf32, #tpu.memory_space<vmem>>
          %parallel_loop3A_588 = tpu.memref_squeeze %parallel_loop3A_587 : memref<1x32x900xf32, #tpu.memory_space<vmem>> -> memref<32x900xf32, #tpu.memory_space<vmem>>
          tpu.vector_store_idx %parallel_loop3A_588[%parallel_loop3A_296, %parallel_loop3A_584], %parallel_loop3A_549 : memref<32x900xf32, #tpu.memory_space<vmem>>[vector<16xi32>, vector<16xi32>], vector<16xf32>,
          %parallel_loop3A_589 = arith.constant 437 : i32
          %parallel_loop3A_590 = vector.broadcast %parallel_loop3A_589 : i32 to vector<16xi32>
          %parallel_loop3A_591 = arith.addi %mul3A_1, %parallel_loop3A_590 : vector<16xi32>
          %parallel_loop3A_592 = arith.constant 0 : i32
          %parallel_loop3A_593 = arith.constant 0 : i32
          %parallel_loop3A_594 = tpu.memref_slice %run_scoped3A_28[%rem3A_221, %parallel_loop3A_592, %parallel_loop3A_593] : memref<2x32x900xf32, #tpu.memory_space<vmem>> -> memref<1x32x900xf32, #tpu.memory_space<vmem>>
          %parallel_loop3A_595 = tpu.memref_squeeze %parallel_loop3A_594 : memref<1x32x900xf32, #tpu.memory_space<vmem>> -> memref<32x900xf32, #tpu.memory_space<vmem>>
          tpu.vector_store_idx %parallel_loop3A_595[%parallel_loop3A_296, %parallel_loop3A_591], %parallel_loop3A_550 : memref<32x900xf32, #tpu.memory_space<vmem>>[vector<16xi32>, vector<16xi32>], vector<16xf32>,
          %parallel_loop3A_596 = arith.constant 438 : i32
          %parallel_loop3A_597 = vector.broadcast %parallel_loop3A_596 : i32 to vector<16xi32>
          %parallel_loop3A_598 = arith.addi %mul3A_1, %parallel_loop3A_597 : vector<16xi32>
          %parallel_loop3A_599 = arith.constant 0 : i32
          %parallel_loop3A_600 = arith.constant 0 : i32
          %parallel_loop3A_601 = tpu.memref_slice %run_scoped3A_28[%rem3A_221, %parallel_loop3A_599, %parallel_loop3A_600] : memref<2x32x900xf32, #tpu.memory_space<vmem>> -> memref<1x32x900xf32, #tpu.memory_space<vmem>>
          %parallel_loop3A_602 = tpu.memref_squeeze %parallel_loop3A_601 : memref<1x32x900xf32, #tpu.memory_space<vmem>> -> memref<32x900xf32, #tpu.memory_space<vmem>>
          tpu.vector_store_idx %parallel_loop3A_602[%parallel_loop3A_296, %parallel_loop3A_598], %parallel_loop3A_551 : memref<32x900xf32, #tpu.memory_space<vmem>>[vector<16xi32>, vector<16xi32>], vector<16xf32>,
          %parallel_loop3A_603 = arith.constant 439 : i32
          %parallel_loop3A_604 = vector.broadcast %parallel_loop3A_603 : i32 to vector<16xi32>
          %parallel_loop3A_605 = arith.addi %mul3A_1, %parallel_loop3A_604 : vector<16xi32>
          %parallel_loop3A_606 = arith.constant 0 : i32
          %parallel_loop3A_607 = arith.constant 0 : i32
          %parallel_loop3A_608 = tpu.memref_slice %run_scoped3A_28[%rem3A_221, %parallel_loop3A_606, %parallel_loop3A_607] : memref<2x32x900xf32, #tpu.memory_space<vmem>> -> memref<1x32x900xf32, #tpu.memory_space<vmem>>
          %parallel_loop3A_609 = tpu.memref_squeeze %parallel_loop3A_608 : memref<1x32x900xf32, #tpu.memory_space<vmem>> -> memref<32x900xf32, #tpu.memory_space<vmem>>
          tpu.vector_store_idx %parallel_loop3A_609[%parallel_loop3A_296, %parallel_loop3A_605], %parallel_loop3A_552 : memref<32x900xf32, #tpu.memory_space<vmem>>[vector<16xi32>, vector<16xi32>], vector<16xf32>,
          %parallel_loop3A_610 = arith.constant 440 : i32
          %parallel_loop3A_611 = vector.broadcast %parallel_loop3A_610 : i32 to vector<16xi32>
          %parallel_loop3A_612 = arith.addi %mul3A_1, %parallel_loop3A_611 : vector<16xi32>
          %parallel_loop3A_613 = arith.constant 0 : i32
          %parallel_loop3A_614 = arith.constant 0 : i32
          %parallel_loop3A_615 = tpu.memref_slice %run_scoped3A_28[%rem3A_221, %parallel_loop3A_613, %parallel_loop3A_614] : memref<2x32x900xf32, #tpu.memory_space<vmem>> -> memref<1x32x900xf32, #tpu.memory_space<vmem>>
          %parallel_loop3A_616 = tpu.memref_squeeze %parallel_loop3A_615 : memref<1x32x900xf32, #tpu.memory_space<vmem>> -> memref<32x900xf32, #tpu.memory_space<vmem>>
          tpu.vector_store_idx %parallel_loop3A_616[%parallel_loop3A_296, %parallel_loop3A_612], %parallel_loop3A_553 : memref<32x900xf32, #tpu.memory_space<vmem>>[vector<16xi32>, vector<16xi32>], vector<16xf32>,
          %parallel_loop3A_617 = arith.constant 64 : i32
          %parallel_loop3A_618 = vector.broadcast %parallel_loop3A_617 : i32 to vector<16xi32>
          %parallel_loop3A_619 = arith.addi %iota3A, %parallel_loop3A_618 : vector<16xi32>
          %parallel_loop3A_620 = arith.constant 0 : i32
          %parallel_loop3A_621 = arith.constant 0 : i32
          %parallel_loop3A_622 = tpu.memref_slice %run_scoped3A[%rem3A_219, %parallel_loop3A_620, %parallel_loop3A_621] : memref<2x32x100xi32, #tpu.memory_space<vmem>> -> memref<1x32x100xi32, #tpu.memory_space<vmem>>
          %parallel_loop3A_623 = tpu.memref_squeeze %parallel_loop3A_622 : memref<1x32x100xi32, #tpu.memory_space<vmem>> -> memref<32x100xi32, #tpu.memory_space<vmem>>
          %parallel_loop3A_624 = tpu.vector_load_idx %parallel_loop3A_623[%parallel_loop3A_296, %parallel_loop3A_619] : memref<32x100xi32, #tpu.memory_space<vmem>>[vector<16xi32>, vector<16xi32>], vector<16xi32>,
          %parallel_loop3A_625 = tpu.vector_load_idx %arg5[%broadcast_in_dim3A_2, %parallel_loop3A_624] : memref<9x256xf32, #tpu.memory_space<vmem>>[vector<16xi32>, vector<16xi32>], vector<16xf32>,
          %parallel_loop3A_626 = tpu.vector_load_idx %arg5[%broadcast_in_dim3A_4, %parallel_loop3A_624] : memref<9x256xf32, #tpu.memory_space<vmem>>[vector<16xi32>, vector<16xi32>], vector<16xf32>,
          %parallel_loop3A_627 = tpu.vector_load_idx %arg5[%broadcast_in_dim3A_6, %parallel_loop3A_624] : memref<9x256xf32, #tpu.memory_space<vmem>>[vector<16xi32>, vector<16xi32>], vector<16xf32>,
          %parallel_loop3A_628 = tpu.vector_load_idx %arg5[%broadcast_in_dim3A_8, %parallel_loop3A_624] : memref<9x256xf32, #tpu.memory_space<vmem>>[vector<16xi32>, vector<16xi32>], vector<16xf32>,
          %parallel_loop3A_629 = tpu.vector_load_idx %arg5[%broadcast_in_dim3A_10, %parallel_loop3A_624] : memref<9x256xf32, #tpu.memory_space<vmem>>[vector<16xi32>, vector<16xi32>], vector<16xf32>,
          %parallel_loop3A_630 = tpu.vector_load_idx %arg5[%broadcast_in_dim3A_12, %parallel_loop3A_624] : memref<9x256xf32, #tpu.memory_space<vmem>>[vector<16xi32>, vector<16xi32>], vector<16xf32>,
          %parallel_loop3A_631 = tpu.vector_load_idx %arg5[%broadcast_in_dim3A_14, %parallel_loop3A_624] : memref<9x256xf32, #tpu.memory_space<vmem>>[vector<16xi32>, vector<16xi32>], vector<16xf32>,
          %parallel_loop3A_632 = tpu.vector_load_idx %arg5[%broadcast_in_dim3A_16, %parallel_loop3A_624] : memref<9x256xf32, #tpu.memory_space<vmem>>[vector<16xi32>, vector<16xi32>], vector<16xf32>,
          %parallel_loop3A_633 = tpu.vector_load_idx %arg5[%broadcast_in_dim3A_18, %parallel_loop3A_624] : memref<9x256xf32, #tpu.memory_space<vmem>>[vector<16xi32>, vector<16xi32>], vector<16xf32>,
          %parallel_loop3A_634 = arith.constant 576 : i32
          %parallel_loop3A_635 = vector.broadcast %parallel_loop3A_634 : i32 to vector<16xi32>
          %parallel_loop3A_636 = arith.addi %mul3A_1, %parallel_loop3A_635 : vector<16xi32>
          %parallel_loop3A_637 = arith.constant 0 : i32
          %parallel_loop3A_638 = arith.constant 0 : i32
          %parallel_loop3A_639 = tpu.memref_slice %run_scoped3A_28[%rem3A_221, %parallel_loop3A_637, %parallel_loop3A_638] : memref<2x32x900xf32, #tpu.memory_space<vmem>> -> memref<1x32x900xf32, #tpu.memory_space<vmem>>
          %parallel_loop3A_640 = tpu.memref_squeeze %parallel_loop3A_639 : memref<1x32x900xf32, #tpu.memory_space<vmem>> -> memref<32x900xf32, #tpu.memory_space<vmem>>
          tpu.vector_store_idx %parallel_loop3A_640[%parallel_loop3A_296, %parallel_loop3A_636], %parallel_loop3A_625 : memref<32x900xf32, #tpu.memory_space<vmem>>[vector<16xi32>, vector<16xi32>], vector<16xf32>,
          %parallel_loop3A_641 = arith.constant 577 : i32
          %parallel_loop3A_642 = vector.broadcast %parallel_loop3A_641 : i32 to vector<16xi32>
          %parallel_loop3A_643 = arith.addi %mul3A_1, %parallel_loop3A_642 : vector<16xi32>
          %parallel_loop3A_644 = arith.constant 0 : i32
          %parallel_loop3A_645 = arith.constant 0 : i32
          %parallel_loop3A_646 = tpu.memref_slice %run_scoped3A_28[%rem3A_221, %parallel_loop3A_644, %parallel_loop3A_645] : memref<2x32x900xf32, #tpu.memory_space<vmem>> -> memref<1x32x900xf32, #tpu.memory_space<vmem>>
          %parallel_loop3A_647 = tpu.memref_squeeze %parallel_loop3A_646 : memref<1x32x900xf32, #tpu.memory_space<vmem>> -> memref<32x900xf32, #tpu.memory_space<vmem>>
          tpu.vector_store_idx %parallel_loop3A_647[%parallel_loop3A_296, %parallel_loop3A_643], %parallel_loop3A_626 : memref<32x900xf32, #tpu.memory_space<vmem>>[vector<16xi32>, vector<16xi32>], vector<16xf32>,
          %parallel_loop3A_648 = arith.constant 578 : i32
          %parallel_loop3A_649 = vector.broadcast %parallel_loop3A_648 : i32 to vector<16xi32>
          %parallel_loop3A_650 = arith.addi %mul3A_1, %parallel_loop3A_649 : vector<16xi32>
          %parallel_loop3A_651 = arith.constant 0 : i32
          %parallel_loop3A_652 = arith.constant 0 : i32
          %parallel_loop3A_653 = tpu.memref_slice %run_scoped3A_28[%rem3A_221, %parallel_loop3A_651, %parallel_loop3A_652] : memref<2x32x900xf32, #tpu.memory_space<vmem>> -> memref<1x32x900xf32, #tpu.memory_space<vmem>>
          %parallel_loop3A_654 = tpu.memref_squeeze %parallel_loop3A_653 : memref<1x32x900xf32, #tpu.memory_space<vmem>> -> memref<32x900xf32, #tpu.memory_space<vmem>>
          tpu.vector_store_idx %parallel_loop3A_654[%parallel_loop3A_296, %parallel_loop3A_650], %parallel_loop3A_627 : memref<32x900xf32, #tpu.memory_space<vmem>>[vector<16xi32>, vector<16xi32>], vector<16xf32>,
          %parallel_loop3A_655 = arith.constant 579 : i32
          %parallel_loop3A_656 = vector.broadcast %parallel_loop3A_655 : i32 to vector<16xi32>
          %parallel_loop3A_657 = arith.addi %mul3A_1, %parallel_loop3A_656 : vector<16xi32>
          %parallel_loop3A_658 = arith.constant 0 : i32
          %parallel_loop3A_659 = arith.constant 0 : i32
          %parallel_loop3A_660 = tpu.memref_slice %run_scoped3A_28[%rem3A_221, %parallel_loop3A_658, %parallel_loop3A_659] : memref<2x32x900xf32, #tpu.memory_space<vmem>> -> memref<1x32x900xf32, #tpu.memory_space<vmem>>
          %parallel_loop3A_661 = tpu.memref_squeeze %parallel_loop3A_660 : memref<1x32x900xf32, #tpu.memory_space<vmem>> -> memref<32x900xf32, #tpu.memory_space<vmem>>
          tpu.vector_store_idx %parallel_loop3A_661[%parallel_loop3A_296, %parallel_loop3A_657], %parallel_loop3A_628 : memref<32x900xf32, #tpu.memory_space<vmem>>[vector<16xi32>, vector<16xi32>], vector<16xf32>,
          %parallel_loop3A_662 = arith.constant 580 : i32
          %parallel_loop3A_663 = vector.broadcast %parallel_loop3A_662 : i32 to vector<16xi32>
          %parallel_loop3A_664 = arith.addi %mul3A_1, %parallel_loop3A_663 : vector<16xi32>
          %parallel_loop3A_665 = arith.constant 0 : i32
          %parallel_loop3A_666 = arith.constant 0 : i32
          %parallel_loop3A_667 = tpu.memref_slice %run_scoped3A_28[%rem3A_221, %parallel_loop3A_665, %parallel_loop3A_666] : memref<2x32x900xf32, #tpu.memory_space<vmem>> -> memref<1x32x900xf32, #tpu.memory_space<vmem>>
          %parallel_loop3A_668 = tpu.memref_squeeze %parallel_loop3A_667 : memref<1x32x900xf32, #tpu.memory_space<vmem>> -> memref<32x900xf32, #tpu.memory_space<vmem>>
          tpu.vector_store_idx %parallel_loop3A_668[%parallel_loop3A_296, %parallel_loop3A_664], %parallel_loop3A_629 : memref<32x900xf32, #tpu.memory_space<vmem>>[vector<16xi32>, vector<16xi32>], vector<16xf32>,
          %parallel_loop3A_669 = arith.constant 581 : i32
          %parallel_loop3A_670 = vector.broadcast %parallel_loop3A_669 : i32 to vector<16xi32>
          %parallel_loop3A_671 = arith.addi %mul3A_1, %parallel_loop3A_670 : vector<16xi32>
          %parallel_loop3A_672 = arith.constant 0 : i32
          %parallel_loop3A_673 = arith.constant 0 : i32
          %parallel_loop3A_674 = tpu.memref_slice %run_scoped3A_28[%rem3A_221, %parallel_loop3A_672, %parallel_loop3A_673] : memref<2x32x900xf32, #tpu.memory_space<vmem>> -> memref<1x32x900xf32, #tpu.memory_space<vmem>>
          %parallel_loop3A_675 = tpu.memref_squeeze %parallel_loop3A_674 : memref<1x32x900xf32, #tpu.memory_space<vmem>> -> memref<32x900xf32, #tpu.memory_space<vmem>>
          tpu.vector_store_idx %parallel_loop3A_675[%parallel_loop3A_296, %parallel_loop3A_671], %parallel_loop3A_630 : memref<32x900xf32, #tpu.memory_space<vmem>>[vector<16xi32>, vector<16xi32>], vector<16xf32>,
          %parallel_loop3A_676 = arith.constant 582 : i32
          %parallel_loop3A_677 = vector.broadcast %parallel_loop3A_676 : i32 to vector<16xi32>
          %parallel_loop3A_678 = arith.addi %mul3A_1, %parallel_loop3A_677 : vector<16xi32>
          %parallel_loop3A_679 = arith.constant 0 : i32
          %parallel_loop3A_680 = arith.constant 0 : i32
          %parallel_loop3A_681 = tpu.memref_slice %run_scoped3A_28[%rem3A_221, %parallel_loop3A_679, %parallel_loop3A_680] : memref<2x32x900xf32, #tpu.memory_space<vmem>> -> memref<1x32x900xf32, #tpu.memory_space<vmem>>
          %parallel_loop3A_682 = tpu.memref_squeeze %parallel_loop3A_681 : memref<1x32x900xf32, #tpu.memory_space<vmem>> -> memref<32x900xf32, #tpu.memory_space<vmem>>
          tpu.vector_store_idx %parallel_loop3A_682[%parallel_loop3A_296, %parallel_loop3A_678], %parallel_loop3A_631 : memref<32x900xf32, #tpu.memory_space<vmem>>[vector<16xi32>, vector<16xi32>], vector<16xf32>,
          %parallel_loop3A_683 = arith.constant 583 : i32
          %parallel_loop3A_684 = vector.broadcast %parallel_loop3A_683 : i32 to vector<16xi32>
          %parallel_loop3A_685 = arith.addi %mul3A_1, %parallel_loop3A_684 : vector<16xi32>
          %parallel_loop3A_686 = arith.constant 0 : i32
          %parallel_loop3A_687 = arith.constant 0 : i32
          %parallel_loop3A_688 = tpu.memref_slice %run_scoped3A_28[%rem3A_221, %parallel_loop3A_686, %parallel_loop3A_687] : memref<2x32x900xf32, #tpu.memory_space<vmem>> -> memref<1x32x900xf32, #tpu.memory_space<vmem>>
          %parallel_loop3A_689 = tpu.memref_squeeze %parallel_loop3A_688 : memref<1x32x900xf32, #tpu.memory_space<vmem>> -> memref<32x900xf32, #tpu.memory_space<vmem>>
          tpu.vector_store_idx %parallel_loop3A_689[%parallel_loop3A_296, %parallel_loop3A_685], %parallel_loop3A_632 : memref<32x900xf32, #tpu.memory_space<vmem>>[vector<16xi32>, vector<16xi32>], vector<16xf32>,
          %parallel_loop3A_690 = arith.constant 584 : i32
          %parallel_loop3A_691 = vector.broadcast %parallel_loop3A_690 : i32 to vector<16xi32>
          %parallel_loop3A_692 = arith.addi %mul3A_1, %parallel_loop3A_691 : vector<16xi32>
          %parallel_loop3A_693 = arith.constant 0 : i32
          %parallel_loop3A_694 = arith.constant 0 : i32
          %parallel_loop3A_695 = tpu.memref_slice %run_scoped3A_28[%rem3A_221, %parallel_loop3A_693, %parallel_loop3A_694] : memref<2x32x900xf32, #tpu.memory_space<vmem>> -> memref<1x32x900xf32, #tpu.memory_space<vmem>>
          %parallel_loop3A_696 = tpu.memref_squeeze %parallel_loop3A_695 : memref<1x32x900xf32, #tpu.memory_space<vmem>> -> memref<32x900xf32, #tpu.memory_space<vmem>>
          tpu.vector_store_idx %parallel_loop3A_696[%parallel_loop3A_296, %parallel_loop3A_692], %parallel_loop3A_633 : memref<32x900xf32, #tpu.memory_space<vmem>>[vector<16xi32>, vector<16xi32>], vector<16xf32>,
          %parallel_loop3A_697 = arith.constant 80 : i32
          %parallel_loop3A_698 = vector.broadcast %parallel_loop3A_697 : i32 to vector<16xi32>
          %parallel_loop3A_699 = arith.addi %iota3A, %parallel_loop3A_698 : vector<16xi32>
          %parallel_loop3A_700 = arith.constant 0 : i32
          %parallel_loop3A_701 = arith.constant 0 : i32
          %parallel_loop3A_702 = tpu.memref_slice %run_scoped3A[%rem3A_219, %parallel_loop3A_700, %parallel_loop3A_701] : memref<2x32x100xi32, #tpu.memory_space<vmem>> -> memref<1x32x100xi32, #tpu.memory_space<vmem>>
          %parallel_loop3A_703 = tpu.memref_squeeze %parallel_loop3A_702 : memref<1x32x100xi32, #tpu.memory_space<vmem>> -> memref<32x100xi32, #tpu.memory_space<vmem>>
          %parallel_loop3A_704 = tpu.vector_load_idx %parallel_loop3A_703[%parallel_loop3A_296, %parallel_loop3A_699] : memref<32x100xi32, #tpu.memory_space<vmem>>[vector<16xi32>, vector<16xi32>], vector<16xi32>,
          %parallel_loop3A_705 = tpu.vector_load_idx %arg5[%broadcast_in_dim3A_2, %parallel_loop3A_704] : memref<9x256xf32, #tpu.memory_space<vmem>>[vector<16xi32>, vector<16xi32>], vector<16xf32>,
          %parallel_loop3A_706 = tpu.vector_load_idx %arg5[%broadcast_in_dim3A_4, %parallel_loop3A_704] : memref<9x256xf32, #tpu.memory_space<vmem>>[vector<16xi32>, vector<16xi32>], vector<16xf32>,
          %parallel_loop3A_707 = tpu.vector_load_idx %arg5[%broadcast_in_dim3A_6, %parallel_loop3A_704] : memref<9x256xf32, #tpu.memory_space<vmem>>[vector<16xi32>, vector<16xi32>], vector<16xf32>,
          %parallel_loop3A_708 = tpu.vector_load_idx %arg5[%broadcast_in_dim3A_8, %parallel_loop3A_704] : memref<9x256xf32, #tpu.memory_space<vmem>>[vector<16xi32>, vector<16xi32>], vector<16xf32>,
          %parallel_loop3A_709 = tpu.vector_load_idx %arg5[%broadcast_in_dim3A_10, %parallel_loop3A_704] : memref<9x256xf32, #tpu.memory_space<vmem>>[vector<16xi32>, vector<16xi32>], vector<16xf32>,
          %parallel_loop3A_710 = tpu.vector_load_idx %arg5[%broadcast_in_dim3A_12, %parallel_loop3A_704] : memref<9x256xf32, #tpu.memory_space<vmem>>[vector<16xi32>, vector<16xi32>], vector<16xf32>,
          %parallel_loop3A_711 = tpu.vector_load_idx %arg5[%broadcast_in_dim3A_14, %parallel_loop3A_704] : memref<9x256xf32, #tpu.memory_space<vmem>>[vector<16xi32>, vector<16xi32>], vector<16xf32>,
          %parallel_loop3A_712 = tpu.vector_load_idx %arg5[%broadcast_in_dim3A_16, %parallel_loop3A_704] : memref<9x256xf32, #tpu.memory_space<vmem>>[vector<16xi32>, vector<16xi32>], vector<16xf32>,
          %parallel_loop3A_713 = tpu.vector_load_idx %arg5[%broadcast_in_dim3A_18, %parallel_loop3A_704] : memref<9x256xf32, #tpu.memory_space<vmem>>[vector<16xi32>, vector<16xi32>], vector<16xf32>,
          %parallel_loop3A_714 = arith.constant 720 : i32
          %parallel_loop3A_715 = vector.broadcast %parallel_loop3A_714 : i32 to vector<16xi32>
          %parallel_loop3A_716 = arith.addi %mul3A_1, %parallel_loop3A_715 : vector<16xi32>
          %parallel_loop3A_717 = arith.constant 0 : i32
          %parallel_loop3A_718 = arith.constant 0 : i32
          %parallel_loop3A_719 = tpu.memref_slice %run_scoped3A_28[%rem3A_221, %parallel_loop3A_717, %parallel_loop3A_718] : memref<2x32x900xf32, #tpu.memory_space<vmem>> -> memref<1x32x900xf32, #tpu.memory_space<vmem>>
          %parallel_loop3A_720 = tpu.memref_squeeze %parallel_loop3A_719 : memref<1x32x900xf32, #tpu.memory_space<vmem>> -> memref<32x900xf32, #tpu.memory_space<vmem>>
          tpu.vector_store_idx %parallel_loop3A_720[%parallel_loop3A_296, %parallel_loop3A_716], %parallel_loop3A_705 : memref<32x900xf32, #tpu.memory_space<vmem>>[vector<16xi32>, vector<16xi32>], vector<16xf32>,
          %parallel_loop3A_721 = arith.constant 721 : i32
          %parallel_loop3A_722 = vector.broadcast %parallel_loop3A_721 : i32 to vector<16xi32>
          %parallel_loop3A_723 = arith.addi %mul3A_1, %parallel_loop3A_722 : vector<16xi32>
          %parallel_loop3A_724 = arith.constant 0 : i32
          %parallel_loop3A_725 = arith.constant 0 : i32
          %parallel_loop3A_726 = tpu.memref_slice %run_scoped3A_28[%rem3A_221, %parallel_loop3A_724, %parallel_loop3A_725] : memref<2x32x900xf32, #tpu.memory_space<vmem>> -> memref<1x32x900xf32, #tpu.memory_space<vmem>>
          %parallel_loop3A_727 = tpu.memref_squeeze %parallel_loop3A_726 : memref<1x32x900xf32, #tpu.memory_space<vmem>> -> memref<32x900xf32, #tpu.memory_space<vmem>>
          tpu.vector_store_idx %parallel_loop3A_727[%parallel_loop3A_296, %parallel_loop3A_723], %parallel_loop3A_706 : memref<32x900xf32, #tpu.memory_space<vmem>>[vector<16xi32>, vector<16xi32>], vector<16xf32>,
          %parallel_loop3A_728 = arith.constant 722 : i32
          %parallel_loop3A_729 = vector.broadcast %parallel_loop3A_728 : i32 to vector<16xi32>
          %parallel_loop3A_730 = arith.addi %mul3A_1, %parallel_loop3A_729 : vector<16xi32>
          %parallel_loop3A_731 = arith.constant 0 : i32
          %parallel_loop3A_732 = arith.constant 0 : i32
          %parallel_loop3A_733 = tpu.memref_slice %run_scoped3A_28[%rem3A_221, %parallel_loop3A_731, %parallel_loop3A_732] : memref<2x32x900xf32, #tpu.memory_space<vmem>> -> memref<1x32x900xf32, #tpu.memory_space<vmem>>
          %parallel_loop3A_734 = tpu.memref_squeeze %parallel_loop3A_733 : memref<1x32x900xf32, #tpu.memory_space<vmem>> -> memref<32x900xf32, #tpu.memory_space<vmem>>
          tpu.vector_store_idx %parallel_loop3A_734[%parallel_loop3A_296, %parallel_loop3A_730], %parallel_loop3A_707 : memref<32x900xf32, #tpu.memory_space<vmem>>[vector<16xi32>, vector<16xi32>], vector<16xf32>,
          %parallel_loop3A_735 = arith.constant 723 : i32
          %parallel_loop3A_736 = vector.broadcast %parallel_loop3A_735 : i32 to vector<16xi32>
          %parallel_loop3A_737 = arith.addi %mul3A_1, %parallel_loop3A_736 : vector<16xi32>
          %parallel_loop3A_738 = arith.constant 0 : i32
          %parallel_loop3A_739 = arith.constant 0 : i32
          %parallel_loop3A_740 = tpu.memref_slice %run_scoped3A_28[%rem3A_221, %parallel_loop3A_738, %parallel_loop3A_739] : memref<2x32x900xf32, #tpu.memory_space<vmem>> -> memref<1x32x900xf32, #tpu.memory_space<vmem>>
          %parallel_loop3A_741 = tpu.memref_squeeze %parallel_loop3A_740 : memref<1x32x900xf32, #tpu.memory_space<vmem>> -> memref<32x900xf32, #tpu.memory_space<vmem>>
          tpu.vector_store_idx %parallel_loop3A_741[%parallel_loop3A_296, %parallel_loop3A_737], %parallel_loop3A_708 : memref<32x900xf32, #tpu.memory_space<vmem>>[vector<16xi32>, vector<16xi32>], vector<16xf32>,
          %parallel_loop3A_742 = arith.constant 724 : i32
          %parallel_loop3A_743 = vector.broadcast %parallel_loop3A_742 : i32 to vector<16xi32>
          %parallel_loop3A_744 = arith.addi %mul3A_1, %parallel_loop3A_743 : vector<16xi32>
          %parallel_loop3A_745 = arith.constant 0 : i32
          %parallel_loop3A_746 = arith.constant 0 : i32
          %parallel_loop3A_747 = tpu.memref_slice %run_scoped3A_28[%rem3A_221, %parallel_loop3A_745, %parallel_loop3A_746] : memref<2x32x900xf32, #tpu.memory_space<vmem>> -> memref<1x32x900xf32, #tpu.memory_space<vmem>>
          %parallel_loop3A_748 = tpu.memref_squeeze %parallel_loop3A_747 : memref<1x32x900xf32, #tpu.memory_space<vmem>> -> memref<32x900xf32, #tpu.memory_space<vmem>>
          tpu.vector_store_idx %parallel_loop3A_748[%parallel_loop3A_296, %parallel_loop3A_744], %parallel_loop3A_709 : memref<32x900xf32, #tpu.memory_space<vmem>>[vector<16xi32>, vector<16xi32>], vector<16xf32>,
          %parallel_loop3A_749 = arith.constant 725 : i32
          %parallel_loop3A_750 = vector.broadcast %parallel_loop3A_749 : i32 to vector<16xi32>
          %parallel_loop3A_751 = arith.addi %mul3A_1, %parallel_loop3A_750 : vector<16xi32>
          %parallel_loop3A_752 = arith.constant 0 : i32
          %parallel_loop3A_753 = arith.constant 0 : i32
          %parallel_loop3A_754 = tpu.memref_slice %run_scoped3A_28[%rem3A_221, %parallel_loop3A_752, %parallel_loop3A_753] : memref<2x32x900xf32, #tpu.memory_space<vmem>> -> memref<1x32x900xf32, #tpu.memory_space<vmem>>
          %parallel_loop3A_755 = tpu.memref_squeeze %parallel_loop3A_754 : memref<1x32x900xf32, #tpu.memory_space<vmem>> -> memref<32x900xf32, #tpu.memory_space<vmem>>
          tpu.vector_store_idx %parallel_loop3A_755[%parallel_loop3A_296, %parallel_loop3A_751], %parallel_loop3A_710 : memref<32x900xf32, #tpu.memory_space<vmem>>[vector<16xi32>, vector<16xi32>], vector<16xf32>,
          %parallel_loop3A_756 = arith.constant 726 : i32
          %parallel_loop3A_757 = vector.broadcast %parallel_loop3A_756 : i32 to vector<16xi32>
          %parallel_loop3A_758 = arith.addi %mul3A_1, %parallel_loop3A_757 : vector<16xi32>
          %parallel_loop3A_759 = arith.constant 0 : i32
          %parallel_loop3A_760 = arith.constant 0 : i32
          %parallel_loop3A_761 = tpu.memref_slice %run_scoped3A_28[%rem3A_221, %parallel_loop3A_759, %parallel_loop3A_760] : memref<2x32x900xf32, #tpu.memory_space<vmem>> -> memref<1x32x900xf32, #tpu.memory_space<vmem>>
          %parallel_loop3A_762 = tpu.memref_squeeze %parallel_loop3A_761 : memref<1x32x900xf32, #tpu.memory_space<vmem>> -> memref<32x900xf32, #tpu.memory_space<vmem>>
          tpu.vector_store_idx %parallel_loop3A_762[%parallel_loop3A_296, %parallel_loop3A_758], %parallel_loop3A_711 : memref<32x900xf32, #tpu.memory_space<vmem>>[vector<16xi32>, vector<16xi32>], vector<16xf32>,
          %parallel_loop3A_763 = arith.constant 727 : i32
          %parallel_loop3A_764 = vector.broadcast %parallel_loop3A_763 : i32 to vector<16xi32>
          %parallel_loop3A_765 = arith.addi %mul3A_1, %parallel_loop3A_764 : vector<16xi32>
          %parallel_loop3A_766 = arith.constant 0 : i32
          %parallel_loop3A_767 = arith.constant 0 : i32
          %parallel_loop3A_768 = tpu.memref_slice %run_scoped3A_28[%rem3A_221, %parallel_loop3A_766, %parallel_loop3A_767] : memref<2x32x900xf32, #tpu.memory_space<vmem>> -> memref<1x32x900xf32, #tpu.memory_space<vmem>>
          %parallel_loop3A_769 = tpu.memref_squeeze %parallel_loop3A_768 : memref<1x32x900xf32, #tpu.memory_space<vmem>> -> memref<32x900xf32, #tpu.memory_space<vmem>>
          tpu.vector_store_idx %parallel_loop3A_769[%parallel_loop3A_296, %parallel_loop3A_765], %parallel_loop3A_712 : memref<32x900xf32, #tpu.memory_space<vmem>>[vector<16xi32>, vector<16xi32>], vector<16xf32>,
          %parallel_loop3A_770 = arith.constant 728 : i32
          %parallel_loop3A_771 = vector.broadcast %parallel_loop3A_770 : i32 to vector<16xi32>
          %parallel_loop3A_772 = arith.addi %mul3A_1, %parallel_loop3A_771 : vector<16xi32>
          %parallel_loop3A_773 = arith.constant 0 : i32
          %parallel_loop3A_774 = arith.constant 0 : i32
          %parallel_loop3A_775 = tpu.memref_slice %run_scoped3A_28[%rem3A_221, %parallel_loop3A_773, %parallel_loop3A_774] : memref<2x32x900xf32, #tpu.memory_space<vmem>> -> memref<1x32x900xf32, #tpu.memory_space<vmem>>
          %parallel_loop3A_776 = tpu.memref_squeeze %parallel_loop3A_775 : memref<1x32x900xf32, #tpu.memory_space<vmem>> -> memref<32x900xf32, #tpu.memory_space<vmem>>
          tpu.vector_store_idx %parallel_loop3A_776[%parallel_loop3A_296, %parallel_loop3A_772], %parallel_loop3A_713 : memref<32x900xf32, #tpu.memory_space<vmem>>[vector<16xi32>, vector<16xi32>], vector<16xf32>,
          %parallel_loop3A_777 = arith.constant 84 : i32
          %parallel_loop3A_778 = vector.broadcast %parallel_loop3A_777 : i32 to vector<16xi32>
          %parallel_loop3A_779 = arith.addi %iota3A, %parallel_loop3A_778 : vector<16xi32>
          %parallel_loop3A_780 = arith.constant 0 : i32
          %parallel_loop3A_781 = arith.constant 0 : i32
          %parallel_loop3A_782 = tpu.memref_slice %run_scoped3A[%rem3A_219, %parallel_loop3A_780, %parallel_loop3A_781] : memref<2x32x100xi32, #tpu.memory_space<vmem>> -> memref<1x32x100xi32, #tpu.memory_space<vmem>>
          %parallel_loop3A_783 = tpu.memref_squeeze %parallel_loop3A_782 : memref<1x32x100xi32, #tpu.memory_space<vmem>> -> memref<32x100xi32, #tpu.memory_space<vmem>>
          %parallel_loop3A_784 = tpu.vector_load_idx %parallel_loop3A_783[%parallel_loop3A_296, %parallel_loop3A_779] : memref<32x100xi32, #tpu.memory_space<vmem>>[vector<16xi32>, vector<16xi32>], vector<16xi32>,
          %parallel_loop3A_785 = tpu.vector_load_idx %arg5[%broadcast_in_dim3A_2, %parallel_loop3A_784] : memref<9x256xf32, #tpu.memory_space<vmem>>[vector<16xi32>, vector<16xi32>], vector<16xf32>,
          %parallel_loop3A_786 = tpu.vector_load_idx %arg5[%broadcast_in_dim3A_4, %parallel_loop3A_784] : memref<9x256xf32, #tpu.memory_space<vmem>>[vector<16xi32>, vector<16xi32>], vector<16xf32>,
          %parallel_loop3A_787 = tpu.vector_load_idx %arg5[%broadcast_in_dim3A_6, %parallel_loop3A_784] : memref<9x256xf32, #tpu.memory_space<vmem>>[vector<16xi32>, vector<16xi32>], vector<16xf32>,
          %parallel_loop3A_788 = tpu.vector_load_idx %arg5[%broadcast_in_dim3A_8, %parallel_loop3A_784] : memref<9x256xf32, #tpu.memory_space<vmem>>[vector<16xi32>, vector<16xi32>], vector<16xf32>,
          %parallel_loop3A_789 = tpu.vector_load_idx %arg5[%broadcast_in_dim3A_10, %parallel_loop3A_784] : memref<9x256xf32, #tpu.memory_space<vmem>>[vector<16xi32>, vector<16xi32>], vector<16xf32>,
          %parallel_loop3A_790 = tpu.vector_load_idx %arg5[%broadcast_in_dim3A_12, %parallel_loop3A_784] : memref<9x256xf32, #tpu.memory_space<vmem>>[vector<16xi32>, vector<16xi32>], vector<16xf32>,
          %parallel_loop3A_791 = tpu.vector_load_idx %arg5[%broadcast_in_dim3A_14, %parallel_loop3A_784] : memref<9x256xf32, #tpu.memory_space<vmem>>[vector<16xi32>, vector<16xi32>], vector<16xf32>,
          %parallel_loop3A_792 = tpu.vector_load_idx %arg5[%broadcast_in_dim3A_16, %parallel_loop3A_784] : memref<9x256xf32, #tpu.memory_space<vmem>>[vector<16xi32>, vector<16xi32>], vector<16xf32>,
          %parallel_loop3A_793 = tpu.vector_load_idx %arg5[%broadcast_in_dim3A_18, %parallel_loop3A_784] : memref<9x256xf32, #tpu.memory_space<vmem>>[vector<16xi32>, vector<16xi32>], vector<16xf32>,
          %parallel_loop3A_794 = arith.constant 756 : i32
          %parallel_loop3A_795 = vector.broadcast %parallel_loop3A_794 : i32 to vector<16xi32>
          %parallel_loop3A_796 = arith.addi %mul3A_1, %parallel_loop3A_795 : vector<16xi32>
          %parallel_loop3A_797 = arith.constant 0 : i32
          %parallel_loop3A_798 = arith.constant 0 : i32
          %parallel_loop3A_799 = tpu.memref_slice %run_scoped3A_28[%rem3A_221, %parallel_loop3A_797, %parallel_loop3A_798] : memref<2x32x900xf32, #tpu.memory_space<vmem>> -> memref<1x32x900xf32, #tpu.memory_space<vmem>>
          %parallel_loop3A_800 = tpu.memref_squeeze %parallel_loop3A_799 : memref<1x32x900xf32, #tpu.memory_space<vmem>> -> memref<32x900xf32, #tpu.memory_space<vmem>>
          tpu.vector_store_idx %parallel_loop3A_800[%parallel_loop3A_296, %parallel_loop3A_796], %parallel_loop3A_785 : memref<32x900xf32, #tpu.memory_space<vmem>>[vector<16xi32>, vector<16xi32>], vector<16xf32>,
          %parallel_loop3A_801 = arith.constant 757 : i32
          %parallel_loop3A_802 = vector.broadcast %parallel_loop3A_801 : i32 to vector<16xi32>
          %parallel_loop3A_803 = arith.addi %mul3A_1, %parallel_loop3A_802 : vector<16xi32>
          %parallel_loop3A_804 = arith.constant 0 : i32
          %parallel_loop3A_805 = arith.constant 0 : i32
          %parallel_loop3A_806 = tpu.memref_slice %run_scoped3A_28[%rem3A_221, %parallel_loop3A_804, %parallel_loop3A_805] : memref<2x32x900xf32, #tpu.memory_space<vmem>> -> memref<1x32x900xf32, #tpu.memory_space<vmem>>
          %parallel_loop3A_807 = tpu.memref_squeeze %parallel_loop3A_806 : memref<1x32x900xf32, #tpu.memory_space<vmem>> -> memref<32x900xf32, #tpu.memory_space<vmem>>
          tpu.vector_store_idx %parallel_loop3A_807[%parallel_loop3A_296, %parallel_loop3A_803], %parallel_loop3A_786 : memref<32x900xf32, #tpu.memory_space<vmem>>[vector<16xi32>, vector<16xi32>], vector<16xf32>,
          %parallel_loop3A_808 = arith.constant 758 : i32
          %parallel_loop3A_809 = vector.broadcast %parallel_loop3A_808 : i32 to vector<16xi32>
          %parallel_loop3A_810 = arith.addi %mul3A_1, %parallel_loop3A_809 : vector<16xi32>
          %parallel_loop3A_811 = arith.constant 0 : i32
          %parallel_loop3A_812 = arith.constant 0 : i32
          %parallel_loop3A_813 = tpu.memref_slice %run_scoped3A_28[%rem3A_221, %parallel_loop3A_811, %parallel_loop3A_812] : memref<2x32x900xf32, #tpu.memory_space<vmem>> -> memref<1x32x900xf32, #tpu.memory_space<vmem>>
          %parallel_loop3A_814 = tpu.memref_squeeze %parallel_loop3A_813 : memref<1x32x900xf32, #tpu.memory_space<vmem>> -> memref<32x900xf32, #tpu.memory_space<vmem>>
          tpu.vector_store_idx %parallel_loop3A_814[%parallel_loop3A_296, %parallel_loop3A_810], %parallel_loop3A_787 : memref<32x900xf32, #tpu.memory_space<vmem>>[vector<16xi32>, vector<16xi32>], vector<16xf32>,
          %parallel_loop3A_815 = arith.constant 759 : i32
          %parallel_loop3A_816 = vector.broadcast %parallel_loop3A_815 : i32 to vector<16xi32>
          %parallel_loop3A_817 = arith.addi %mul3A_1, %parallel_loop3A_816 : vector<16xi32>
          %parallel_loop3A_818 = arith.constant 0 : i32
          %parallel_loop3A_819 = arith.constant 0 : i32
          %parallel_loop3A_820 = tpu.memref_slice %run_scoped3A_28[%rem3A_221, %parallel_loop3A_818, %parallel_loop3A_819] : memref<2x32x900xf32, #tpu.memory_space<vmem>> -> memref<1x32x900xf32, #tpu.memory_space<vmem>>
          %parallel_loop3A_821 = tpu.memref_squeeze %parallel_loop3A_820 : memref<1x32x900xf32, #tpu.memory_space<vmem>> -> memref<32x900xf32, #tpu.memory_space<vmem>>
          tpu.vector_store_idx %parallel_loop3A_821[%parallel_loop3A_296, %parallel_loop3A_817], %parallel_loop3A_788 : memref<32x900xf32, #tpu.memory_space<vmem>>[vector<16xi32>, vector<16xi32>], vector<16xf32>,
          %parallel_loop3A_822 = arith.constant 760 : i32
          %parallel_loop3A_823 = vector.broadcast %parallel_loop3A_822 : i32 to vector<16xi32>
          %parallel_loop3A_824 = arith.addi %mul3A_1, %parallel_loop3A_823 : vector<16xi32>
          %parallel_loop3A_825 = arith.constant 0 : i32
          %parallel_loop3A_826 = arith.constant 0 : i32
          %parallel_loop3A_827 = tpu.memref_slice %run_scoped3A_28[%rem3A_221, %parallel_loop3A_825, %parallel_loop3A_826] : memref<2x32x900xf32, #tpu.memory_space<vmem>> -> memref<1x32x900xf32, #tpu.memory_space<vmem>>
          %parallel_loop3A_828 = tpu.memref_squeeze %parallel_loop3A_827 : memref<1x32x900xf32, #tpu.memory_space<vmem>> -> memref<32x900xf32, #tpu.memory_space<vmem>>
          tpu.vector_store_idx %parallel_loop3A_828[%parallel_loop3A_296, %parallel_loop3A_824], %parallel_loop3A_789 : memref<32x900xf32, #tpu.memory_space<vmem>>[vector<16xi32>, vector<16xi32>], vector<16xf32>,
          %parallel_loop3A_829 = arith.constant 761 : i32
          %parallel_loop3A_830 = vector.broadcast %parallel_loop3A_829 : i32 to vector<16xi32>
          %parallel_loop3A_831 = arith.addi %mul3A_1, %parallel_loop3A_830 : vector<16xi32>
          %parallel_loop3A_832 = arith.constant 0 : i32
          %parallel_loop3A_833 = arith.constant 0 : i32
          %parallel_loop3A_834 = tpu.memref_slice %run_scoped3A_28[%rem3A_221, %parallel_loop3A_832, %parallel_loop3A_833] : memref<2x32x900xf32, #tpu.memory_space<vmem>> -> memref<1x32x900xf32, #tpu.memory_space<vmem>>
          %parallel_loop3A_835 = tpu.memref_squeeze %parallel_loop3A_834 : memref<1x32x900xf32, #tpu.memory_space<vmem>> -> memref<32x900xf32, #tpu.memory_space<vmem>>
          tpu.vector_store_idx %parallel_loop3A_835[%parallel_loop3A_296, %parallel_loop3A_831], %parallel_loop3A_790 : memref<32x900xf32, #tpu.memory_space<vmem>>[vector<16xi32>, vector<16xi32>], vector<16xf32>,
          %parallel_loop3A_836 = arith.constant 762 : i32
          %parallel_loop3A_837 = vector.broadcast %parallel_loop3A_836 : i32 to vector<16xi32>
          %parallel_loop3A_838 = arith.addi %mul3A_1, %parallel_loop3A_837 : vector<16xi32>
          %parallel_loop3A_839 = arith.constant 0 : i32
          %parallel_loop3A_840 = arith.constant 0 : i32
          %parallel_loop3A_841 = tpu.memref_slice %run_scoped3A_28[%rem3A_221, %parallel_loop3A_839, %parallel_loop3A_840] : memref<2x32x900xf32, #tpu.memory_space<vmem>> -> memref<1x32x900xf32, #tpu.memory_space<vmem>>
          %parallel_loop3A_842 = tpu.memref_squeeze %parallel_loop3A_841 : memref<1x32x900xf32, #tpu.memory_space<vmem>> -> memref<32x900xf32, #tpu.memory_space<vmem>>
          tpu.vector_store_idx %parallel_loop3A_842[%parallel_loop3A_296, %parallel_loop3A_838], %parallel_loop3A_791 : memref<32x900xf32, #tpu.memory_space<vmem>>[vector<16xi32>, vector<16xi32>], vector<16xf32>,
          %parallel_loop3A_843 = arith.constant 763 : i32
          %parallel_loop3A_844 = vector.broadcast %parallel_loop3A_843 : i32 to vector<16xi32>
          %parallel_loop3A_845 = arith.addi %mul3A_1, %parallel_loop3A_844 : vector<16xi32>
          %parallel_loop3A_846 = arith.constant 0 : i32
          %parallel_loop3A_847 = arith.constant 0 : i32
          %parallel_loop3A_848 = tpu.memref_slice %run_scoped3A_28[%rem3A_221, %parallel_loop3A_846, %parallel_loop3A_847] : memref<2x32x900xf32, #tpu.memory_space<vmem>> -> memref<1x32x900xf32, #tpu.memory_space<vmem>>
          %parallel_loop3A_849 = tpu.memref_squeeze %parallel_loop3A_848 : memref<1x32x900xf32, #tpu.memory_space<vmem>> -> memref<32x900xf32, #tpu.memory_space<vmem>>
          tpu.vector_store_idx %parallel_loop3A_849[%parallel_loop3A_296, %parallel_loop3A_845], %parallel_loop3A_792 : memref<32x900xf32, #tpu.memory_space<vmem>>[vector<16xi32>, vector<16xi32>], vector<16xf32>,
          %parallel_loop3A_850 = arith.constant 764 : i32
          %parallel_loop3A_851 = vector.broadcast %parallel_loop3A_850 : i32 to vector<16xi32>
          %parallel_loop3A_852 = arith.addi %mul3A_1, %parallel_loop3A_851 : vector<16xi32>
          %parallel_loop3A_853 = arith.constant 0 : i32
          %parallel_loop3A_854 = arith.constant 0 : i32
          %parallel_loop3A_855 = tpu.memref_slice %run_scoped3A_28[%rem3A_221, %parallel_loop3A_853, %parallel_loop3A_854] : memref<2x32x900xf32, #tpu.memory_space<vmem>> -> memref<1x32x900xf32, #tpu.memory_space<vmem>>
          %parallel_loop3A_856 = tpu.memref_squeeze %parallel_loop3A_855 : memref<1x32x900xf32, #tpu.memory_space<vmem>> -> memref<32x900xf32, #tpu.memory_space<vmem>>
          tpu.vector_store_idx %parallel_loop3A_856[%parallel_loop3A_296, %parallel_loop3A_852], %parallel_loop3A_793 : memref<32x900xf32, #tpu.memory_space<vmem>>[vector<16xi32>, vector<16xi32>], vector<16xf32>,
        } {sc.loop_unroll_factor = 4 : i64, sc.parallel_access}
        "tpu.trace_stop"() : () -> ()
        %ne3A_224 = arith.cmpi ne, %add3A_151, %add3A_169 : i32
        %or3A_225 = arith.constant false
        %or3A_226 = arith.ori %or3A_225, %ne3A_224 : i1
        %or3A_227 = arith.constant false
        %or3A_228 = arith.ori %or3A_226, %or3A_227 : i1
        %or3A_229 = arith.ori %or3A_228, %eq3A_150 : i1
        %convert_element_type3A_230 = arith.extui %or3A_229 : i1 to i32
        %cond3A_231 = arith.constant 0 : i32
        %cond3A_232 = arith.cmpi ne, %convert_element_type3A_230, %cond3A_231 : i32
        scf.if %cond3A_232 {
        } else {
        }
        %and3A_233 = arith.constant false
        %and3A_234 = arith.andi %or3A_229, %and3A_233 : i1
        %ne3A_235 = arith.cmpi ne, %add3A_151, %add3A_169 : i32
        %or3A_236 = arith.constant false
        %or3A_237 = arith.ori %or3A_236, %ne3A_235 : i1
        %or3A_238 = arith.constant false
        %or3A_239 = arith.ori %or3A_237, %or3A_238 : i1
        %or3A_240 = arith.ori %or3A_239, %eq3A_150 : i1
        %convert_element_type3A_241 = arith.extui %or3A_240 : i1 to i32
        %cond3A_242 = arith.constant 0 : i32
        %cond3A_243 = arith.cmpi ne, %convert_element_type3A_241, %cond3A_242 : i32
        scf.if %cond3A_243 {
          "tpu.trace_start"() <{level = 10 : i32, message = "ep_copy_out"}> : () -> ()
          %rem3A_295 = arith.constant 2 : i32
          %rem3A_296 = arith.remui %scan3A_144, %rem3A_295 : i32
          %mul3A_297 = arith.constant 32 : i32
          %mul3A_298 = arith.muli %mul3A_297, %add3A_151 : i32
          %dma_start3A_299 = arith.constant 0 : i32
          %dma_start3A_300 = arith.constant 0 : i32
          %dma_start3A_301 = tpu.memref_slice %run_scoped3A_28[%rem3A_296, %dma_start3A_299, %dma_start3A_300] : memref<2x32x900xf32, #tpu.memory_space<vmem>> -> memref<1x32x900xf32, #tpu.memory_space<vmem>>
          %dma_start3A_302 = tpu.memref_squeeze %dma_start3A_301 : memref<1x32x900xf32, #tpu.memory_space<vmem>> -> memref<32x900xf32, #tpu.memory_space<vmem>>
          %dma_start3A_303 = arith.constant 0 : i32
          %dma_start3A_304 = tpu.memref_slice %arg4[%mul3A_298, %dma_start3A_303] : memref<16384x900xf32, #tpu.memory_space<hbm>> -> memref<32x900xf32, #tpu.memory_space<hbm>>
          %dma_start3A_305 = tpu.memref_slice %run_scoped3A_29[%rem3A_296] : memref<2x!tpu.dma_semaphore, #tpu.memory_space<semaphore_mem>> -> memref<1x!tpu.dma_semaphore, #tpu.memory_space<semaphore_mem>>
          %dma_start3A_306 = tpu.memref_squeeze %dma_start3A_305 : memref<1x!tpu.dma_semaphore, #tpu.memory_space<semaphore_mem>> -> memref<!tpu.dma_semaphore, #tpu.memory_space<semaphore_mem>>
          %dma_start3A_307 = arith.constant 0 : i32
          %dma_start3A_308 = tpu.memref_slice %arg4[%mul3A_298, %dma_start3A_307] : memref<16384x900xf32, #tpu.memory_space<hbm>> -> memref<32x900xf32, #tpu.memory_space<hbm>>
          %dma_start3A_309 = arith.constant 0 : i32
          %dma_start3A_310 = arith.constant 0 : i32
          %dma_start3A_311 = tpu.memref_slice %run_scoped3A_28[%rem3A_296, %dma_start3A_309, %dma_start3A_310] : memref<2x32x900xf32, #tpu.memory_space<vmem>> -> memref<1x32x900xf32, #tpu.memory_space<vmem>>
          %dma_start3A_312 = tpu.memref_squeeze %dma_start3A_311 : memref<1x32x900xf32, #tpu.memory_space<vmem>> -> memref<32x900xf32, #tpu.memory_space<vmem>>
          tpu.enqueue_dma source(%dma_start3A_312 : memref<32x900xf32, #tpu.memory_space<vmem>>) target(%dma_start3A_308 : memref<32x900xf32, #tpu.memory_space<hbm>>) target_semaphore(%dma_start3A_306 : memref<!tpu.dma_semaphore, #tpu.memory_space<semaphore_mem>>)
          "tpu.trace_stop"() : () -> ()
        } else {
        }
        %and3A_244 = arith.constant true
        %and3A_245 = arith.andi %or3A_240, %and3A_244 : i1
        %add3A_246 = arith.constant 1 : i32
        %add3A_247 = arith.addi %scan3A_144, %add3A_246 : i32
        %select_n3A_248 = arith.select %and3A_245, %add3A_247, %scan3A_144 : i32
        %ne3A_249 = arith.cmpi ne, %add3A_151, %add3A_160 : i32
        %or3A_250 = arith.constant false
        %or3A_251 = arith.ori %or3A_250, %ne3A_249 : i1
        %or3A_252 = arith.constant false
        %or3A_253 = arith.ori %or3A_251, %or3A_252 : i1
        %not3A_254 = arith.constant true
        %not3A_255 = arith.xori %eq3A_148, %not3A_254 : i1
        %and3A_256 = arith.andi %or3A_253, %not3A_255 : i1
        %convert_element_type3A_257 = arith.extui %and3A_256 : i1 to i32
        %cond3A_258 = arith.constant 0 : i32
        %cond3A_259 = arith.cmpi ne, %convert_element_type3A_257, %cond3A_258 : i32
        scf.if %cond3A_259 {
        } else {
        }
        %and3A_260 = arith.constant false
        %and3A_261 = arith.andi %and3A_256, %and3A_260 : i1
        %ne3A_262 = arith.cmpi ne, %add3A_151, %add3A_160 : i32
        %or3A_263 = arith.constant false
        %or3A_264 = arith.ori %or3A_263, %ne3A_262 : i1
        %or3A_265 = arith.constant false
        %or3A_266 = arith.ori %or3A_264, %or3A_265 : i1
        %not3A_267 = arith.constant true
        %not3A_268 = arith.xori %eq3A_148, %not3A_267 : i1
        %and3A_269 = arith.andi %or3A_266, %not3A_268 : i1
        %convert_element_type3A_270 = arith.extui %and3A_269 : i1 to i32
        %cond3A_271 = arith.constant 0 : i32
        %cond3A_272 = arith.cmpi ne, %convert_element_type3A_270, %cond3A_271 : i32
        scf.if %cond3A_272 {
          "tpu.trace_start"() <{level = 10 : i32, message = "ep_wait_out"}> : () -> ()
          %rem3A_295 = arith.constant 2 : i32
          %rem3A_296 = arith.remui %scan3A_145, %rem3A_295 : i32
          %mul3A_297 = arith.constant 32 : i32
          %mul3A_298 = arith.muli %mul3A_297, %add3A_160 : i32
          %dma_wait3A_299 = arith.constant 0 : i32
          %dma_wait3A_300 = arith.constant 0 : i32
          %dma_wait3A_301 = tpu.memref_slice %run_scoped3A_28[%rem3A_296, %dma_wait3A_299, %dma_wait3A_300] : memref<2x32x900xf32, #tpu.memory_space<vmem>> -> memref<1x32x900xf32, #tpu.memory_space<vmem>>
          %dma_wait3A_302 = tpu.memref_squeeze %dma_wait3A_301 : memref<1x32x900xf32, #tpu.memory_space<vmem>> -> memref<32x900xf32, #tpu.memory_space<vmem>>
          %dma_wait3A_303 = arith.constant 0 : i32
          %dma_wait3A_304 = tpu.memref_slice %arg4[%mul3A_298, %dma_wait3A_303] : memref<16384x900xf32, #tpu.memory_space<hbm>> -> memref<32x900xf32, #tpu.memory_space<hbm>>
          %dma_wait3A_305 = tpu.memref_slice %run_scoped3A_29[%rem3A_296] : memref<2x!tpu.dma_semaphore, #tpu.memory_space<semaphore_mem>> -> memref<1x!tpu.dma_semaphore, #tpu.memory_space<semaphore_mem>>
          %dma_wait3A_306 = tpu.memref_squeeze %dma_wait3A_305 : memref<1x!tpu.dma_semaphore, #tpu.memory_space<semaphore_mem>> -> memref<!tpu.dma_semaphore, #tpu.memory_space<semaphore_mem>>
          %dma_wait3A_307 = arith.constant 0 : i32
          %dma_wait3A_308 = tpu.memref_slice %arg4[%mul3A_298, %dma_wait3A_307] : memref<16384x900xf32, #tpu.memory_space<hbm>> -> memref<32x900xf32, #tpu.memory_space<hbm>>
          %dma_wait3A_309 = arith.constant 0 : i32
          %dma_wait3A_310 = arith.constant 0 : i32
          %dma_wait3A_311 = tpu.memref_slice %run_scoped3A_28[%rem3A_296, %dma_wait3A_309, %dma_wait3A_310] : memref<2x32x900xf32, #tpu.memory_space<vmem>> -> memref<1x32x900xf32, #tpu.memory_space<vmem>>
          %dma_wait3A_312 = tpu.memref_squeeze %dma_wait3A_311 : memref<1x32x900xf32, #tpu.memory_space<vmem>> -> memref<32x900xf32, #tpu.memory_space<vmem>>
          tpu.wait_dma2 semaphore(%dma_wait3A_306 : memref<!tpu.dma_semaphore, #tpu.memory_space<semaphore_mem>>) src(%dma_wait3A_312 : memref<32x900xf32, #tpu.memory_space<vmem>>) dst(%dma_wait3A_308 : memref<32x900xf32, #tpu.memory_space<hbm>>)
          "tpu.trace_stop"() : () -> ()
        } else {
        }
        %and3A_273 = arith.constant true
        %and3A_274 = arith.andi %and3A_269, %and3A_273 : i1
        %add3A_275 = arith.constant 1 : i32
        %add3A_276 = arith.addi %scan3A_145, %add3A_275 : i32
        %select_n3A_277 = arith.select %and3A_274, %add3A_276, %scan3A_145 : i32
        %ne3A_278 = arith.cmpi ne, %add3A_151, %add3A_169 : i32
        %or3A_279 = arith.constant false
        %or3A_280 = arith.ori %or3A_279, %ne3A_278 : i1
        %or3A_281 = arith.constant false
        %or3A_282 = arith.ori %or3A_280, %or3A_281 : i1
        %or3A_283 = arith.ori %or3A_282, %eq3A_150 : i1
        %add3A_284 = arith.constant 1 : i32
        %add3A_285 = arith.addi %scan3A_143, %add3A_284 : i32
        %select_n3A_286 = arith.select %or3A_283, %add3A_285, %scan3A_143 : i32
        %add3A_287 = arith.constant 1 : i32
        %add3A_288 = arith.addi %scan3A_146, %add3A_287 : i32
        %select_n3A_289 = arith.constant true
        %select_n3A_290 = arith.select %select_n3A_289, %add3A_288, %scan3A_146 : i32
        %eq3A_291 = arith.constant 16 : i32
        %eq3A_292 = arith.cmpi eq, %select_n3A_290, %eq3A_291 : i32
        %select_n3A_293 = arith.constant 0 : i32
        %select_n3A_294 = arith.select %eq3A_292, %select_n3A_293, %select_n3A_290 : i32
        scf.yield %select_n3A_189, %select_n3A_286, %select_n3A_248, %select_n3A_277, %select_n3A_294 : i32, i32, i32, i32, i32
      }
      %scan3A_88 = arith.constant 16 : i32
      %sub3A = arith.constant 1 : i32
      %sub3A_89 = arith.subi %scan3A_87#4, %sub3A : i32
      %select_n3A_90 = arith.constant true
      %select_n3A_91 = arith.select %select_n3A_90, %sub3A_89, %scan3A_87#4 : i32
      %eq3A_92 = arith.constant -1 : i32
      %eq3A_93 = arith.cmpi eq, %select_n3A_91, %eq3A_92 : i32
      %select_n3A_94 = arith.constant 15 : i32
      %select_n3A_95 = arith.select %eq3A_93, %select_n3A_94, %select_n3A_91 : i32
      %add3A_96 = arith.addi %select_n3A_95, %mul3A_26 : i32
      %sub3A_97 = arith.constant 1 : i32
      %sub3A_98 = arith.subi %select_n3A_95, %sub3A_97 : i32
      %select_n3A_99 = arith.constant true
      %select_n3A_100 = arith.select %select_n3A_99, %sub3A_98, %select_n3A_95 : i32
      %eq3A_101 = arith.constant -1 : i32
      %eq3A_102 = arith.cmpi eq, %select_n3A_100, %eq3A_101 : i32
      %select_n3A_103 = arith.constant 15 : i32
      %select_n3A_104 = arith.select %eq3A_102, %select_n3A_103, %select_n3A_100 : i32
      %add3A_105 = arith.addi %select_n3A_104, %mul3A_26 : i32
      %add3A_106 = arith.constant 1 : i32
      %add3A_107 = arith.addi %select_n3A_95, %add3A_106 : i32
      %select_n3A_108 = arith.constant true
      %select_n3A_109 = arith.select %select_n3A_108, %add3A_107, %select_n3A_95 : i32
      %eq3A_110 = arith.constant 16 : i32
      %eq3A_111 = arith.cmpi eq, %select_n3A_109, %eq3A_110 : i32
      %select_n3A_112 = arith.constant 0 : i32
      %select_n3A_113 = arith.select %eq3A_111, %select_n3A_112, %select_n3A_109 : i32
      %add3A_114 = arith.addi %select_n3A_113, %mul3A_26 : i32
      %add3A_115 = arith.constant 1 : i32
      %add3A_116 = arith.addi %select_n3A_113, %add3A_115 : i32
      %select_n3A_117 = arith.constant true
      %select_n3A_118 = arith.select %select_n3A_117, %add3A_116, %select_n3A_113 : i32
      %eq3A_119 = arith.constant 16 : i32
      %eq3A_120 = arith.cmpi eq, %select_n3A_118, %eq3A_119 : i32
      %select_n3A_121 = arith.constant 0 : i32
      %select_n3A_122 = arith.select %eq3A_120, %select_n3A_121, %select_n3A_118 : i32
      %add3A_123 = arith.addi %select_n3A_122, %mul3A_26 : i32
      "tpu.trace_start"() <{level = 10 : i32, message = "ep_finalize"}> : () -> ()
      %rem3A_124 = arith.constant 2 : i32
      %rem3A_125 = arith.remui %scan3A_87#3, %rem3A_124 : i32
      %mul3A_126 = arith.constant 32 : i32
      %mul3A_127 = arith.muli %mul3A_126, %add3A_96 : i32
      %dma_wait3A = arith.constant 0 : i32
      %dma_wait3A_128 = arith.constant 0 : i32
      %dma_wait3A_129 = tpu.memref_slice %run_scoped3A_28[%rem3A_125, %dma_wait3A, %dma_wait3A_128] : memref<2x32x900xf32, #tpu.memory_space<vmem>> -> memref<1x32x900xf32, #tpu.memory_space<vmem>>
      %dma_wait3A_130 = tpu.memref_squeeze %dma_wait3A_129 : memref<1x32x900xf32, #tpu.memory_space<vmem>> -> memref<32x900xf32, #tpu.memory_space<vmem>>
      %dma_wait3A_131 = arith.constant 0 : i32
      %dma_wait3A_132 = tpu.memref_slice %arg4[%mul3A_127, %dma_wait3A_131] : memref<16384x900xf32, #tpu.memory_space<hbm>> -> memref<32x900xf32, #tpu.memory_space<hbm>>
      %dma_wait3A_133 = tpu.memref_slice %run_scoped3A_29[%rem3A_125] : memref<2x!tpu.dma_semaphore, #tpu.memory_space<semaphore_mem>> -> memref<1x!tpu.dma_semaphore, #tpu.memory_space<semaphore_mem>>
      %dma_wait3A_134 = tpu.memref_squeeze %dma_wait3A_133 : memref<1x!tpu.dma_semaphore, #tpu.memory_space<semaphore_mem>> -> memref<!tpu.dma_semaphore, #tpu.memory_space<semaphore_mem>>
      %dma_wait3A_135 = arith.constant 0 : i32
      %dma_wait3A_136 = tpu.memref_slice %arg4[%mul3A_127, %dma_wait3A_135] : memref<16384x900xf32, #tpu.memory_space<hbm>> -> memref<32x900xf32, #tpu.memory_space<hbm>>
      %dma_wait3A_137 = arith.constant 0 : i32
      %dma_wait3A_138 = arith.constant 0 : i32
      %dma_wait3A_139 = tpu.memref_slice %run_scoped3A_28[%rem3A_125, %dma_wait3A_137, %dma_wait3A_138] : memref<2x32x900xf32, #tpu.memory_space<vmem>> -> memref<1x32x900xf32, #tpu.memory_space<vmem>>
      %dma_wait3A_140 = tpu.memref_squeeze %dma_wait3A_139 : memref<1x32x900xf32, #tpu.memory_space<vmem>> -> memref<32x900xf32, #tpu.memory_space<vmem>>
      tpu.wait_dma2 semaphore(%dma_wait3A_134 : memref<!tpu.dma_semaphore, #tpu.memory_space<semaphore_mem>>) src(%dma_wait3A_140 : memref<32x900xf32, #tpu.memory_space<vmem>>) dst(%dma_wait3A_136 : memref<32x900xf32, #tpu.memory_space<hbm>>)
      "tpu.trace_stop"() : () -> ()
      tpu.yield
    }) : () -> ()
    return
  }
}

</mosaic_0001>

<sc_bundles>
// kernel: kernel.3.cloned.1.call-start
scs
__scs_entry_jumppad:
0x0: {  	(pc) =	sbr.rel $0x88, $3  }
0x1: {  	(tag) =	ssettag $0x0;
	lr =	simm.s32 $0x1  }
0x2: {  	[smem:$0x3F9E] =	sst lr;
	_ =	strace $0xD0000000  }
0x3: {  	_ = 	snop  }
0x4: {  	_ = 	snop  }
0x5: {  	_ = 	snop  }
0x6: {  	_ = 	snop  }
0x7: {  	_ = 	snop  }
__scs_overlays_trampoline_lowered:
0x8: {  	[smem:$0x3FAD] =	sst s0  }
0x9: {  	[smem:$0x3FAE] =	sst s1  }
0xa: {  	[smem:$0x3FAF] =	sst s2  }
0xb: {  	[smem:$0x3FB0] =	sst s3  }
0xc: {  	[smem:$0x3FB1] =	sst s4  }
0xd: {  	[smem:$0x3FB2] =	sst s5  }
0xe: {  	[smem:$0x3FB3] =	sst s6  }
0xf: {  	[smem:$0x3FB4] =	sst s7  }
0x10: {  	[smem:$0x3FB5] =	sst s8  }
0x11: {  	[smem:$0x3FB6] =	sst s9;
	s0 =	simm.s32 @!p0 $0x0  }
0x12: {  	s1 =	sld [smem:$0x3F9C];
	s0 =	simm.s32 @p0 $0x1  }
0x13: {  	[smem:$0x3FB7] =	sst s0;
	s0 =	simm.s32 @!p1 $0x0  }
0x14: {  	s2 =	sld [smem:$0x3F9B];
	s0 =	simm.s32 @p1 $0x1  }
0x15: {  	[smem:$0x3FB8] =	sst s0;
	s0 =	simm.s32 @!p2 $0x0  }
0x16: {  	s3 =	sld [smem:$0x3FDB];
	s0 =	simm.s32 @p2 $0x1  }
0x17: {  	s4 =	simm.s32 $0x1BF5;
	[smem:$0x3FBA] =	sst s0  }
0x18: {  	s0 =	sld [smem:$0x3F9D];
	_ =	swait.ge [sflag:s4], $0x0  }
0x19: {  	s7 =	sld [smem:$0x3F9E]  }
0x1a: {  	s8 =	sadd.s32 $0xFFFFE003, lr  }
0x1b: {  	s9 =	sadd.s32 $0xFFFFFEF7, lr;
	s5 =	simm.s32 $0xFFFFFFFF;
	p2 =	slt.u32 s8, $0xFFFFF086  }
0x1c: {  	p1 =	slt.u32 s9, $0xF7A;
	s5 =	simm.s32 @!p2 $0x0  }
0x1d: {  	s5 =	simm.s32 @p1 $0x1;
	p0 =	seq.s32 s7, s2  }
0x1e: {  	s7 =	smul.u32 @!p0 $0xF7A, s2;
	p2 =	seq.s32 @!p0 s5, $0x0  }
0x1f: {  	s9 =	smul.u32 $0xF7A, s1;
	s8 =	simm.s32 @!p0 $0x1BF5;
	p2 =	por !p2, p0  }
0x20: {  	[sflag:s8] =	ssyncset.s32 @!p0 $0xFFFFF086;
	s6 =	sadd.s32 @!p0 s3, s7;
	s7 =	simm.s32 @!p0 $0x108  }
0x21: {  	s3 =	sadd.s32 s3, s9;
	s6 =	sadd.s32 @!p0 $0x88, s6;
	s7 =	simm.s32 @p2 $0x1082  }
0x22: {  	[simem:s7], [sflag:s8] =	dma.local @!p0 [hbm:s6], $0xF7A  }
0x23: {  	s9 =	sor.u32 $0xD0000000, s2;
	s6 =	simm.s32 $0x108;
	_ =	swait.ge @!p0 [sflag:s8], $0x0  }
0x24: {  	s3 =	sadd.s32 $0x88, s3;
	s6 =	simm.s32 @!p1 $0x1082;
	[sflag:s4] =	ssyncset.s32 $0xFFFFF086  }
0x25: {  	[simem:s6], [sflag:s4] =	dma.local [hbm:s3], $0xF7A  }
0x26: {  	[smem:$0x3F9E] =	sst s1;
	(tag) =	ssettag s2;
	_ =	strace s9  }
0x27: {  	s1 =	sld [smem:$0x3FAE]  }
0x28: {  	s2 =	sld [smem:$0x3FAF]  }
0x29: {  	s4 =	sld [smem:$0x3FB1]  }
0x2a: {  	p0 =	seq.s32 s5, $0x0;
	s5 =	sld [smem:$0x3FB2]  }
0x2b: {  	s6 =	sld [smem:$0x3FB3]  }
0x2c: {  	s7 =	sld [smem:$0x3FB4]  }
0x2d: {  	s3 =	simm.s32 $0x108;
	s8 =	sld [smem:$0x3FB5]  }
0x2e: {  	s3 =	simm.s32 @!p0 $0x1082;
	s9 =	sld [smem:$0x3FB6]  }
0x2f: {  	lr =	sadd.s32 s0, s3;
	s0 =	sld [smem:$0x3FAD]  }
0x30: {  	s3 =	sld [smem:$0x3FB0]  }
0x31: {  	[smem:$0x3FB9] =	sst s10  }
0x32: {  	s10 =	sld [smem:$0x3FB7];
	_ =	sdelay $0x3  }
0x33: {  	p0 =	seq.s32 s10, $0x1;
	s10 =	sld [smem:$0x3FB9];
	_ =	sdelay $0x3  }
0x34: {  	[smem:$0x3FB9] =	sst s10  }
0x35: {  	s10 =	sld [smem:$0x3FB8];
	_ =	sdelay $0x3  }
0x36: {  	p1 =	seq.s32 s10, $0x1;
	s10 =	sld [smem:$0x3FB9];
	_ =	sdelay $0x3  }
0x37: {  	[smem:$0x3FB9] =	sst s10  }
0x38: {  	s10 =	sld [smem:$0x3FBA]  }
0x39: {  	_ = 	snop;
	(pc) =	sbr.ind lr, $3  }
0x3a: {  	_ = 	snop  }
0x3b: {  	_ = 	snop  }
0x3c: {  	p2 =	seq.s32 s10, $0x1;
	s10 =	sld [smem:$0x3FB9]  }
0x3d: {  	_ =	shalt  }
0x3e: {  	_ =	shalt  }
0x3f: {  	_ =	shalt  }
0x40: {  	_ =	shalt  }
0x41: {  	_ =	shalt  }
0x42: {  	_ =	shalt  }
0x43: {  	_ =	shalt  }
0x44: {  	_ =	shalt  }
0x45: {  	_ =	shalt  }
0x46: {  	_ =	shalt  }
0x47: {  	_ =	shalt  }
0x48: {  	_ =	shalt  }
0x49: {  	_ =	shalt  }
0x4a: {  	_ =	shalt  }
0x4b: {  	_ =	shalt  }
0x4c: {  	_ =	shalt  }
0x4d: {  	_ =	shalt  }
0x4e: {  	_ =	shalt  }
0x4f: {  	_ =	shalt  }
0x50: {  	_ =	shalt  }
0x51: {  	_ =	shalt  }
0x52: {  	_ =	shalt  }
0x53: {  	_ =	shalt  }
0x54: {  	_ =	shalt  }
0x55: {  	_ =	shalt  }
0x56: {  	_ =	shalt  }
0x57: {  	_ =	shalt  }
0x58: {  	_ =	shalt  }
0x59: {  	_ =	shalt  }
0x5a: {  	_ =	shalt  }
0x5b: {  	_ =	shalt  }
0x5c: {  	_ =	shalt  }
0x5d: {  	_ =	shalt  }
0x5e: {  	_ =	shalt  }
0x5f: {  	_ =	shalt  }
0x60: {  	_ =	shalt  }
0x61: {  	_ =	shalt  }
0x62: {  	_ =	shalt  }
0x63: {  	_ =	shalt  }
0x64: {  	_ =	shalt  }
0x65: {  	_ =	shalt  }
0x66: {  	_ =	shalt  }
0x67: {  	_ =	shalt  }
0x68: {  	_ =	shalt  }
0x69: {  	_ =	shalt  }
0x6a: {  	_ =	shalt  }
0x6b: {  	_ =	shalt  }
0x6c: {  	_ =	shalt  }
0x6d: {  	_ =	shalt  }
0x6e: {  	_ =	shalt  }
0x6f: {  	_ =	shalt  }
0x70: {  	_ =	shalt  }
0x71: {  	_ =	shalt  }
0x72: {  	_ =	shalt  }
0x73: {  	_ =	shalt  }
0x74: {  	_ =	shalt  }
0x75: {  	_ =	shalt  }
0x76: {  	_ =	shalt  }
0x77: {  	_ =	shalt  }
0x78: {  	_ =	shalt  }
0x79: {  	_ =	shalt  }
0x7a: {  	_ =	shalt  }
0x7b: {  	_ =	shalt  }
0x7c: {  	_ =	shalt  }
0x7d: {  	_ =	shalt  }
0x7e: {  	_ =	shalt  }
0x7f: {  	_ =	shalt  }
0x80: {  	_ =	shalt  }
0x81: {  	_ =	shalt  }
0x82: {  	_ =	shalt  }
0x83: {  	_ =	shalt  }
0x84: {  	_ =	shalt  }
0x85: {  	_ =	shalt  }
0x86: {  	_ =	shalt  }
0x87: {  	_ =	shalt  }
.Lfunc_end0:
.L_simem_size_0:
called_computation_lowered:
.L_overlay_start_0:
0x88: {  	s2 =	sld [smem:$0x3FD9]  }
0x89: {  	s3 =	sld [smem:$0x3FFE];
	_ =	sdelay $0x1  }
0x8a: {  	s1 =	srdreg.scid  }
0x8b: {  	s0 =	sand.u32 $0x1, s1  }
0x8c: {  	s17 =	sshll.u32 s0, $0xA;
	s2 =	sadd.s32 s3, s2  }
0x8d: {  	s2 =	sadd.s32 s2, s17  }
0x8e: {  	[smem:$0x3FC5] =	sst s2  }
0x8f: {  	_ = 	snop  }
0x90: {  	s2 =	sld [smem:$0x3FD0];
	(tm) =	ssettm $0x1  }
0x91: {  	s18 =	sld [smem:$0x3FFB];
	_ =	sdelay $0x3  }
0x92: {  	_ =	strace s18  }
0x93: {  	s3 =	sld [smem:$0x3FFC];
	_ =	sdelay $0x3  }
0x94: {  	_ =	strace s3  }
0x95: {  	s3 =	sld [smem:$0x3FFD];
	_ =	sdelay $0x3  }
0x96: {  	_ =	strace s3  }
0x97: {  	_ =	strace $0x8FFFFFFF  }
0x98: {  	s19 =	sld [smem:$0x3FDB];
	_ =	sdelay $0x1  }
0x99: {  	s4 =	simm.s32 $_scs_section_size  }
0x9a: {  	s5 =	simm.s32 $_size__tile_overlayer_lowered;
	s6 =	simm.s32 $_tile_overlayer_lowered  }
0x9b: {  	s22 =	simm.s32 $0x1BFF;
	s21 =	sshll.u32 s6, $0x1;
	s3 =	sadd.s32 s4, s19  }
0x9c: {  	s7 =	simm.s32 $0x0;
	s20 =	sshll.u32 s5, $0x1;
	s5 =	sadd.s32 s21, s3  }
0x9d: {  	[timem:s7], [sflag:s22] =	dma.local [hbm:s5], s20  }
0x9e: {  	_ =	swait.ge [sflag:s22], s20  }
0x9f: {  	s4 =	ssub.s32 $0x0, s20;
	[sflag:s22] =	ssyncset.done $0x0  }
0xa0: {  	[sflag:s22] =	ssyncadd.s32 s4;
	_ =	sdelay $0x1  }
0xa1: {  	s23 =	simm.s32 $0x1B8B  }
0xa2: {  	_ =	swait.ge [sflag:s23], $0x1  }
0xa3: {  	[sflag:s23] =	ssyncset.done $0x0  }
0xa4: {  	s25 =	simm.s32 $0x1B8E;
	s24 =	sld [smem:$0x3FFE];
	[sflag:s23] =	ssyncadd.s32 $0xFFFFFFFF  }
0xa5: {  	s26 =	simm.s32 $execute0_lowered;
	[smem:$0x3FD2] =	sst s25  }
0xa6: {  	s5 =	sshll.u32 s26, $0x1;
	_ =	strace $0x80000046;
	[dreg:$0x1] =	wrdreg $0xFFFFFFFF  }
0xa7: {  	s28 =	simm.s32 $_size_execute0_lowered;
	s3 =	sadd.s32 s3, s5;
	[dreg:$0x0] =	wrdreg $0x0  }
0xa8: {  	s5 =	sshll.u32 s28, $0x1;
	[dreg:$0x2] =	wrdreg s3  }
0xa9: {  	[dreg:$0x3] =	wrdreg s5  }
0xaa: {  	[dreg:$0x4] =	wrdreg $0xC0  }
0xab: {  	_ =	task [dreg:s7], $0x5FFFF  }
0xac: {  	[dreg:$0x1] =	wrdreg $0xFFFFFFFF  }
0xad: {  	[dreg:$0x0] =	wrdreg $0x60  }
0xae: {  	[dreg:$0x2] =	wrdreg s24  }
0xaf: {  	[dreg:$0x3] =	wrdreg s2  }
0xb0: {  	[dreg:$0x4] =	wrdreg $0x9  }
0xb1: {  	_ =	task.clear_ibuf [dreg:s7], $0x5FFFF;
	_ =	strace $0x90000046  }
0xb2: {  	s29 =	simm.s32 $0x9;
	_ =	strace $0x8000004F  }
0xb3: {  	_ =	swait.ge [sflag:s29], $0x1  }
0xb4: {  	[sflag:s29] =	ssyncadd.s32 $0xFFFFFFFF  }
0xb5: {  	_ =	strace $0x9000004F  }
0xb6: {  	_ =	sfence  }
0xb7: {  	s30 =	sld [smem:$0x0];
	_ =	sdelay $0x2  }
0xb8: {  	s31 =	sshll.u32 s1, $0xD;
	s1 =	sshrl.u32 s1, $0x2  }
0xb9: {  	s3 =	sand.u32 $0x4000, s31;
	s1 =	sadd.s32 s1, s30  }
0xba: {  	s0 =	sor.u32 s3, s0;
	s1 =	sshll.u32 s1, $0x11  }
0xbb: {  	s0 =	sor.u32 s1, s0  }
0xbc: {  	s0 =	sadd.s32 $0x8F2B, s0  }
0xbd: {  	[sflag:s0] =	ssyncadd.remote.s32 $0x1  }
0xbe: {  	_ =	sfence.sel $0xFFFF  }
0xbf: {  	[dreg:$0x0] =	wrdreg $0xFFFFFFFF;
	(pc) =	sbr.abs _section_cstart, $3  }
0xc0: {  	[dreg:$0x1] =	wrdreg $0xFFFFFFFF  }
0xc1: {  	_ =	task.clear_ibuf [dreg:s7], $0x2FFFF;
	_ =	strace $0x9FFFFFFF  }
0xc2: {  	(tm) =	ssettm $0x7FFFFFFF  }
0xc3: {  	_ =	shalt  }
tec
execute0_lowered:
.L_overlay_start_1:
0x0: {  	(tag) =	ssettag $0x1  }
0x1: {  	v0 =	vimm.s32 $0x1B120900;
	v1 =	vimm.s32 $0x3F362D24  }
0x2: {  	vm1 =	vcmask $0xF00;
	v2 =	vimm.s32 $0x635A5148;
	v0 =	vunpack.c.0.s8.s32 v0  }
0x3: {  	vm2 =	vcmask $0x1F10;
	vm5 =	vcmask $0x2F20;
	v1 =	vunpack.c.0.s8.s32 v1  }
0x4: {  	vm0 =	vcmask $0x3B30;
	v2 =	vunpack.c.0.s8.s32 v2;
	v0 =	vnsel vm1, $0x407, v0  }
0x5: {  	v3 =	vimm.s32 $0x40372E25;
	v0 =	vsel vm2, v1, v0;
	v1 =	vimm.s32 $0x7E756C  }
0x6: {  	v0 =	vsel vm5, v2, v0;
	v1 =	vunpack.c.0.s8.s32 v1;
	v2 =	vimm.s32 $0x1C130A01  }
0x7: {  	v4 =	vimm.s32 $0x7F766D;
	vm6 =	vcmask $0x3730;
	v2 =	vunpack.c.0.s8.s32 v2  }
0x8: {  	v20 =	vsel vm0, v1, v0;
	v0 =	vunpack.c.0.s8.s32 v3;
	v1 =	vimm.s32 $0x645B5249  }
0x9: {  	v3 =	vimm.s32 $0x1D140B02;
	v2 =	vnsel vm1, $0x408, v2;
	v1 =	vunpack.c.0.s8.s32 v1  }
0xa: {  	v0 =	vsel vm2, v0, v2;
	v2 =	vunpack.c.0.s8.s32 v3;
	v3 =	vimm.s32 $0x41382F26  }
0xb: {  	v0 =	vsel vm5, v1, v0;
	v1 =	vunpack.c.0.s8.s32 v3;
	v3 =	vimm.s32 $0x655C534A  }
0xc: {  	v5 =	vimm.s32 $0x42393027;
	v2 =	vnsel vm1, $0x409, v2;
	v3 =	vunpack.c.0.s8.s32 v3  }
0xd: {  	v4 =	vunpack.c.0.s8.s32 v4;
	v1 =	vsel vm2, v1, v2;
	v2 =	vimm.s32 $0x776E  }
0xe: {  	v1 =	vsel vm5, v3, v1;
	v2 =	vunpack.c.0.s8.s32 v2;
	v3 =	vimm.s32 $0x1E150C03  }
0xf: {  	v6 =	vimm.s32 $0x675E554C;
	v21 =	vsel vm0, v4, v0;
	v3 =	vunpack.c.0.s8.s32 v3  }
0x10: {  	vm0 =	vcmask $0x3B38;
	v0 =	vsel vm6, v2, v1;
	v1 =	vunpack.c.0.s8.s32 v5  }
0x11: {  	v4 =	vimm.s32 $0x786F;
	v2 =	vnsel vm1, $0x40A, v3;
	v3 =	vimm.s32 $0x665D544B  }
0x12: {  	v1 =	vsel vm2, v1, v2;
	v2 =	vunpack.c.0.s8.s32 v3;
	v3 =	vimm.s32 $0x1F160D04  }
0x13: {  	v4 =	vunpack.c.0.s8.s32 v4;
	v5 =	vimm.s32 $0x433A3128;
	v3 =	vunpack.c.0.s8.s32 v3  }
0x14: {  	v5 =	vunpack.c.0.s8.s32 v5;
	v0 =	vsel vm0, $0x400, v0;
	v1 =	vsel vm5, v2, v1  }
0x15: {  	[tilespmem:$0x1FC00] =	vst v0;
	v2 =	vnsel vm1, $0x40B, v3;
	v3 =	vunpack.c.0.s8.s32 v6;
	v0 =	vsel vm6, v4, v1  }
0x16: {  	v4 =	vimm.s32 $0x685F564D;
	v1 =	vsel vm2, v5, v2;
	v0 =	vsel vm0, $0x401, v0  }
0x17: {  	v2 =	vimm.s32 $0x7970;
	[tilespmem:$0x1FC10] =	vst v0;
	v0 =	vsel vm5, v3, v1;
	v1 =	vimm.s32 $0x20170E05  }
0x18: {  	v3 =	vimm.s32 $0x443B3229;
	v2 =	vunpack.c.0.s8.s32 v2;
	v1 =	vunpack.c.0.s8.s32 v1  }
0x19: {  	v4 =	vunpack.c.0.s8.s32 v4;
	v3 =	vunpack.c.0.s8.s32 v3  }
0x1a: {  	v5 =	vimm.s32 $0x7A71;
	v0 =	vsel vm6, v2, v0;
	v1 =	vnsel vm1, $0x40C, v1  }
0x1b: {  	v2 =	vunpack.c.0.s8.s32 v5;
	v0 =	vsel vm0, $0x402, v0;
	v1 =	vsel vm2, v3, v1  }
0x1c: {  	v7 =	vimm.s32 $0x473E352C;
	[tilespmem:$0x1FC20] =	vst v0;
	v0 =	vsel vm5, v4, v1  }
0x1d: {  	vm3 =	vcmask $0xB08;
	vm4 =	vcmask $0xF0C;
	v0 =	vsel vm6, v2, v0  }
0x1e: {  	v1 =	vimm.s32 $0x21180F06;
	v2 =	vimm.s32 $0x453C332A;
	v0 =	vsel vm0, $0x403, v0  }
0x1f: {  	v1 =	vunpack.c.0.s8.s32 v1;
	[tilespmem:$0x1FC30] =	vst v0;
	v0 =	vunpack.c.0.s8.s32 v2;
	v2 =	vimm.s32 $0x22191007  }
0x20: {  	v6 =	vimm.s32 $0x231A1108;
	v3 =	vimm.s32 $0x463D342B;
	v2 =	vunpack.c.0.s8.s32 v2  }
0x21: {  	v3 =	vunpack.c.0.s8.s32 v3;
	v4 =	vimm.s32 $0x7B72;
	v1 =	vnsel vm1, $0x40D, v1  }
0x22: {  	v0 =	vsel vm2, v0, v1;
	v1 =	vimm.s32 $0x6960574E;
	v2 =	vnsel vm1, $0x40E, v2  }
0x23: {  	v1 =	vunpack.c.0.s8.s32 v1;
	v2 =	vsel vm2, v3, v2;
	v3 =	vimm.s32 $0x6A61584F  }
0x24: {  	v5 =	vimm.s32 $0x7C73;
	v4 =	vunpack.c.0.s8.s32 v4;
	v3 =	vunpack.c.0.s8.s32 v3  }
0x25: {  	v6 =	vunpack.c.0.s8.s32 v6;
	v5 =	vunpack.c.0.s8.s32 v5;
	v0 =	vsel vm5, v1, v0  }
0x26: {  	v0 =	vsel vm6, v4, v0;
	v1 =	vsel vm5, v3, v2;
	v2 =	vunpack.c.0.s8.s32 v7  }
0x27: {  	v3 =	vnsel vm1, $0x40F, v6;
	v0 =	vsel vm0, $0x404, v0;
	v1 =	vsel vm6, v5, v1  }
0x28: {  	vm1 =	vcmask $0x300;
	[tilespmem:$0x1FC40] =	vst v0;
	v0 =	vsel vm0, $0x405, v1;
	v1 =	vimm.s32 $0x6B625950  }
0x29: {  	[tilespmem:$0x1FC50] =	vst v0;
	v0 =	vsel vm2, v2, v3;
	v2 =	vimm.s32 $0x817;
	v1 =	vunpack.c.0.s8.s32 v1  }
0x2a: {  	vm2 =	vcmask $0x704;
	v3 =	vimm.s32 $0x7D74;
	v2 =	vsel vm1, $0x410, v2  }
0x2b: {  	vm7 =	vcmask $0x1B18;
	v3 =	vunpack.c.0.s8.s32 v3;
	v2 =	vsel vm2, $0x419, v2  }
0x2c: {  	vm8 =	vcmask $0x1F1C;
	v0 =	vsel vm5, v1, v0;
	v2 =	vsel vm3, $0x422, v2  }
0x2d: {  	vm5 =	vcmask $0x1310;
	v0 =	vsel vm6, v3, v0;
	v1 =	vsel vm4, $0x42B, v2  }
0x2e: {  	vm6 =	vcmask $0x1714;
	v0 =	vsel vm0, $0x406, v0;
	v1 =	vsel vm5, $0x434, v1  }
0x2f: {  	vm9 =	vcmask $0x2320;
	[tilespmem:$0x1FC60] =	vst v0;
	v0 =	vsel vm6, $0x43D, v1;
	v1 =	vimm.s32 $0x818  }
0x30: {  	vm10 =	vcmask $0x2724;
	v2 =	vimm.s32 $0x819;
	v1 =	vsel vm1, $0x411, v1  }
0x31: {  	vm11 =	vcmask $0x2B28;
	v2 =	vsel vm1, $0x412, v2;
	v1 =	vsel vm2, $0x41A, v1  }
0x32: {  	vm12 =	vcmask $0x2F2C;
	v2 =	vsel vm2, $0x41B, v2;
	v1 =	vsel vm3, $0x423, v1  }
0x33: {  	vm13 =	vcmask $0x3330;
	v2 =	vsel vm3, $0x424, v2;
	v1 =	vsel vm4, $0x42C, v1  }
0x34: {  	vm14 =	vcmask $0x3734;
	v2 =	vsel vm4, $0x42D, v2;
	v1 =	vsel vm5, $0x435, v1  }
0x35: {  	v0 =	vsel vm7, $0x446, v0;
	v2 =	vsel vm5, $0x436, v2;
	v1 =	vsel vm6, $0x43E, v1  }
0x36: {  	v0 =	vsel vm8, $0x44F, v0;
	v2 =	vsel vm6, $0x43F, v2;
	v1 =	vsel vm7, $0x447, v1  }
0x37: {  	v0 =	vsel vm9, $0x458, v0;
	v2 =	vsel vm7, $0x448, v2;
	v1 =	vsel vm8, $0x450, v1  }
0x38: {  	v0 =	vsel vm10, $0x461, v0;
	v2 =	vsel vm8, $0x451, v2;
	v1 =	vsel vm9, $0x459, v1  }
0x39: {  	v0 =	vsel vm11, $0x46A, v0;
	v2 =	vsel vm9, $0x45A, v2;
	v1 =	vsel vm10, $0x462, v1  }
0x3a: {  	v0 =	vsel vm12, $0x473, v0;
	v2 =	vsel vm10, $0x463, v2;
	v1 =	vsel vm11, $0x46B, v1  }
0x3b: {  	v0 =	vsel vm13, $0x47C, v0;
	v2 =	vsel vm11, $0x46C, v2;
	v1 =	vsel vm12, $0x474, v1  }
0x3c: {  	v0 =	vsel vm14, $0x805, v0;
	v2 =	vsel vm12, $0x475, v2;
	v1 =	vsel vm13, $0x47D, v1  }
0x3d: {  	v0 =	vsel vm0, $0x80E, v0;
	v2 =	vsel vm13, $0x47E, v2;
	v1 =	vsel vm14, $0x806, v1  }
0x3e: {  	[tilespmem:$0x1FC70] =	vst v0;
	v2 =	vsel vm14, $0x807, v2;
	v0 =	vsel vm0, $0x80F, v1  }
0x3f: {  	[tilespmem:$0x1FC80] =	vst v0;
	v0 =	vsel vm0, $0x810, v2  }
0x40: {  	[tilespmem:$0x1FC90] =	vst v0;
	v0 =	vimm.s32 $0x81A  }
0x41: {  	v1 =	vimm.s32 $0x81B;
	v0 =	vsel vm1, $0x413, v0  }
0x42: {  	v2 =	vimm.s32 $0x81C;
	v1 =	vsel vm1, $0x414, v1;
	v0 =	vsel vm2, $0x41C, v0  }
0x43: {  	v2 =	vsel vm1, $0x415, v2;
	v1 =	vsel vm2, $0x41D, v1;
	v0 =	vsel vm3, $0x425, v0  }
0x44: {  	v2 =	vsel vm2, $0x41E, v2;
	v1 =	vsel vm3, $0x426, v1;
	v0 =	vsel vm4, $0x42E, v0  }
0x45: {  	v2 =	vsel vm3, $0x427, v2;
	v1 =	vsel vm4, $0x42F, v1;
	v0 =	vsel vm5, $0x437, v0  }
0x46: {  	v2 =	vsel vm4, $0x430, v2;
	v1 =	vsel vm5, $0x438, v1;
	v0 =	vsel vm6, $0x440, v0  }
0x47: {  	v2 =	vsel vm5, $0x439, v2;
	v1 =	vsel vm6, $0x441, v1;
	v0 =	vsel vm7, $0x449, v0  }
0x48: {  	v2 =	vsel vm6, $0x442, v2;
	v1 =	vsel vm7, $0x44A, v1;
	v0 =	vsel vm8, $0x452, v0  }
0x49: {  	v2 =	vsel vm7, $0x44B, v2;
	v1 =	vsel vm8, $0x453, v1;
	v0 =	vsel vm9, $0x45B, v0  }
0x4a: {  	v2 =	vsel vm8, $0x454, v2;
	v1 =	vsel vm9, $0x45C, v1;
	v0 =	vsel vm10, $0x464, v0  }
0x4b: {  	v2 =	vsel vm9, $0x45D, v2;
	v1 =	vsel vm10, $0x465, v1;
	v0 =	vsel vm11, $0x46D, v0  }
0x4c: {  	v2 =	vsel vm10, $0x466, v2;
	v1 =	vsel vm11, $0x46E, v1;
	v0 =	vsel vm12, $0x476, v0  }
0x4d: {  	v2 =	vsel vm11, $0x46F, v2;
	v1 =	vsel vm12, $0x477, v1;
	v0 =	vsel vm13, $0x47F, v0  }
0x4e: {  	v2 =	vsel vm12, $0x478, v2;
	v1 =	vsel vm13, $0x800, v1;
	v0 =	vsel vm14, $0x808, v0  }
0x4f: {  	v2 =	vsel vm13, $0x801, v2;
	v1 =	vsel vm14, $0x809, v1;
	v0 =	vsel vm0, $0x811, v0  }
0x50: {  	v2 =	vsel vm14, $0x80A, v2;
	[tilespmem:$0x1FCA0] =	vst v0;
	v0 =	vsel vm0, $0x812, v1  }
0x51: {  	[tilespmem:$0x1FCB0] =	vst v0;
	v0 =	vsel vm0, $0x813, v2  }
0x52: {  	[tilespmem:$0x1FCC0] =	vst v0;
	v0 =	vimm.s32 $0x81D  }
0x53: {  	v1 =	vimm.s32 $0x81E;
	v0 =	vsel vm1, $0x416, v0  }
0x54: {  	v2 =	vimm.s32 $0x81F;
	v1 =	vsel vm1, $0x417, v1;
	v0 =	vsel vm2, $0x41F, v0  }
0x55: {  	v2 =	vsel vm1, $0x418, v2;
	v1 =	vsel vm2, $0x420, v1;
	v0 =	vsel vm3, $0x428, v0  }
0x56: {  	v2 =	vsel vm2, $0x421, v2;
	v1 =	vsel vm3, $0x429, v1;
	v0 =	vsel vm4, $0x431, v0  }
0x57: {  	v2 =	vsel vm3, $0x42A, v2;
	v1 =	vsel vm4, $0x432, v1;
	v0 =	vsel vm5, $0x43A, v0  }
0x58: {  	v2 =	vsel vm4, $0x433, v2;
	v1 =	vsel vm5, $0x43B, v1;
	v0 =	vsel vm6, $0x443, v0  }
0x59: {  	v2 =	vsel vm5, $0x43C, v2;
	v1 =	vsel vm6, $0x444, v1;
	v0 =	vsel vm7, $0x44C, v0  }
0x5a: {  	v2 =	vsel vm6, $0x445, v2;
	v1 =	vsel vm7, $0x44D, v1;
	v0 =	vsel vm8, $0x455, v0  }
0x5b: {  	v2 =	vsel vm7, $0x44E, v2;
	v1 =	vsel vm8, $0x456, v1;
	v0 =	vsel vm9, $0x45E, v0  }
0x5c: {  	v2 =	vsel vm8, $0x457, v2;
	v1 =	vsel vm9, $0x45F, v1;
	v0 =	vsel vm10, $0x467, v0  }
0x5d: {  	v2 =	vsel vm9, $0x460, v2;
	v1 =	vsel vm10, $0x468, v1;
	v0 =	vsel vm11, $0x470, v0  }
0x5e: {  	v2 =	vsel vm10, $0x469, v2;
	v1 =	vsel vm11, $0x471, v1;
	v0 =	vsel vm12, $0x479, v0  }
0x5f: {  	v2 =	vsel vm11, $0x472, v2;
	v1 =	vsel vm12, $0x47A, v1;
	v0 =	vsel vm13, $0x802, v0  }
0x60: {  	v2 =	vsel vm12, $0x47B, v2;
	v1 =	vsel vm13, $0x803, v1;
	v0 =	vsel vm14, $0x80B, v0  }
0x61: {  	v2 =	vsel vm13, $0x804, v2;
	v1 =	vsel vm14, $0x80C, v1;
	v0 =	vsel vm0, $0x814, v0  }
0x62: {  	v2 =	vsel vm14, $0x80D, v2;
	[tilespmem:$0x1FCD0] =	vst v0;
	v0 =	vsel vm0, $0x815, v1  }
0x63: {  	[tilespmem:$0x1FCE0] =	vst v0;
	v0 =	vsel vm0, $0x816, v2  }
0x64: {  	[tilespmem:$0x1FCF0] =	vst v0;
	v0 =	vimm.s32 $0xC27  }
0x65: {  	v1 =	vimm.s32 $0xC28;
	v0 =	vsel vm1, $0x820, v0  }
0x66: {  	v2 =	vimm.s32 $0xC29;
	v1 =	vsel vm1, $0x821, v1;
	v0 =	vsel vm2, $0x829, v0  }
0x67: {  	v2 =	vsel vm1, $0x822, v2;
	v1 =	vsel vm2, $0x82A, v1;
	v0 =	vsel vm3, $0x832, v0  }
0x68: {  	v2 =	vsel vm2, $0x82B, v2;
	v1 =	vsel vm3, $0x833, v1;
	v0 =	vsel vm4, $0x83B, v0  }
0x69: {  	v2 =	vsel vm3, $0x834, v2;
	v1 =	vsel vm4, $0x83C, v1;
	v0 =	vsel vm5, $0x844, v0  }
0x6a: {  	v2 =	vsel vm4, $0x83D, v2;
	v1 =	vsel vm5, $0x845, v1;
	v0 =	vsel vm6, $0x84D, v0  }
0x6b: {  	v2 =	vsel vm5, $0x846, v2;
	v1 =	vsel vm6, $0x84E, v1;
	v0 =	vsel vm7, $0x856, v0  }
0x6c: {  	v2 =	vsel vm6, $0x84F, v2;
	v1 =	vsel vm7, $0x857, v1;
	v0 =	vsel vm8, $0x85F, v0  }
0x6d: {  	v2 =	vsel vm7, $0x858, v2;
	v1 =	vsel vm8, $0x860, v1;
	v0 =	vsel vm9, $0x868, v0  }
0x6e: {  	v2 =	vsel vm8, $0x861, v2;
	v1 =	vsel vm9, $0x869, v1;
	v0 =	vsel vm10, $0x871, v0  }
0x6f: {  	v2 =	vsel vm9, $0x86A, v2;
	v1 =	vsel vm10, $0x872, v1;
	v0 =	vsel vm11, $0x87A, v0  }
0x70: {  	v2 =	vsel vm10, $0x873, v2;
	v1 =	vsel vm11, $0x87B, v1;
	v0 =	vsel vm12, $0xC03, v0  }
0x71: {  	v2 =	vsel vm11, $0x87C, v2;
	v1 =	vsel vm12, $0xC04, v1;
	v0 =	vsel vm13, $0xC0C, v0  }
0x72: {  	v2 =	vsel vm12, $0xC05, v2;
	v1 =	vsel vm13, $0xC0D, v1;
	v0 =	vsel vm14, $0xC15, v0  }
0x73: {  	v2 =	vsel vm13, $0xC0E, v2;
	v1 =	vsel vm14, $0xC16, v1;
	v0 =	vsel vm0, $0xC1E, v0  }
0x74: {  	v2 =	vsel vm14, $0xC17, v2;
	[tilespmem:$0x1FD00] =	vst v0;
	v0 =	vsel vm0, $0xC1F, v1  }
0x75: {  	[tilespmem:$0x1FD10] =	vst v0;
	v0 =	vsel vm0, $0xC20, v2  }
0x76: {  	[tilespmem:$0x1FD20] =	vst v0;
	v0 =	vimm.s32 $0xC2A  }
0x77: {  	v36 =	vlaneseq.u32;
	v1 =	vimm.s32 $0xC2B;
	v0 =	vsel vm1, $0x823, v0  }
0x78: {  	v2 =	vimm.s32 $0xC2C;
	v1 =	vsel vm1, $0x824, v1;
	v0 =	vsel vm2, $0x82C, v0  }
0x79: {  	v2 =	vsel vm1, $0x825, v2;
	v1 =	vsel vm2, $0x82D, v1;
	v0 =	vsel vm3, $0x835, v0  }
0x7a: {  	v2 =	vsel vm2, $0x82E, v2;
	v1 =	vsel vm3, $0x836, v1;
	v0 =	vsel vm4, $0x83E, v0  }
0x7b: {  	v2 =	vsel vm3, $0x837, v2;
	v1 =	vsel vm4, $0x83F, v1;
	v0 =	vsel vm5, $0x847, v0  }
0x7c: {  	v2 =	vsel vm4, $0x840, v2;
	v1 =	vsel vm5, $0x848, v1;
	v0 =	vsel vm6, $0x850, v0  }
0x7d: {  	v2 =	vsel vm5, $0x849, v2;
	v1 =	vsel vm6, $0x851, v1;
	v0 =	vsel vm7, $0x859, v0  }
0x7e: {  	v2 =	vsel vm6, $0x852, v2;
	v1 =	vsel vm7, $0x85A, v1;
	v0 =	vsel vm8, $0x862, v0  }
0x7f: {  	v2 =	vsel vm7, $0x85B, v2;
	v1 =	vsel vm8, $0x863, v1;
	v0 =	vsel vm9, $0x86B, v0  }
0x80: {  	v2 =	vsel vm8, $0x864, v2;
	v1 =	vsel vm9, $0x86C, v1;
	v0 =	vsel vm10, $0x874, v0  }
0x81: {  	v2 =	vsel vm9, $0x86D, v2;
	v1 =	vsel vm10, $0x875, v1;
	v0 =	vsel vm11, $0x87D, v0  }
0x82: {  	v2 =	vsel vm10, $0x876, v2;
	v1 =	vsel vm11, $0x87E, v1;
	v0 =	vsel vm12, $0xC06, v0  }
0x83: {  	v2 =	vsel vm11, $0x87F, v2;
	v1 =	vsel vm12, $0xC07, v1;
	v0 =	vsel vm13, $0xC0F, v0  }
0x84: {  	v2 =	vsel vm12, $0xC08, v2;
	v1 =	vsel vm13, $0xC10, v1;
	v0 =	vsel vm14, $0xC18, v0  }
0x85: {  	v2 =	vsel vm13, $0xC11, v2;
	v1 =	vsel vm14, $0xC19, v1;
	v0 =	vsel vm0, $0xC21, v0  }
0x86: {  	v24 =	vor.u32 $0x10, v36;
	v2 =	vsel vm14, $0xC1A, v2;
	[tilespmem:$0x1FD30] =	vst v0;
	v0 =	vsel vm0, $0xC22, v1  }
0x87: {  	v25 =	vor.u32 $0x20, v36;
	v1 =	vimm.s32 $0xC2E;
	[tilespmem:$0x1FD40] =	vst v0;
	v0 =	vsel vm0, $0xC23, v2  }
0x88: {  	v2 =	vimm.s32 $0xC2F;
	v1 =	vsel vm1, $0x827, v1;
	[tilespmem:$0x1FD50] =	vst v0;
	v0 =	vimm.s32 $0xC2D  }
0x89: {  	v2 =	vsel vm1, $0x828, v2;
	v1 =	vsel vm2, $0x830, v1;
	v0 =	vsel vm1, $0x826, v0  }
0x8a: {  	v2 =	vsel vm2, $0x831, v2;
	v1 =	vsel vm3, $0x839, v1;
	v0 =	vsel vm2, $0x82F, v0  }
0x8b: {  	v2 =	vsel vm3, $0x83A, v2;
	v1 =	vsel vm4, $0x842, v1;
	v0 =	vsel vm3, $0x838, v0  }
0x8c: {  	v2 =	vsel vm4, $0x843, v2;
	v1 =	vsel vm5, $0x84B, v1;
	v0 =	vsel vm4, $0x841, v0  }
0x8d: {  	v2 =	vsel vm5, $0x84C, v2;
	v1 =	vsel vm6, $0x854, v1;
	v0 =	vsel vm5, $0x84A, v0  }
0x8e: {  	v2 =	vsel vm6, $0x855, v2;
	v1 =	vsel vm7, $0x85D, v1;
	v0 =	vsel vm6, $0x853, v0  }
0x8f: {  	v2 =	vsel vm7, $0x85E, v2;
	v1 =	vsel vm8, $0x866, v1;
	v0 =	vsel vm7, $0x85C, v0  }
0x90: {  	v2 =	vsel vm8, $0x867, v2;
	v1 =	vsel vm9, $0x86F, v1;
	v0 =	vsel vm8, $0x865, v0  }
0x91: {  	v2 =	vsel vm9, $0x870, v2;
	v1 =	vsel vm10, $0x878, v1;
	v0 =	vsel vm9, $0x86E, v0  }
0x92: {  	v2 =	vsel vm10, $0x879, v2;
	v1 =	vsel vm11, $0xC01, v1;
	v0 =	vsel vm10, $0x877, v0  }
0x93: {  	v2 =	vsel vm11, $0xC02, v2;
	v1 =	vsel vm12, $0xC0A, v1;
	v0 =	vsel vm11, $0xC00, v0  }
0x94: {  	v2 =	vsel vm12, $0xC0B, v2;
	v1 =	vsel vm13, $0xC13, v1;
	v0 =	vsel vm12, $0xC09, v0  }
0x95: {  	v2 =	vsel vm13, $0xC14, v2;
	v1 =	vsel vm14, $0xC1C, v1;
	v0 =	vsel vm13, $0xC12, v0  }
0x96: {  	v62 =	vsel vm0, $0xC25, v1;
	v1 =	vimm.s32 $0x1038;
	v0 =	vsel vm14, $0xC1B, v0  }
0x97: {  	v2 =	vsel vm14, $0xC1D, v2;
	v1 =	vsel vm1, $0xC31, v1;
	v61 =	vsel vm0, $0xC24, v0  }
0x98: {  	v0 =	vsel vm0, $0xC26, v2;
	v2 =	vimm.s32 $0x1039;
	v1 =	vsel vm2, $0xC3A, v1  }
0x99: {  	[tilespmem:$0x1FD60] =	vst v0;
	v0 =	vimm.s32 $0x1037;
	v2 =	vsel vm1, $0xC32, v2;
	v1 =	vsel vm3, $0xC43, v1  }
0x9a: {  	v0 =	vsel vm1, $0xC30, v0;
	v2 =	vsel vm2, $0xC3B, v2;
	v1 =	vsel vm4, $0xC4C, v1  }
0x9b: {  	v0 =	vsel vm2, $0xC39, v0;
	v2 =	vsel vm3, $0xC44, v2;
	v1 =	vsel vm5, $0xC55, v1  }
0x9c: {  	v0 =	vsel vm3, $0xC42, v0;
	v2 =	vsel vm4, $0xC4D, v2;
	v1 =	vsel vm6, $0xC5E, v1  }
0x9d: {  	v0 =	vsel vm4, $0xC4B, v0;
	v2 =	vsel vm5, $0xC56, v2;
	v1 =	vsel vm7, $0xC67, v1  }
0x9e: {  	v0 =	vsel vm5, $0xC54, v0;
	v2 =	vsel vm6, $0xC5F, v2;
	v1 =	vsel vm8, $0xC70, v1  }
0x9f: {  	v0 =	vsel vm6, $0xC5D, v0;
	v2 =	vsel vm7, $0xC68, v2;
	v1 =	vsel vm9, $0xC79, v1  }
0xa0: {  	v0 =	vsel vm7, $0xC66, v0;
	v2 =	vsel vm8, $0xC71, v2;
	v1 =	vsel vm10, $0x1002, v1  }
0xa1: {  	v0 =	vsel vm8, $0xC6F, v0;
	v2 =	vsel vm9, $0xC7A, v2;
	v1 =	vsel vm11, $0x100B, v1  }
0xa2: {  	v0 =	vsel vm9, $0xC78, v0;
	v2 =	vsel vm10, $0x1003, v2;
	v1 =	vsel vm12, $0x1014, v1  }
0xa3: {  	v0 =	vsel vm10, $0x1001, v0;
	v2 =	vsel vm11, $0x100C, v2;
	v1 =	vsel vm13, $0x101D, v1  }
0xa4: {  	v0 =	vsel vm11, $0x100A, v0;
	v2 =	vsel vm12, $0x1015, v2;
	v1 =	vsel vm14, $0x1026, v1  }
0xa5: {  	v0 =	vsel vm12, $0x1013, v0;
	v2 =	vsel vm13, $0x101E, v2;
	v4 =	vsel vm0, $0x102F, v1  }
0xa6: {  	v1 =	vimm.s32 $0x103B;
	v0 =	vsel vm13, $0x101C, v0;
	v2 =	vsel vm14, $0x1027, v2  }
0xa7: {  	v1 =	vsel vm1, $0xC34, v1;
	v0 =	vsel vm14, $0x1025, v0;
	v5 =	vsel vm0, $0x1030, v2  }
0xa8: {  	v2 =	vimm.s32 $0x103C;
	v1 =	vsel vm2, $0xC3D, v1;
	v39 =	vsel vm0, $0x102E, v0  }
0xa9: {  	v0 =	vimm.s32 $0x103A;
	v2 =	vsel vm1, $0xC35, v2;
	v1 =	vsel vm3, $0xC46, v1  }
0xaa: {  	v0 =	vsel vm1, $0xC33, v0;
	v2 =	vsel vm2, $0xC3E, v2;
	v1 =	vsel vm4, $0xC4F, v1  }
0xab: {  	v0 =	vsel vm2, $0xC3C, v0;
	v2 =	vsel vm3, $0xC47, v2;
	v1 =	vsel vm5, $0xC58, v1  }
0xac: {  	v0 =	vsel vm3, $0xC45, v0;
	v2 =	vsel vm4, $0xC50, v2;
	v1 =	vsel vm6, $0xC61, v1  }
0xad: {  	v0 =	vsel vm4, $0xC4E, v0;
	v2 =	vsel vm5, $0xC59, v2;
	v1 =	vsel vm7, $0xC6A, v1  }
0xae: {  	v0 =	vsel vm5, $0xC57, v0;
	v2 =	vsel vm6, $0xC62, v2;
	v1 =	vsel vm8, $0xC73, v1  }
0xaf: {  	v0 =	vsel vm6, $0xC60, v0;
	v2 =	vsel vm7, $0xC6B, v2;
	v1 =	vsel vm9, $0xC7C, v1  }
0xb0: {  	v0 =	vsel vm7, $0xC69, v0;
	v2 =	vsel vm8, $0xC74, v2;
	v1 =	vsel vm10, $0x1005, v1  }
0xb1: {  	v0 =	vsel vm8, $0xC72, v0;
	v2 =	vsel vm9, $0xC7D, v2;
	v1 =	vsel vm11, $0x100E, v1  }
0xb2: {  	v0 =	vsel vm9, $0xC7B, v0;
	v2 =	vsel vm10, $0x1006, v2;
	v1 =	vsel vm12, $0x1017, v1  }
0xb3: {  	v0 =	vsel vm10, $0x1004, v0;
	v2 =	vsel vm11, $0x100F, v2;
	v1 =	vsel vm13, $0x1020, v1  }
0xb4: {  	v0 =	vsel vm11, $0x100D, v0;
	v2 =	vsel vm12, $0x1018, v2;
	v1 =	vsel vm14, $0x1029, v1  }
0xb5: {  	v0 =	vsel vm12, $0x1016, v0;
	v2 =	vsel vm13, $0x1021, v2;
	v38 =	vsel vm0, $0x1032, v1  }
0xb6: {  	v1 =	vimm.s32 $0x103E;
	v0 =	vsel vm13, $0x101F, v0;
	v2 =	vsel vm14, $0x102A, v2  }
0xb7: {  	v1 =	vsel vm1, $0xC37, v1;
	v0 =	vsel vm14, $0x1028, v0;
	v6 =	vsel vm0, $0x1033, v2  }
0xb8: {  	v2 =	vimm.s32 $0x103F;
	v1 =	vsel vm2, $0xC40, v1;
	v37 =	vsel vm0, $0x1031, v0  }
0xb9: {  	v0 =	vimm.s32 $0x103D;
	v2 =	vsel vm1, $0xC38, v2;
	v1 =	vsel vm3, $0xC49, v1  }
0xba: {  	v0 =	vsel vm1, $0xC36, v0;
	v2 =	vsel vm2, $0xC41, v2;
	v1 =	vsel vm4, $0xC52, v1  }
0xbb: {  	v0 =	vsel vm2, $0xC3F, v0;
	v2 =	vsel vm3, $0xC4A, v2;
	v1 =	vsel vm5, $0xC5B, v1  }
0xbc: {  	v0 =	vsel vm3, $0xC48, v0;
	v2 =	vsel vm4, $0xC53, v2;
	v1 =	vsel vm6, $0xC64, v1  }
0xbd: {  	v0 =	vsel vm4, $0xC51, v0;
	v2 =	vsel vm5, $0xC5C, v2;
	v1 =	vsel vm7, $0xC6D, v1  }
0xbe: {  	v0 =	vsel vm5, $0xC5A, v0;
	v2 =	vsel vm6, $0xC65, v2;
	v1 =	vsel vm8, $0xC76, v1  }
0xbf: {  	v0 =	vsel vm6, $0xC63, v0;
	v2 =	vsel vm7, $0xC6E, v2;
	v1 =	vsel vm9, $0xC7F, v1  }
0xc0: {  	v0 =	vsel vm7, $0xC6C, v0;
	v2 =	vsel vm8, $0xC77, v2;
	v1 =	vsel vm10, $0x1008, v1  }
0xc1: {  	v0 =	vsel vm8, $0xC75, v0;
	v2 =	vsel vm9, $0x1000, v2;
	v1 =	vsel vm11, $0x1011, v1  }
0xc2: {  	v0 =	vsel vm9, $0xC7E, v0;
	v2 =	vsel vm10, $0x1009, v2;
	v1 =	vsel vm12, $0x101A, v1  }
0xc3: {  	v0 =	vsel vm10, $0x1007, v0;
	v2 =	vsel vm11, $0x1012, v2;
	v1 =	vsel vm13, $0x1023, v1  }
0xc4: {  	v0 =	vsel vm11, $0x1010, v0;
	v2 =	vsel vm12, $0x101B, v2;
	v1 =	vsel vm14, $0x102C, v1  }
0xc5: {  	v0 =	vsel vm12, $0x1019, v0;
	v2 =	vsel vm13, $0x1024, v2;
	v32 =	vsel vm0, $0x1035, v1  }
0xc6: {  	v1 =	vimm.s32 $0x1448;
	v0 =	vsel vm13, $0x1022, v0;
	v2 =	vsel vm14, $0x102D, v2  }
0xc7: {  	v1 =	vsel vm1, $0x1041, v1;
	v0 =	vsel vm14, $0x102B, v0;
	v33 =	vsel vm0, $0x1036, v2  }
0xc8: {  	v2 =	vimm.s32 $0x1449;
	v1 =	vsel vm2, $0x104A, v1;
	v3 =	vsel vm0, $0x1034, v0  }
0xc9: {  	v0 =	vimm.s32 $0x1447;
	v2 =	vsel vm1, $0x1042, v2;
	v1 =	vsel vm3, $0x1053, v1  }
0xca: {  	v0 =	vsel vm1, $0x1040, v0;
	v2 =	vsel vm2, $0x104B, v2;
	v1 =	vsel vm4, $0x105C, v1  }
0xcb: {  	v0 =	vsel vm2, $0x1049, v0;
	v2 =	vsel vm3, $0x1054, v2;
	v1 =	vsel vm5, $0x1065, v1  }
0xcc: {  	v0 =	vsel vm3, $0x1052, v0;
	v2 =	vsel vm4, $0x105D, v2;
	v1 =	vsel vm6, $0x106E, v1  }
0xcd: {  	v0 =	vsel vm4, $0x105B, v0;
	v2 =	vsel vm5, $0x1066, v2;
	v1 =	vsel vm7, $0x1077, v1  }
0xce: {  	v0 =	vsel vm5, $0x1064, v0;
	v2 =	vsel vm6, $0x106F, v2;
	v1 =	vsel vm8, $0x1400, v1  }
0xcf: {  	v0 =	vsel vm6, $0x106D, v0;
	v2 =	vsel vm7, $0x1078, v2;
	v1 =	vsel vm9, $0x1409, v1  }
0xd0: {  	v0 =	vsel vm7, $0x1076, v0;
	v2 =	vsel vm8, $0x1401, v2;
	v1 =	vsel vm10, $0x1412, v1  }
0xd1: {  	v0 =	vsel vm8, $0x107F, v0;
	v2 =	vsel vm9, $0x140A, v2;
	v1 =	vsel vm11, $0x141B, v1  }
0xd2: {  	v0 =	vsel vm9, $0x1408, v0;
	v2 =	vsel vm10, $0x1413, v2;
	v1 =	vsel vm12, $0x1424, v1  }
0xd3: {  	v0 =	vsel vm10, $0x1411, v0;
	v2 =	vsel vm11, $0x141C, v2;
	v1 =	vsel vm13, $0x142D, v1  }
0xd4: {  	v0 =	vsel vm11, $0x141A, v0;
	v2 =	vsel vm12, $0x1425, v2;
	v1 =	vsel vm14, $0x1436, v1  }
0xd5: {  	v0 =	vsel vm12, $0x1423, v0;
	v2 =	vsel vm13, $0x142E, v2;
	v35 =	vsel vm0, $0x143F, v1  }
0xd6: {  	v1 =	vimm.s32 $0x144B;
	v0 =	vsel vm13, $0x142C, v0;
	v2 =	vsel vm14, $0x1437, v2  }
0xd7: {  	v1 =	vsel vm1, $0x1044, v1;
	v0 =	vsel vm14, $0x1435, v0;
	v43 =	vsel vm0, $0x1440, v2  }
0xd8: {  	v2 =	vimm.s32 $0x144C;
	v1 =	vsel vm2, $0x104D, v1;
	v34 =	vsel vm0, $0x143E, v0  }
0xd9: {  	v0 =	vimm.s32 $0x144A;
	v2 =	vsel vm1, $0x1045, v2;
	v1 =	vsel vm3, $0x1056, v1  }
0xda: {  	v0 =	vsel vm1, $0x1043, v0;
	v2 =	vsel vm2, $0x104E, v2;
	v1 =	vsel vm4, $0x105F, v1  }
0xdb: {  	v0 =	vsel vm2, $0x104C, v0;
	v2 =	vsel vm3, $0x1057, v2;
	v1 =	vsel vm5, $0x1068, v1  }
0xdc: {  	v0 =	vsel vm3, $0x1055, v0;
	v2 =	vsel vm4, $0x1060, v2;
	v1 =	vsel vm6, $0x1071, v1  }
0xdd: {  	v0 =	vsel vm4, $0x105E, v0;
	v2 =	vsel vm5, $0x1069, v2;
	v1 =	vsel vm7, $0x107A, v1  }
0xde: {  	v0 =	vsel vm5, $0x1067, v0;
	v2 =	vsel vm6, $0x1072, v2;
	v1 =	vsel vm8, $0x1403, v1  }
0xdf: {  	v0 =	vsel vm6, $0x1070, v0;
	v2 =	vsel vm7, $0x107B, v2;
	v1 =	vsel vm9, $0x140C, v1  }
0xe0: {  	v0 =	vsel vm7, $0x1079, v0;
	v2 =	vsel vm8, $0x1404, v2;
	v1 =	vsel vm10, $0x1415, v1  }
0xe1: {  	v0 =	vsel vm8, $0x1402, v0;
	v2 =	vsel vm9, $0x140D, v2;
	v1 =	vsel vm11, $0x141E, v1  }
0xe2: {  	v0 =	vsel vm9, $0x140B, v0;
	v2 =	vsel vm10, $0x1416, v2;
	v1 =	vsel vm12, $0x1427, v1  }
0xe3: {  	v0 =	vsel vm10, $0x1414, v0;
	v2 =	vsel vm11, $0x141F, v2;
	v1 =	vsel vm13, $0x1430, v1  }
0xe4: {  	v0 =	vsel vm11, $0x141D, v0;
	v2 =	vsel vm12, $0x1428, v2;
	v1 =	vsel vm14, $0x1439, v1  }
0xe5: {  	v0 =	vsel vm12, $0x1426, v0;
	v2 =	vsel vm13, $0x1431, v2;
	v45 =	vsel vm0, $0x1442, v1  }
0xe6: {  	v1 =	vimm.s32 $0x144E;
	v0 =	vsel vm13, $0x142F, v0;
	v2 =	vsel vm14, $0x143A, v2  }
0xe7: {  	v1 =	vsel vm1, $0x1047, v1;
	v0 =	vsel vm14, $0x1438, v0;
	v46 =	vsel vm0, $0x1443, v2  }
0xe8: {  	v2 =	vimm.s32 $0x144F;
	v1 =	vsel vm2, $0x1050, v1;
	v44 =	vsel vm0, $0x1441, v0  }
0xe9: {  	v0 =	vimm.s32 $0x144D;
	v2 =	vsel vm1, $0x1048, v2;
	v1 =	vsel vm3, $0x1059, v1  }
0xea: {  	v0 =	vsel vm1, $0x1046, v0;
	v2 =	vsel vm2, $0x1051, v2;
	v1 =	vsel vm4, $0x1062, v1  }
0xeb: {  	v0 =	vsel vm2, $0x104F, v0;
	v2 =	vsel vm3, $0x105A, v2;
	v1 =	vsel vm5, $0x106B, v1  }
0xec: {  	v0 =	vsel vm3, $0x1058, v0;
	v2 =	vsel vm4, $0x1063, v2;
	v1 =	vsel vm6, $0x1074, v1  }
0xed: {  	v0 =	vsel vm4, $0x1061, v0;
	v2 =	vsel vm5, $0x106C, v2;
	v1 =	vsel vm7, $0x107D, v1  }
0xee: {  	v0 =	vsel vm5, $0x106A, v0;
	v2 =	vsel vm6, $0x1075, v2;
	v1 =	vsel vm8, $0x1406, v1  }
0xef: {  	v0 =	vsel vm6, $0x1073, v0;
	v2 =	vsel vm7, $0x107E, v2;
	v1 =	vsel vm9, $0x140F, v1  }
0xf0: {  	v0 =	vsel vm7, $0x107C, v0;
	v2 =	vsel vm8, $0x1407, v2;
	v1 =	vsel vm10, $0x1418, v1  }
0xf1: {  	v0 =	vsel vm8, $0x1405, v0;
	v2 =	vsel vm9, $0x1410, v2;
	v1 =	vsel vm11, $0x1421, v1  }
0xf2: {  	v0 =	vsel vm9, $0x140E, v0;
	v2 =	vsel vm10, $0x1419, v2;
	v1 =	vsel vm12, $0x142A, v1  }
0xf3: {  	v0 =	vsel vm10, $0x1417, v0;
	v2 =	vsel vm11, $0x1422, v2;
	v1 =	vsel vm13, $0x1433, v1  }
0xf4: {  	v0 =	vsel vm11, $0x1420, v0;
	v2 =	vsel vm12, $0x142B, v2;
	v1 =	vsel vm14, $0x143C, v1  }
0xf5: {  	v0 =	vsel vm12, $0x1429, v0;
	v2 =	vsel vm13, $0x1434, v2;
	v48 =	vsel vm0, $0x1445, v1  }
0xf6: {  	v1 =	vimm.s32 $0x1858;
	v0 =	vsel vm13, $0x1432, v0;
	v2 =	vsel vm14, $0x143D, v2  }
0xf7: {  	v1 =	vsel vm1, $0x1451, v1;
	v0 =	vsel vm14, $0x143B, v0;
	v49 =	vsel vm0, $0x1446, v2  }
0xf8: {  	v2 =	vimm.s32 $0x1859;
	v1 =	vsel vm2, $0x145A, v1;
	v47 =	vsel vm0, $0x1444, v0  }
0xf9: {  	v0 =	vimm.s32 $0x1857;
	v2 =	vsel vm1, $0x1452, v2;
	v1 =	vsel vm3, $0x1463, v1  }
0xfa: {  	v0 =	vsel vm1, $0x1450, v0;
	v2 =	vsel vm2, $0x145B, v2;
	v1 =	vsel vm4, $0x146C, v1  }
0xfb: {  	v0 =	vsel vm2, $0x1459, v0;
	v2 =	vsel vm3, $0x1464, v2;
	v1 =	vsel vm5, $0x1475, v1  }
0xfc: {  	v0 =	vsel vm3, $0x1462, v0;
	v2 =	vsel vm4, $0x146D, v2;
	v1 =	vsel vm6, $0x147E, v1  }
0xfd: {  	v0 =	vsel vm4, $0x146B, v0;
	v2 =	vsel vm5, $0x1476, v2;
	v1 =	vsel vm7, $0x1807, v1  }
0xfe: {  	v0 =	vsel vm5, $0x1474, v0;
	v2 =	vsel vm6, $0x147F, v2;
	v1 =	vsel vm8, $0x1810, v1  }
0xff: {  	v0 =	vsel vm6, $0x147D, v0;
	v2 =	vsel vm7, $0x1808, v2;
	v1 =	vsel vm9, $0x1819, v1  }
0x100: {  	v0 =	vsel vm7, $0x1806, v0;
	v2 =	vsel vm8, $0x1811, v2;
	v1 =	vsel vm10, $0x1822, v1  }
0x101: {  	v0 =	vsel vm8, $0x180F, v0;
	v2 =	vsel vm9, $0x181A, v2;
	v1 =	vsel vm11, $0x182B, v1  }
0x102: {  	v0 =	vsel vm9, $0x1818, v0;
	v2 =	vsel vm10, $0x1823, v2;
	v1 =	vsel vm12, $0x1834, v1  }
0x103: {  	v0 =	vsel vm10, $0x1821, v0;
	v2 =	vsel vm11, $0x182C, v2;
	v1 =	vsel vm13, $0x183D, v1  }
0x104: {  	v0 =	vsel vm11, $0x182A, v0;
	v2 =	vsel vm12, $0x1835, v2;
	v1 =	vsel vm14, $0x1846, v1  }
0x105: {  	v0 =	vsel vm12, $0x1833, v0;
	v2 =	vsel vm13, $0x183E, v2;
	v50 =	vsel vm0, $0x184F, v1  }
0x106: {  	v1 =	vimm.s32 $0x185B;
	v0 =	vsel vm13, $0x183C, v0;
	v2 =	vsel vm14, $0x1847, v2  }
0x107: {  	v1 =	vsel vm1, $0x1454, v1;
	v0 =	vsel vm14, $0x1845, v0;
	v51 =	vsel vm0, $0x1850, v2  }
0x108: {  	v2 =	vimm.s32 $0x185C;
	v1 =	vsel vm2, $0x145D, v1;
	v41 =	vsel vm0, $0x184E, v0  }
0x109: {  	v0 =	vimm.s32 $0x185A;
	v2 =	vsel vm1, $0x1455, v2;
	v1 =	vsel vm3, $0x1466, v1  }
0x10a: {  	v0 =	vsel vm1, $0x1453, v0;
	v2 =	vsel vm2, $0x145E, v2;
	v1 =	vsel vm4, $0x146F, v1  }
0x10b: {  	v0 =	vsel vm2, $0x145C, v0;
	v2 =	vsel vm3, $0x1467, v2;
	v1 =	vsel vm5, $0x1478, v1  }
0x10c: {  	v0 =	vsel vm3, $0x1465, v0;
	v2 =	vsel vm4, $0x1470, v2;
	v1 =	vsel vm6, $0x1801, v1  }
0x10d: {  	v0 =	vsel vm4, $0x146E, v0;
	v2 =	vsel vm5, $0x1479, v2;
	v1 =	vsel vm7, $0x180A, v1  }
0x10e: {  	v0 =	vsel vm5, $0x1477, v0;
	v2 =	vsel vm6, $0x1802, v2;
	v1 =	vsel vm8, $0x1813, v1  }
0x10f: {  	v0 =	vsel vm6, $0x1800, v0;
	v2 =	vsel vm7, $0x180B, v2;
	v1 =	vsel vm9, $0x181C, v1  }
0x110: {  	v0 =	vsel vm7, $0x1809, v0;
	v2 =	vsel vm8, $0x1814, v2;
	v1 =	vsel vm10, $0x1825, v1  }
0x111: {  	v0 =	vsel vm8, $0x1812, v0;
	v2 =	vsel vm9, $0x181D, v2;
	v1 =	vsel vm11, $0x182E, v1  }
0x112: {  	v0 =	vsel vm9, $0x181B, v0;
	v2 =	vsel vm10, $0x1826, v2;
	v1 =	vsel vm12, $0x1837, v1  }
0x113: {  	v0 =	vsel vm10, $0x1824, v0;
	v2 =	vsel vm11, $0x182F, v2;
	v1 =	vsel vm13, $0x1840, v1  }
0x114: {  	v0 =	vsel vm11, $0x182D, v0;
	v2 =	vsel vm12, $0x1838, v2;
	v1 =	vsel vm14, $0x1849, v1  }
0x115: {  	v0 =	vsel vm12, $0x1836, v0;
	v2 =	vsel vm13, $0x1841, v2;
	v53 =	vsel vm0, $0x1852, v1  }
0x116: {  	v1 =	vimm.s32 $0x185E;
	v0 =	vsel vm13, $0x183F, v0;
	v2 =	vsel vm14, $0x184A, v2  }
0x117: {  	v1 =	vsel vm1, $0x1457, v1;
	v0 =	vsel vm14, $0x1848, v0;
	v54 =	vsel vm0, $0x1853, v2  }
0x118: {  	v2 =	vimm.s32 $0x185F;
	v1 =	vsel vm2, $0x1460, v1;
	v52 =	vsel vm0, $0x1851, v0  }
0x119: {  	v0 =	vimm.s32 $0x185D;
	v2 =	vsel vm1, $0x1458, v2;
	v1 =	vsel vm3, $0x1469, v1  }
0x11a: {  	v0 =	vsel vm1, $0x1456, v0;
	v2 =	vsel vm2, $0x1461, v2;
	v1 =	vsel vm4, $0x1472, v1  }
0x11b: {  	v0 =	vsel vm2, $0x145F, v0;
	v2 =	vsel vm3, $0x146A, v2;
	v1 =	vsel vm5, $0x147B, v1  }
0x11c: {  	v0 =	vsel vm3, $0x1468, v0;
	v2 =	vsel vm4, $0x1473, v2;
	v1 =	vsel vm6, $0x1804, v1  }
0x11d: {  	v0 =	vsel vm4, $0x1471, v0;
	v2 =	vsel vm5, $0x147C, v2;
	v1 =	vsel vm7, $0x180D, v1  }
0x11e: {  	v0 =	vsel vm5, $0x147A, v0;
	v2 =	vsel vm6, $0x1805, v2;
	v1 =	vsel vm8, $0x1816, v1  }
0x11f: {  	v0 =	vsel vm6, $0x1803, v0;
	v2 =	vsel vm7, $0x180E, v2;
	v1 =	vsel vm9, $0x181F, v1  }
0x120: {  	v0 =	vsel vm7, $0x180C, v0;
	v2 =	vsel vm8, $0x1817, v2;
	v1 =	vsel vm10, $0x1828, v1  }
0x121: {  	v0 =	vsel vm8, $0x1815, v0;
	v2 =	vsel vm9, $0x1820, v2;
	v1 =	vsel vm11, $0x1831, v1  }
0x122: {  	v0 =	vsel vm9, $0x181E, v0;
	v2 =	vsel vm10, $0x1829, v2;
	v1 =	vsel vm12, $0x183A, v1  }
0x123: {  	v0 =	vsel vm10, $0x1827, v0;
	v2 =	vsel vm11, $0x1832, v2;
	v1 =	vsel vm13, $0x1843, v1  }
0x124: {  	v0 =	vsel vm11, $0x1830, v0;
	v2 =	vsel vm12, $0x183B, v2;
	v1 =	vsel vm14, $0x184C, v1  }
0x125: {  	v0 =	vsel vm12, $0x1839, v0;
	v2 =	vsel vm13, $0x1844, v2;
	v56 =	vsel vm0, $0x1855, v1  }
0x126: {  	v1 =	vimm.s32 $0x187C;
	v0 =	vsel vm13, $0x1842, v0;
	v2 =	vsel vm14, $0x184D, v2  }
0x127: {  	v1 =	vsel vm1, $0x1475, v1;
	v0 =	vsel vm14, $0x184B, v0;
	v57 =	vsel vm0, $0x1856, v2  }
0x128: {  	v2 =	vimm.s32 $0x187D;
	v1 =	vsel vm2, $0x147E, v1;
	v55 =	vsel vm0, $0x1854, v0  }
0x129: {  	v0 =	vimm.s32 $0x187B;
	v2 =	vsel vm1, $0x1476, v2;
	v1 =	vsel vm3, $0x1807, v1  }
0x12a: {  	v0 =	vsel vm1, $0x1474, v0;
	v2 =	vsel vm2, $0x147F, v2;
	v1 =	vsel vm4, $0x1810, v1  }
0x12b: {  	v0 =	vsel vm2, $0x147D, v0;
	v2 =	vsel vm3, $0x1808, v2;
	v1 =	vsel vm5, $0x1819, v1  }
0x12c: {  	v0 =	vsel vm3, $0x1806, v0;
	v2 =	vsel vm4, $0x1811, v2;
	v1 =	vsel vm6, $0x1822, v1  }
0x12d: {  	v0 =	vsel vm4, $0x180F, v0;
	v2 =	vsel vm5, $0x181A, v2;
	v1 =	vsel vm7, $0x182B, v1  }
0x12e: {  	v0 =	vsel vm5, $0x1818, v0;
	v2 =	vsel vm6, $0x1823, v2;
	v1 =	vsel vm8, $0x1834, v1  }
0x12f: {  	v0 =	vsel vm6, $0x1821, v0;
	v2 =	vsel vm7, $0x182C, v2;
	v1 =	vsel vm9, $0x183D, v1  }
0x130: {  	v0 =	vsel vm7, $0x182A, v0;
	v2 =	vsel vm8, $0x1835, v2;
	v1 =	vsel vm10, $0x1846, v1  }
0x131: {  	s5 =	rddreg [dreg:$0x0];
	v0 =	vsel vm8, $0x1833, v0;
	v2 =	vsel vm9, $0x183E, v2;
	v1 =	vsel vm11, $0x184F, v1  }
0x132: {  	s1 =	rddreg [dreg:$0x1];
	s2 =	simm.s32 $0x0;
	v0 =	vsel vm9, $0x183C, v0;
	v2 =	vsel vm10, $0x1847, v2;
	v1 =	vsel vm12, $0x1858, v1  }
0x133: {  	[smem:$0x7FF] =	sst s2;
	v0 =	vsel vm10, $0x1845, v0;
	v2 =	vsel vm11, $0x1850, v2;
	v1 =	vsel vm13, $0x1861, v1  }
0x134: {  	s0 =	rddreg [dreg:$0x2];
	_ =	strace $0x80000047;
	[tilespmem:$0x1FDB0] =	vst v20;
	v0 =	vsel vm11, $0x184E, v0;
	v2 =	vsel vm12, $0x1859, v2;
	v1 =	vsel vm14, $0x186A, v1  }
0x135: {  	[tilespmem:$0x1FDC0] =	vst v21;
	v0 =	vsel vm12, $0x1857, v0;
	v2 =	vsel vm13, $0x1862, v2;
	v59 =	vsel vm0, $0x1873, v1  }
0x136: {  	[tilespmem:$0x1FFD0] =	vst v24;
	v1 =	vimm.s32 $0x187F;
	v0 =	vsel vm13, $0x1860, v0;
	v2 =	vsel vm14, $0x186B, v2  }
0x137: {  	[tilespmem:$0x1FFE0] =	vst v25;
	v1 =	vsel vm1, $0x1478, v1;
	v0 =	vsel vm14, $0x1869, v0;
	v60 =	vsel vm0, $0x1874, v2  }
0x138: {  	[tilespmem:$0x1FFF0] =	vst v62;
	v2 =	vimm.s32 $0x1C00;
	v1 =	vsel vm2, $0x1801, v1;
	v58 =	vsel vm0, $0x1872, v0  }
0x139: {  	[tilespmem:$0x1FDD0] =	vst v38;
	v0 =	vimm.s32 $0x187E;
	v2 =	vsel vm1, $0x1479, v2;
	v1 =	vsel vm3, $0x180A, v1  }
0x13a: {  	[tilespmem:$0x1FDE0] =	vst v37;
	v0 =	vsel vm1, $0x1477, v0;
	v2 =	vsel vm2, $0x1802, v2;
	v1 =	vsel vm4, $0x1813, v1  }
0x13b: {  	[tilespmem:$0x1FE00] =	vst v32;
	v0 =	vsel vm2, $0x1800, v0;
	v2 =	vsel vm3, $0x180B, v2;
	v1 =	vsel vm5, $0x181C, v1  }
0x13c: {  	[tilespmem:$0x1FE10] =	vst v33;
	v0 =	vsel vm3, $0x1809, v0;
	v2 =	vsel vm4, $0x1814, v2;
	v1 =	vsel vm6, $0x1825, v1  }
0x13d: {  	[tilespmem:$0x1FDF0] =	vst v3;
	v0 =	vsel vm4, $0x1812, v0;
	v2 =	vsel vm5, $0x181D, v2;
	v1 =	vsel vm7, $0x182E, v1  }
0x13e: {  	[tilespmem:$0x1FE30] =	vst v35;
	v0 =	vsel vm5, $0x181B, v0;
	v2 =	vsel vm6, $0x1826, v2;
	v1 =	vsel vm8, $0x1837, v1  }
0x13f: {  	[tilespmem:$0x1FE40] =	vst v43;
	v0 =	vsel vm6, $0x1824, v0;
	v2 =	vsel vm7, $0x182F, v2;
	v1 =	vsel vm9, $0x1840, v1  }
0x140: {  	[tilespmem:$0x1FE20] =	vst v34;
	v0 =	vsel vm7, $0x182D, v0;
	v2 =	vsel vm8, $0x1838, v2;
	v1 =	vsel vm10, $0x1849, v1  }
0x141: {  	[tilespmem:$0x1FE60] =	vst v45;
	v0 =	vsel vm8, $0x1836, v0;
	v2 =	vsel vm9, $0x1841, v2;
	v1 =	vsel vm11, $0x1852, v1  }
0x142: {  	[tilespmem:$0x1FE70] =	vst v46;
	v0 =	vsel vm9, $0x183F, v0;
	v2 =	vsel vm10, $0x184A, v2;
	v1 =	vsel vm12, $0x185B, v1  }
0x143: {  	[tilespmem:$0x1FE50] =	vst v44;
	v0 =	vsel vm10, $0x1848, v0;
	v2 =	vsel vm11, $0x1853, v2;
	v1 =	vsel vm13, $0x1864, v1  }
0x144: {  	[tilespmem:$0x1FE90] =	vst v48;
	v0 =	vsel vm11, $0x1851, v0;
	v2 =	vsel vm12, $0x185C, v2;
	v1 =	vsel vm14, $0x186D, v1  }
0x145: {  	[tilespmem:$0x1FEA0] =	vst v49;
	v0 =	vsel vm12, $0x185A, v0;
	v19 =	vsel vm0, $0x1876, v1;
	v1 =	vimm.s32 $0x1C02  }
0x146: {  	[tilespmem:$0x1FE80] =	vst v47;
	v2 =	vsel vm13, $0x1865, v2;
	v0 =	vsel vm13, $0x1863, v0;
	v1 =	vsel vm1, $0x147B, v1  }
0x147: {  	[tilespmem:$0x1FEC0] =	vst v50;
	v2 =	vsel vm14, $0x186E, v2;
	v0 =	vsel vm14, $0x186C, v0;
	v1 =	vsel vm2, $0x1804, v1  }
0x148: {  	[tilespmem:$0x1FED0] =	vst v51;
	v22 =	vsel vm0, $0x1877, v2;
	v2 =	vimm.s32 $0x1C03;
	v1 =	vsel vm3, $0x180D, v1  }
0x149: {  	[tilespmem:$0x1FEB0] =	vst v41;
	v63 =	vsel vm0, $0x1875, v0;
	v2 =	vsel vm1, $0x147C, v2;
	v1 =	vsel vm4, $0x1816, v1  }
0x14a: {  	[tilespmem:$0x1FEF0] =	vst v53;
	v0 =	vimm.s32 $0x1C01;
	v2 =	vsel vm2, $0x1805, v2;
	v1 =	vsel vm5, $0x181F, v1  }
0x14b: {  	[tilespmem:$0x1FF00] =	vst v54;
	v0 =	vsel vm1, $0x147A, v0;
	v2 =	vsel vm3, $0x180E, v2;
	v1 =	vsel vm6, $0x1828, v1  }
0x14c: {  	[tilespmem:$0x1FEE0] =	vst v52;
	v0 =	vsel vm2, $0x1803, v0;
	v2 =	vsel vm4, $0x1817, v2;
	v1 =	vsel vm7, $0x1831, v1  }
0x14d: {  	[tilespmem:$0x1FF20] =	vst v56;
	v0 =	vsel vm3, $0x180C, v0;
	v2 =	vsel vm5, $0x1820, v2;
	v1 =	vsel vm8, $0x183A, v1  }
0x14e: {  	[tilespmem:$0x1FF30] =	vst v57;
	v0 =	vsel vm4, $0x1815, v0;
	v2 =	vsel vm6, $0x1829, v2;
	v1 =	vsel vm9, $0x1843, v1  }
0x14f: {  	[tilespmem:$0x1FF10] =	vst v55;
	v0 =	vsel vm5, $0x181E, v0;
	v2 =	vsel vm7, $0x1832, v2;
	v1 =	vsel vm10, $0x184C, v1  }
0x150: {  	[tilespmem:$0x1FF50] =	vst v59;
	v0 =	vsel vm6, $0x1827, v0;
	v2 =	vsel vm8, $0x183B, v2;
	v1 =	vsel vm11, $0x1855, v1  }
0x151: {  	[tilespmem:$0x1FF60] =	vst v60;
	v0 =	vsel vm7, $0x1830, v0;
	v2 =	vsel vm9, $0x1844, v2;
	v1 =	vsel vm12, $0x185E, v1  }
0x152: {  	[tilespmem:$0x1FF40] =	vst v58;
	v0 =	vsel vm8, $0x1839, v0;
	v2 =	vsel vm10, $0x184D, v2;
	v1 =	vsel vm13, $0x1867, v1  }
0x153: {  	[tilespmem:$0x1FF80] =	vst v19;
	v0 =	vsel vm9, $0x1842, v0;
	v2 =	vsel vm11, $0x1856, v2;
	v1 =	vsel vm14, $0x1870, v1  }
0x154: {  	[tilespmem:$0x1FF90] =	vst v22;
	v0 =	vsel vm10, $0x184B, v0;
	v2 =	vsel vm12, $0x185F, v2  }
0x155: {  	[tilespmem:$0x1FF70] =	vst v63;
	v0 =	vsel vm11, $0x1854, v0;
	v2 =	vsel vm13, $0x1868, v2;
	v18 =	vsel vm0, $0x1879, v1  }
0x156: {  	v0 =	vsel vm12, $0x185D, v0;
	v2 =	vsel vm14, $0x1871, v2;
	[tilespmem:$0x1FFB0] =	vst v18;
	v1 =	vmovc v6;
	v6 =	vor.u32 $0x30, v36  }
0x157: {  	s4 =	srdreg.scid;
	s10 =	simm.s32 $0x1;
	s11 =	simm.s32 $0x5;
	v0 =	vsel vm13, $0x1866, v0;
	v2 =	vsel vm0, $0x187A, v2;
	[tilespmem:$0x1FD70] =	vst v6  }
0x158: {  	s12 =	simm.s32 $0x0;
	s3 =	sadd.s32 $0x400, s5;
	s6 =	sand.u32 $0x1, s4;
	v0 =	vsel vm14, $0x186F, v0;
	v6 =	vor.u32 $0x40, v36;
	[tilespmem:$0x1FFC0] =	vst v2  }
0x159: {  	s4 =	stileid.u32;
	s7 =	ssub.s32 $0x2, s6;
	s6 =	sshll.u32 s6, $0x4;
	v0 =	vsel vm0, $0x1878, v0;
	[tilespmem:$0x1FD80] =	vst v6  }
0x15a: {  	s5 =	sadd.s32 $0x600, s5;
	s8 =	sshrl.u32 s7, $0x1;
	s9 =	sor.u32 s4, s6;
	v6 =	vor.u32 $0x50, v36;
	[tilespmem:$0x1FFA0] =	vst v0  }
0x15b: {  	s8 =	ssub.s32 s7, s8;
	s6 =	sshll.u32 s9, $0x4;
	s31 =	sshll.u32 s9, $0xD;
	[tilespmem:$0x1FD90] =	vst v6;
	v6 =	vadd.s32 $0x54, v36  }
0x15c: {  	s9 =	simm.s32 $0x1000;
	s7 =	sadd.s32 s1, s31;
	s8 =	smax.u32 s8, $0x1;
	[tilespmem:$0x1FDA0] =	vst v6  }
.LBB2_1:
0x15d: {  	[tilespmem:s2], [sflag:$0x1] =	stream.linear.gather [hbm4b:s3+s2], $0x1000, $0x38;
	[tilespmem:$0x13000] =	vst v63  }
0x15e: {  	_ =	swait.ge [sflag:s10], $0x1000  }
0x15f: {  	[sflag:s10] =	ssyncset.done $0x0  }
0x160: {  	s13 =	simm.s32 $0x0;
	s14 =	simm.s32 $0x0;
	[sflag:s10] =	ssyncadd.s32 $0xFFFFF000  }
0x161: {  	s15 =	simm.s32 $0x0;
	s16 =	simm.s32 $0x0;
	_ =	strace $0x80000048  }
0x162: {  	[tilespmem:s9], [sflag:$0x2] =	stream.linear.gather [hbm4b:s7+s2], $0x1000, $0x200038;
	[tilespmem:$0x13000] =	vst v63  }
0x163: {  	s17 =	simm.s32 $0x1;
	s18 =	simm.s32 $0x0;
	_ =	strace $0x90000048  }
.LBB2_2:
0x164: {  	s19 =	smov.u32 s13;
	s13 =	sadd.s32 $0x1, s13  }
0x165: {  	p0 =	seq.s32 s13, $0x10  }
0x166: {  	s13 =	simm.s32 @p0 $0x0  }
0x167: {  	p6 =	sne.s32 s18, $0xF;
	p1 =	sne.s32 s19, s13  }
0x168: {  	p0 =	por !p6, !p1  }
0x169: {  	p0 =	por !p0, !p0  }
0x16a: {  	s21 =	sadd.s32 @p0 s6, s13  }
0x16b: {  	s20 =	sand.u32 @p0 $0x1, s17;
	_ =	strace @p0 $0x80000049;
	s21 =	sshll.u32 @p0 s21, $0x9  }
0x16c: {  	s23 =	simm.s32 @p0 $0x0;
	s22 =	sshll.u32 @p0 s20, $0xC;
	s21 =	sand.u32 @p0 $0x1FFFFE00, s21  }
0x16d: {  	s20 =	sor.u32 @p0 $0x2, s20;
	s22 =	sadd.s32 @p0 $0x1000, s22;
	s21 =	sadd.s32 @p0 s1, s21  }
0x16e: {  	[tilespmem:s22], [sflag:s20] =	stream.linear.gather @p0 [hbm4b:s21+s23], $0x1000, $0x200038;
	[tilespmem:$0x13000] =	vst v63  }
0x16f: {  	s29 =	sand.u32 $0x1, s16;
	_ =	strace @p0 $0x90000049  }
0x170: {  	s20 =	sor.u32 $0x2, s29;
	_ =	strace $0x8000004A  }
0x171: {  	_ =	swait.ge [sflag:s20], $0x1000  }
0x172: {  	s30 =	sshll.u32 s16, $0xC;
	s19 =	sadd.s32 s6, s19;
	[sflag:s20] =	ssyncset.done $0x0  }
0x173: {  	s21 =	sand.u32 $0x1000, s30;
	[sflag:s20] =	ssyncadd.s32 $0xFFFFF000;
	s20 =	sand.u32 $0x1, s15  }
0x174: {  	s23 =	simm.s32 $0x0;
	_ =	strace $0x9000004A;
	s31 =	sshll.u32 s20, $0xF  }
0x175: {  	s22 =	sadd.s32 $0x1000, s21;
	_ =	strace $0x8000004B;
	s21 =	sor.u32 $0x3000, s31  }
.LBB2_3:
0x176: {  	v6 =	vmov s23  }
0x177: {  	v10 =	vshll.u32 v6, $0x7  }
0x178: {  	v7 =	vor.u32 v36, v10;
	_ =	sdelay $0x4  }
0x179: {  	v7 =	vld.idx.msk [tilespmem:v7+s22+$0x0], $0xffff;
	_ =	sdelay $0x4  }
0x17a: {  	v8 =	vshll.u32 v7, $0x3  }
0x17b: {  	v43 =	vld [tilespmem:$0x1FC00];
	v7 =	vand.u32 $0x7F, v7;
	v8 =	vand.u32 $0xFFFFFC00, v8  }
0x17c: {  	v44 =	vld [tilespmem:$0x1FC10];
	v7 =	vor.u32 v7, v8  }
0x17d: {  	v45 =	vld [tilespmem:$0x1FC20];
	v8 =	vor.u32 $0x80, v7  }
0x17e: {  	v46 =	vld [tilespmem:$0x1FC30];
	v9 =	vor.u32 $0x100, v7  }
0x17f: {  	v47 =	vld [tilespmem:$0x1FC40];
	v11 =	vor.u32 $0x180, v7  }
0x180: {  	v48 =	vld [tilespmem:$0x1FC50]  }
0x181: {  	v49 =	vld [tilespmem:$0x1FC60];
	v12 =	vor.u32 $0x200, v7  }
0x182: {  	v14 =	vor.u32 $0x280, v7;
	v15 =	vld.idx.msk [tilespmem:v8+s2+$0x0], $0xffff;
	v8 =	vshll.u32 v6, $0xA  }
0x183: {  	v16 =	vor.u32 $0x300, v7;
	v6 =	vld.idx.msk [tilespmem:v9+s2+$0x0], $0xffff;
	v9 =	vand.u32 $0x200, v10;
	v18 =	vand.u32 $0x6000, v8  }
0x184: {  	v17 =	vor.u32 $0x380, v7;
	v19 =	vld.idx.msk [tilespmem:v11+s2+$0x0], $0xffff;
	v11 =	vor.u32 v18, v9  }
0x185: {  	v13 =	vld.idx.msk [tilespmem:v7+s2+$0x0], $0xffff;
	v7 =	vadd.s32 $0x800, v7;
	v18 =	vor.u32 v20, v11  }
0x186: {  	v12 =	vld.idx.msk [tilespmem:v12+s2+$0x0], $0xffff;
	v20 =	vor.u32 v21, v11  }
0x187: {  	v14 =	vld.idx.msk [tilespmem:v14+s2+$0x0], $0xffff;
	v21 =	vor.u32 v43, v11  }
0x188: {  	v16 =	vld.idx.msk [tilespmem:v16+s2+$0x0], $0xffff;
	v22 =	vor.u32 v44, v11  }
0x189: {  	v17 =	vld.idx.msk [tilespmem:v17+s2+$0x0], $0xffff;
	v23 =	vor.u32 v45, v11  }
0x18a: {  	v59 =	vor.u32 v46, v11;
	v7 =	vld.idx.msk [tilespmem:v7+s2+$0x0], $0xffff;
	[tilespmem:v18+s21+$0x0] =	vst.idx.msk $0xffff, v13  }
0x18b: {  	v60 =	vor.u32 v47, v11;
	[tilespmem:v20+s21+$0x0] =	vst.idx.msk $0xffff, v15  }
0x18c: {  	[tilespmem:v21+s21+$0x0] =	vst.idx.msk $0xffff, v6;
	v6 =	vor.u32 v48, v11  }
0x18d: {  	v18 =	vor.u32 v49, v11;
	[tilespmem:v22+s21+$0x0] =	vst.idx.msk $0xffff, v19  }
0x18e: {  	v63 =	vor.u32 v24, v10;
	[tilespmem:v23+s21+$0x0] =	vst.idx.msk $0xffff, v12  }
0x18f: {  	[tilespmem:v59+s21+$0x0] =	vst.idx.msk $0xffff, v14  }
0x190: {  	[tilespmem:v60+s21+$0x0] =	vst.idx.msk $0xffff, v16  }
0x191: {  	[tilespmem:v6+s21+$0x0] =	vst.idx.msk $0xffff, v17  }
0x192: {  	[tilespmem:v18+s21+$0x0] =	vst.idx.msk $0xffff, v7  }
0x193: {  	v6 =	vld.idx.msk [tilespmem:v63+s22+$0x0], $0xffff;
	_ =	sdelay $0x2  }
0x194: {  	v50 =	vld [tilespmem:$0x1FC70]  }
0x195: {  	v51 =	vld [tilespmem:$0x1FC80]  }
0x196: {  	v52 =	vld [tilespmem:$0x1FC90];
	v7 =	vshll.u32 v6, $0x3  }
0x197: {  	v53 =	vld [tilespmem:$0x1FCA0];
	v6 =	vand.u32 $0x7F, v6;
	v7 =	vand.u32 $0xFFFFFC00, v7  }
0x198: {  	v54 =	vld [tilespmem:$0x1FCB0];
	v6 =	vor.u32 v6, v7  }
0x199: {  	v55 =	vld [tilespmem:$0x1FCC0];
	v7 =	vor.u32 $0x80, v6  }
0x19a: {  	v56 =	vld [tilespmem:$0x1FCD0];
	v28 =	vor.u32 $0x100, v6  }
0x19b: {  	v57 =	vld [tilespmem:$0x1FCE0];
	v29 =	vor.u32 $0x180, v6  }
0x19c: {  	v58 =	vld [tilespmem:$0x1FCF0];
	v30 =	vor.u32 $0x200, v6  }
0x19d: {  	v31 =	vor.u32 $0x280, v6;
	v15 =	vld.idx.msk [tilespmem:v6+s2+$0x0], $0xffff  }
0x19e: {  	v40 =	vor.u32 $0x300, v6;
	v7 =	vld.idx.msk [tilespmem:v7+s2+$0x0], $0xffff  }
0x19f: {  	v18 =	vor.u32 $0x380, v6;
	v12 =	vld.idx.msk [tilespmem:v28+s2+$0x0], $0xffff  }
0x1a0: {  	v19 =	vor.u32 v50, v11;
	v6 =	vadd.s32 $0x800, v6;
	v13 =	vld.idx.msk [tilespmem:v29+s2+$0x0], $0xffff  }
0x1a1: {  	v20 =	vor.u32 v51, v11;
	v14 =	vld.idx.msk [tilespmem:v30+s2+$0x0], $0xffff  }
0x1a2: {  	v21 =	vor.u32 v52, v11;
	v16 =	vld.idx.msk [tilespmem:v31+s2+$0x0], $0xffff  }
0x1a3: {  	v22 =	vor.u32 v53, v11;
	v17 =	vld.idx.msk [tilespmem:v40+s2+$0x0], $0xffff  }
0x1a4: {  	v23 =	vor.u32 v54, v11;
	v18 =	vld.idx.msk [tilespmem:v18+s2+$0x0], $0xffff  }
0x1a5: {  	v41 =	vor.u32 v55, v11;
	v6 =	vld.idx.msk [tilespmem:v6+s2+$0x0], $0xffff;
	[tilespmem:v19+s21+$0x0] =	vst.idx.msk $0xffff, v15  }
0x1a6: {  	[tilespmem:v20+s21+$0x0] =	vst.idx.msk $0xffff, v7;
	v7 =	vor.u32 v56, v11  }
0x1a7: {  	v42 =	vor.u32 v57, v11;
	[tilespmem:v21+s21+$0x0] =	vst.idx.msk $0xffff, v12  }
0x1a8: {  	v60 =	vor.u32 v58, v11;
	[tilespmem:v22+s21+$0x0] =	vst.idx.msk $0xffff, v13  }
0x1a9: {  	v63 =	vor.u32 v25, v10;
	[tilespmem:v23+s21+$0x0] =	vst.idx.msk $0xffff, v14  }
0x1aa: {  	[tilespmem:v41+s21+$0x0] =	vst.idx.msk $0xffff, v16  }
0x1ab: {  	[tilespmem:v7+s21+$0x0] =	vst.idx.msk $0xffff, v17  }
0x1ac: {  	[tilespmem:v42+s21+$0x0] =	vst.idx.msk $0xffff, v18  }
0x1ad: {  	[tilespmem:v60+s21+$0x0] =	vst.idx.msk $0xffff, v6  }
0x1ae: {  	v6 =	vld.idx.msk [tilespmem:v63+s22+$0x0], $0xffff;
	_ =	sdelay $0x3  }
0x1af: {  	s24 =	sadd.s32 $0x1, s23  }
0x1b0: {  	v12 =	vmov s24;
	v28 =	vshll.u32 v6, $0x3  }
0x1b1: {  	v42 =	vshll.u32 v12, $0x7;
	v6 =	vand.u32 $0x7F, v6;
	v13 =	vand.u32 $0xFFFFFC00, v28  }
0x1b2: {  	v29 =	vor.u32 v36, v42;
	v6 =	vor.u32 v6, v13  }
0x1b3: {  	v2 =	vld [tilespmem:$0x1FD20];
	v40 =	vor.u32 $0x200, v6  }
0x1b4: {  	v59 =	vld [tilespmem:$0x1FD00]  }
0x1b5: {  	v7 =	vld [tilespmem:$0x1FD30]  }
0x1b6: {  	v60 =	vld [tilespmem:$0x1FD50]  }
0x1b7: {  	v14 =	vld.idx.msk [tilespmem:v29+s22+$0x0], $0xffff;
	v13 =	vor.u32 $0x80, v6  }
0x1b8: {  	v30 =	vor.u32 $0x100, v6;
	v17 =	vld.idx.msk [tilespmem:v40+s2+$0x0], $0xffff  }
0x1b9: {  	v31 =	vor.u32 $0x180, v6;
	v40 =	vld [tilespmem:$0x1FD10]  }
0x1ba: {  	v63 =	vld [tilespmem:$0x1FD40];
	v19 =	vor.u32 $0x280, v6  }
0x1bb: {  	v20 =	vor.u32 $0x300, v6;
	v18 =	vld.idx.msk [tilespmem:v6+s2+$0x0], $0xffff  }
0x1bc: {  	v21 =	vor.u32 $0x380, v6;
	v6 =	vadd.s32 $0x800, v6;
	v13 =	vld.idx.msk [tilespmem:v13+s2+$0x0], $0xffff  }
0x1bd: {  	v22 =	vor.u32 v59, v11;
	v15 =	vld.idx.msk [tilespmem:v30+s2+$0x0], $0xffff  }
0x1be: {  	v23 =	vshll.u32 v14, $0x3;
	v16 =	vld.idx.msk [tilespmem:v31+s2+$0x0], $0xffff;
	v24 =	vor.u32 v40, v11  }
0x1bf: {  	v14 =	vand.u32 $0x7F, v14;
	v23 =	vand.u32 $0xFFFFFC00, v23;
	v19 =	vld.idx.msk [tilespmem:v19+s2+$0x0], $0xffff  }
0x1c0: {  	v14 =	vor.u32 v14, v23;
	v23 =	vor.u32 v2, v11;
	v20 =	vld.idx.msk [tilespmem:v20+s2+$0x0], $0xffff  }
0x1c1: {  	v25 =	vor.u32 $0x80, v14;
	v26 =	vld.idx.msk [tilespmem:v6+s2+$0x0], $0xffff;
	v6 =	vor.u32 v7, v11  }
0x1c2: {  	v21 =	vld.idx.msk [tilespmem:v21+s2+$0x0], $0xffff;
	[tilespmem:v22+s21+$0x0] =	vst.idx.msk $0xffff, v18  }
0x1c3: {  	v0 =	vld [tilespmem:$0x1FDB0];
	[tilespmem:v24+s21+$0x0] =	vst.idx.msk $0xffff, v13;
	v13 =	vor.u32 v63, v11  }
0x1c4: {  	v3 =	vld [tilespmem:$0x1FD60];
	v27 =	vor.u32 $0x100, v14  }
0x1c5: {  	v12 =	vshll.u32 v12, $0xA;
	v29 =	vld.idx.msk [tilespmem:v14+s2+$0x0], $0xffff;
	v18 =	vor.u32 $0x180, v14;
	[tilespmem:v23+s21+$0x0] =	vst.idx.msk $0xffff, v15  }
0x1c6: {  	v41 =	vand.u32 $0x280, v42;
	v22 =	vor.u32 $0x200, v14;
	v23 =	vld.idx.msk [tilespmem:v25+s2+$0x0], $0xffff;
	[tilespmem:v6+s21+$0x0] =	vst.idx.msk $0xffff, v16;
	v6 =	vand.u32 $0x6000, v12  }
0x1c7: {  	v30 =	vor.u32 $0x280, v14;
	v24 =	vor.u32 v60, v11;
	v6 =	vor.u32 v6, v41;
	v41 =	vld [tilespmem:$0x1FD70]  }
0x1c8: {  	v28 =	vor.u32 v61, v11;
	v25 =	vor.u32 $0x300, v14;
	[tilespmem:v13+s21+$0x0] =	vst.idx.msk $0xffff, v17;
	v17 =	vor.u32 v0, v6;
	v0 =	vld [tilespmem:$0x1FDC0]  }
0x1c9: {  	v16 =	vld.idx.msk [tilespmem:v27+s2+$0x0], $0xffff;
	v27 =	vor.u32 $0x380, v14;
	v14 =	vadd.s32 $0x800, v14  }
0x1ca: {  	v18 =	vld.idx.msk [tilespmem:v18+s2+$0x0], $0xffff;
	v15 =	vor.u32 v62, v11  }
0x1cb: {  	v31 =	vor.u32 v3, v11;
	v13 =	vld.idx.msk [tilespmem:v22+s2+$0x0], $0xffff  }
0x1cc: {  	[tilespmem:v24+s21+$0x0] =	vst.idx.msk $0xffff, v19;
	v19 =	vld.idx.msk [tilespmem:v30+s2+$0x0], $0xffff;
	v12 =	vor.u32 v41, v10  }
0x1cd: {  	[tilespmem:v28+s21+$0x0] =	vst.idx.msk $0xffff, v20;
	v20 =	vld.idx.msk [tilespmem:v25+s2+$0x0], $0xffff;
	v22 =	vor.u32 v0, v6  }
0x1ce: {  	v24 =	vor.u32 v43, v6;
	v14 =	vld.idx.msk [tilespmem:v14+s2+$0x0], $0xffff  }
0x1cf: {  	[tilespmem:v15+s21+$0x0] =	vst.idx.msk $0xffff, v21;
	v15 =	vld.idx.msk [tilespmem:v27+s2+$0x0], $0xffff;
	v21 =	vor.u32 v44, v6  }
0x1d0: {  	v25 =	vor.u32 v45, v6;
	[tilespmem:v31+s21+$0x0] =	vst.idx.msk $0xffff, v26;
	v0 =	vld [tilespmem:$0x1FFD0]  }
0x1d1: {  	[tilespmem:v17+s21+$0x0] =	vst.idx.msk $0xffff, v29;
	v29 =	vor.u32 v46, v6;
	v12 =	vld.idx.msk [tilespmem:v12+s22+$0x0], $0xffff  }
0x1d2: {  	[tilespmem:v22+s21+$0x0] =	vst.idx.msk $0xffff, v23;
	v22 =	vor.u32 v47, v6  }
0x1d3: {  	v30 =	vor.u32 v48, v6;
	[tilespmem:v24+s21+$0x0] =	vst.idx.msk $0xffff, v16  }
0x1d4: {  	[tilespmem:v21+s21+$0x0] =	vst.idx.msk $0xffff, v18;
	v18 =	vor.u32 v49, v6  }
0x1d5: {  	v31 =	vor.u32 v0, v42;
	[tilespmem:v25+s21+$0x0] =	vst.idx.msk $0xffff, v13  }
0x1d6: {  	v21 =	vshll.u32 v12, $0x3;
	[tilespmem:v29+s21+$0x0] =	vst.idx.msk $0xffff, v19  }
0x1d7: {  	v12 =	vand.u32 $0x7F, v12;
	v28 =	vand.u32 $0xFFFFFC00, v21;
	[tilespmem:v22+s21+$0x0] =	vst.idx.msk $0xffff, v20  }
0x1d8: {  	v12 =	vor.u32 v12, v28;
	[tilespmem:v30+s21+$0x0] =	vst.idx.msk $0xffff, v15  }
0x1d9: {  	v29 =	vor.u32 $0x80, v12;
	[tilespmem:v18+s21+$0x0] =	vst.idx.msk $0xffff, v14  }
0x1da: {  	v30 =	vor.u32 $0x100, v12;
	v13 =	vld.idx.msk [tilespmem:v31+s22+$0x0], $0xffff  }
0x1db: {  	v17 =	vor.u32 $0x200, v12  }
0x1dc: {  	v0 =	vld [tilespmem:$0x1FDF0];
	v19 =	vor.u32 $0x280, v12  }
0x1dd: {  	v20 =	vor.u32 $0x300, v12;
	v18 =	vld.idx.msk [tilespmem:v12+s2+$0x0], $0xffff  }
0x1de: {  	v21 =	vor.u32 $0x380, v12;
	v15 =	vld.idx.msk [tilespmem:v29+s2+$0x0], $0xffff  }
0x1df: {  	v23 =	vor.u32 v39, v11;
	v31 =	vor.u32 $0x180, v12;
	v14 =	vld.idx.msk [tilespmem:v30+s2+$0x0], $0xffff;
	v22 =	vshll.u32 v13, $0x3  }
0x1e0: {  	v12 =	vadd.s32 $0x800, v12;
	v17 =	vld.idx.msk [tilespmem:v17+s2+$0x0], $0xffff;
	v13 =	vand.u32 $0x7F, v13;
	v22 =	vand.u32 $0xFFFFFC00, v22  }
0x1e1: {  	v19 =	vld.idx.msk [tilespmem:v19+s2+$0x0], $0xffff;
	v13 =	vor.u32 v13, v22;
	v22 =	vor.u32 v4, v11  }
0x1e2: {  	v20 =	vld.idx.msk [tilespmem:v20+s2+$0x0], $0xffff  }
0x1e3: {  	v21 =	vld.idx.msk [tilespmem:v21+s2+$0x0], $0xffff;
	v24 =	vor.u32 $0x80, v13  }
0x1e4: {  	v25 =	vor.u32 v5, v11;
	v16 =	vld.idx.msk [tilespmem:v31+s2+$0x0], $0xffff;
	v26 =	vor.u32 $0x100, v13  }
0x1e5: {  	v27 =	vor.u32 v37, v11;
	v12 =	vld.idx.msk [tilespmem:v12+s2+$0x0], $0xffff;
	[tilespmem:v23+s21+$0x0] =	vst.idx.msk $0xffff, v18;
	v28 =	vor.u32 $0x180, v13  }
0x1e6: {  	v29 =	vor.u32 v38, v11;
	v30 =	vor.u32 $0x200, v13;
	[tilespmem:v22+s21+$0x0] =	vst.idx.msk $0xffff, v15;
	v15 =	vor.u32 v0, v11;
	v0 =	vld [tilespmem:$0x1FD80]  }
0x1e7: {  	v18 =	vor.u32 v1, v11;
	v31 =	vor.u32 $0x280, v13;
	v23 =	vld.idx.msk [tilespmem:v13+s2+$0x0], $0xffff  }
0x1e8: {  	v22 =	vld.idx.msk [tilespmem:v24+s2+$0x0], $0xffff  }
0x1e9: {  	v24 =	vor.u32 $0x300, v13;
	[tilespmem:v25+s21+$0x0] =	vst.idx.msk $0xffff, v14;
	v14 =	vor.u32 v32, v11;
	v25 =	vld.idx.msk [tilespmem:v26+s2+$0x0], $0xffff  }
0x1ea: {  	v26 =	vor.u32 $0x380, v13;
	v11 =	vor.u32 v33, v11;
	[tilespmem:v27+s21+$0x0] =	vst.idx.msk $0xffff, v16;
	v16 =	vld.idx.msk [tilespmem:v28+s2+$0x0], $0xffff  }
0x1eb: {  	v27 =	vld.idx.msk [tilespmem:v30+s2+$0x0], $0xffff;
	[tilespmem:v29+s21+$0x0] =	vst.idx.msk $0xffff, v17;
	v32 =	vor.u32 v0, v10  }
0x1ec: {  	v13 =	vadd.s32 $0x800, v13;
	v33 =	vor.u32 v50, v6;
	[tilespmem:v18+s21+$0x0] =	vst.idx.msk $0xffff, v19;
	v18 =	vld.idx.msk [tilespmem:v31+s2+$0x0], $0xffff  }
0x1ed: {  	v19 =	vor.u32 v51, v6;
	[tilespmem:v15+s21+$0x0] =	vst.idx.msk $0xffff, v20;
	v0 =	vld [tilespmem:$0x1FFE0]  }
0x1ee: {  	v20 =	vor.u32 v52, v6;
	v15 =	vld.idx.msk [tilespmem:v24+s2+$0x0], $0xffff;
	[tilespmem:v14+s21+$0x0] =	vst.idx.msk $0xffff, v21  }
0x1ef: {  	v14 =	vld.idx.msk [tilespmem:v26+s2+$0x0], $0xffff;
	v21 =	vor.u32 v53, v6;
	[tilespmem:v11+s21+$0x0] =	vst.idx.msk $0xffff, v12  }
0x1f0: {  	v29 =	vor.u32 v54, v6;
	v30 =	vld.idx.msk [tilespmem:v32+s22+$0x0], $0xffff  }
0x1f1: {  	v31 =	vor.u32 v55, v6;
	v11 =	vld.idx.msk [tilespmem:v13+s2+$0x0], $0xffff;
	[tilespmem:v33+s21+$0x0] =	vst.idx.msk $0xffff, v23  }
0x1f2: {  	[tilespmem:v19+s21+$0x0] =	vst.idx.msk $0xffff, v22;
	v19 =	vor.u32 v56, v6  }
0x1f3: {  	[tilespmem:v20+s21+$0x0] =	vst.idx.msk $0xffff, v25;
	v20 =	vor.u32 v57, v6  }
0x1f4: {  	v32 =	vor.u32 v58, v6;
	[tilespmem:v21+s21+$0x0] =	vst.idx.msk $0xffff, v16  }
0x1f5: {  	v33 =	vor.u32 v0, v42;
	[tilespmem:v29+s21+$0x0] =	vst.idx.msk $0xffff, v27;
	v21 =	vshll.u32 v30, $0x3  }
0x1f6: {  	[tilespmem:v31+s21+$0x0] =	vst.idx.msk $0xffff, v18;
	v13 =	vand.u32 $0x7F, v30;
	v28 =	vand.u32 $0xFFFFFC00, v21  }
0x1f7: {  	[tilespmem:v19+s21+$0x0] =	vst.idx.msk $0xffff, v15;
	v13 =	vor.u32 v13, v28  }
0x1f8: {  	[tilespmem:v20+s21+$0x0] =	vst.idx.msk $0xffff, v14;
	v29 =	vor.u32 $0x80, v13  }
0x1f9: {  	[tilespmem:v32+s21+$0x0] =	vst.idx.msk $0xffff, v11;
	v30 =	vor.u32 $0x100, v13  }
0x1fa: {  	v12 =	vld.idx.msk [tilespmem:v33+s22+$0x0], $0xffff;
	v31 =	vor.u32 $0x180, v13  }
0x1fb: {  	v32 =	vor.u32 $0x200, v13  }
0x1fc: {  	v18 =	vor.u32 $0x280, v13;
	v17 =	vld.idx.msk [tilespmem:v13+s2+$0x0], $0xffff  }
0x1fd: {  	v19 =	vor.u32 $0x300, v13;
	v14 =	vld.idx.msk [tilespmem:v29+s2+$0x0], $0xffff  }
0x1fe: {  	v33 =	vor.u32 $0x380, v13;
	v20 =	vld.idx.msk [tilespmem:v30+s2+$0x0], $0xffff  }
0x1ff: {  	v21 =	vshll.u32 v12, $0x3;
	v15 =	vld.idx.msk [tilespmem:v31+s2+$0x0], $0xffff  }
0x200: {  	v13 =	vadd.s32 $0x800, v13;
	v12 =	vand.u32 $0x7F, v12;
	v21 =	vand.u32 $0xFFFFFC00, v21;
	v16 =	vld.idx.msk [tilespmem:v32+s2+$0x0], $0xffff  }
0x201: {  	v18 =	vld.idx.msk [tilespmem:v18+s2+$0x0], $0xffff;
	v12 =	vor.u32 v12, v21  }
0x202: {  	v19 =	vld.idx.msk [tilespmem:v19+s2+$0x0], $0xffff;
	v21 =	vor.u32 $0x80, v12  }
0x203: {  	s30 =	sadd.s32 $0x2, s23;
	v23 =	vld.idx.msk [tilespmem:v33+s2+$0x0], $0xffff;
	v22 =	vor.u32 $0x100, v12  }
0x204: {  	v29 =	vmov s30;
	v0 =	vld [tilespmem:$0x1FE40];
	v24 =	vor.u32 $0x180, v12  }
0x205: {  	v9 =	vor.u32 v8, v9;
	v11 =	vshll.u32 v29, $0x7;
	v27 =	vor.u32 $0x280, v12;
	v25 =	vld.idx.msk [tilespmem:v13+s2+$0x0], $0xffff  }
0x206: {  	v30 =	vor.u32 v34, v9;
	v31 =	vor.u32 v36, v11;
	v26 =	vld.idx.msk [tilespmem:v12+s2+$0x0], $0xffff  }
0x207: {  	v21 =	vld.idx.msk [tilespmem:v21+s2+$0x0], $0xffff  }
0x208: {  	v28 =	vor.u32 $0x300, v12;
	v8 =	vld.idx.msk [tilespmem:v22+s2+$0x0], $0xffff  }
0x209: {  	v13 =	vor.u32 $0x200, v12;
	v24 =	vld.idx.msk [tilespmem:v24+s2+$0x0], $0xffff  }
0x20a: {  	v32 =	vor.u32 v35, v9;
	v22 =	vor.u32 $0x380, v12;
	v27 =	vld.idx.msk [tilespmem:v27+s2+$0x0], $0xffff  }
0x20b: {  	v33 =	vor.u32 v59, v6;
	[tilespmem:v30+s21+$0x0] =	vst.idx.msk $0xffff, v17;
	v12 =	vadd.s32 $0x800, v12;
	v30 =	vld.idx.msk [tilespmem:v31+s22+$0x0], $0xffff  }
0x20c: {  	v34 =	vor.u32 v40, v6;
	v31 =	vor.u32 v0, v9;
	v0 =	vld [tilespmem:$0x1FE50]  }
0x20d: {  	v28 =	vld.idx.msk [tilespmem:v28+s2+$0x0], $0xffff  }
0x20e: {  	v35 =	vor.u32 v2, v6;
	v13 =	vld.idx.msk [tilespmem:v13+s2+$0x0], $0xffff  }
0x20f: {  	v17 =	vor.u32 v7, v6;
	[tilespmem:v32+s21+$0x0] =	vst.idx.msk $0xffff, v14;
	v22 =	vld.idx.msk [tilespmem:v22+s2+$0x0], $0xffff  }
0x210: {  	v14 =	vor.u32 v63, v6;
	v12 =	vld.idx.msk [tilespmem:v12+s2+$0x0], $0xffff;
	[tilespmem:v33+s21+$0x0] =	vst.idx.msk $0xffff, v26  }
0x211: {  	[tilespmem:v34+s21+$0x0] =	vst.idx.msk $0xffff, v21;
	v34 =	vor.u32 v41, v42;
	v41 =	vor.u32 v0, v9;
	v0 =	vld [tilespmem:$0x1FE60];
	_ =	sdelay $0x1  }
0x212: {  	[tilespmem:v35+s21+$0x0] =	vst.idx.msk $0xffff, v8  }
0x213: {  	[tilespmem:v17+s21+$0x0] =	vst.idx.msk $0xffff, v24;
	v24 =	vshll.u32 v30, $0x3  }
0x214: {  	v26 =	vor.u32 v60, v6;
	v35 =	vand.u32 $0x7F, v30;
	v24 =	vand.u32 $0xFFFFFC00, v24  }
0x215: {  	[tilespmem:v14+s21+$0x0] =	vst.idx.msk $0xffff, v13;
	v14 =	vor.u32 v35, v24;
	v24 =	vor.u32 v0, v9;
	v0 =	vld [tilespmem:$0x1FE70];
	_ =	sdelay $0x2  }
0x216: {  	v21 =	vor.u32 v61, v6  }
0x217: {  	v62 =	vor.u32 v62, v6  }
0x218: {  	v33 =	vor.u32 v3, v6;
	[tilespmem:v26+s21+$0x0] =	vst.idx.msk $0xffff, v27;
	v26 =	vor.u32 v0, v9;
	v0 =	vld [tilespmem:$0x1FE80];
	_ =	sdelay $0x2  }
0x219: {  	[tilespmem:v21+s21+$0x0] =	vst.idx.msk $0xffff, v28  }
0x21a: {  	[tilespmem:v62+s21+$0x0] =	vst.idx.msk $0xffff, v22  }
0x21b: {  	[tilespmem:v33+s21+$0x0] =	vst.idx.msk $0xffff, v12;
	v33 =	vor.u32 v0, v9;
	v0 =	vld [tilespmem:$0x1FE90];
	_ =	sdelay $0x2  }
0x21c: {  	[tilespmem:v31+s21+$0x0] =	vst.idx.msk $0xffff, v20  }
0x21d: {  	[tilespmem:v41+s21+$0x0] =	vst.idx.msk $0xffff, v15  }
0x21e: {  	[tilespmem:v24+s21+$0x0] =	vst.idx.msk $0xffff, v16;
	v16 =	vor.u32 v0, v9;
	v0 =	vld [tilespmem:$0x1FEA0];
	_ =	sdelay $0x2  }
0x21f: {  	v21 =	vor.u32 $0x80, v14  }
0x220: {  	v32 =	vor.u32 $0x180, v14  }
0x221: {  	v28 =	vor.u32 v0, v9;
	v0 =	vld [tilespmem:$0x1FDB0]  }
0x222: {  	v22 =	vor.u32 $0x280, v14;
	v20 =	vld.idx.msk [tilespmem:v34+s22+$0x0], $0xffff  }
0x223: {  	v27 =	vshll.u32 v29, $0xA;
	v34 =	vor.u32 $0x200, v14;
	v15 =	vld.idx.msk [tilespmem:v14+s2+$0x0], $0xffff  }
0x224: {  	v35 =	vand.u32 $0x6000, v27;
	v27 =	vand.u32 $0x300, v11;
	v62 =	vor.u32 $0x100, v14;
	v21 =	vld.idx.msk [tilespmem:v21+s2+$0x0], $0xffff  }
0x225: {  	v8 =	vor.u32 v35, v27;
	v24 =	vor.u32 $0x300, v14;
	v12 =	vld.idx.msk [tilespmem:v32+s2+$0x0], $0xffff;
	[tilespmem:v26+s21+$0x0] =	vst.idx.msk $0xffff, v18  }
0x226: {  	[tilespmem:v33+s21+$0x0] =	vst.idx.msk $0xffff, v19;
	v19 =	vor.u32 v0, v8;
	v0 =	vld [tilespmem:$0x1FD90]  }
0x227: {  	v22 =	vld.idx.msk [tilespmem:v22+s2+$0x0], $0xffff;
	v26 =	vor.u32 $0x380, v14;
	v14 =	vadd.s32 $0x800, v14  }
0x228: {  	v17 =	vld.idx.msk [tilespmem:v34+s2+$0x0], $0xffff  }
0x229: {  	v18 =	vld.idx.msk [tilespmem:v62+s2+$0x0], $0xffff  }
0x22a: {  	v31 =	vshll.u32 v20, $0x3;
	v24 =	vld.idx.msk [tilespmem:v24+s2+$0x0], $0xffff  }
0x22b: {  	v34 =	vand.u32 $0x7F, v20;
	v20 =	vand.u32 $0xFFFFFC00, v31;
	v29 =	vor.u32 v0, v10;
	v0 =	vld [tilespmem:$0x1FDC0]  }
0x22c: {  	v14 =	vld.idx.msk [tilespmem:v14+s2+$0x0], $0xffff;
	[tilespmem:v16+s21+$0x0] =	vst.idx.msk $0xffff, v23;
	v16 =	vor.u32 v34, v20  }
0x22d: {  	v23 =	vld.idx.msk [tilespmem:v26+s2+$0x0], $0xffff;
	[tilespmem:v19+s21+$0x0] =	vst.idx.msk $0xffff, v15;
	v19 =	vor.u32 $0x100, v16  }
0x22e: {  	s31 =	sadd.s32 $0x3, s23  }
0x22f: {  	v27 =	vmov s31  }
0x230: {  	v13 =	vshll.u32 v27, $0x7;
	v30 =	vor.u32 v0, v8  }
0x231: {  	v41 =	vor.u32 v43, v8;
	v62 =	vor.u32 v36, v13  }
0x232: {  	v26 =	vor.u32 v44, v8;
	v15 =	vld.idx.msk [tilespmem:v19+s2+$0x0], $0xffff;
	v19 =	vor.u32 $0x300, v16  }
0x233: {  	v20 =	vor.u32 v45, v8;
	v0 =	vld [tilespmem:$0x1FFD0]  }
0x234: {  	v35 =	vor.u32 v46, v8;
	[tilespmem:v28+s21+$0x0] =	vst.idx.msk $0xffff, v25  }
0x235: {  	v25 =	vor.u32 $0x80, v16;
	v29 =	vld.idx.msk [tilespmem:v29+s22+$0x0], $0xffff;
	[tilespmem:v30+s21+$0x0] =	vst.idx.msk $0xffff, v21;
	v21 =	vor.u32 v47, v8  }
0x236: {  	v36 =	vor.u32 $0x180, v16;
	[tilespmem:v41+s21+$0x0] =	vst.idx.msk $0xffff, v18;
	v18 =	vor.u32 v48, v8;
	v41 =	vld.idx.msk [tilespmem:v62+s22+$0x0], $0xffff  }
0x237: {  	v19 =	vld.idx.msk [tilespmem:v19+s2+$0x0], $0xffff;
	v62 =	vor.u32 $0x200, v16;
	[tilespmem:v26+s21+$0x0] =	vst.idx.msk $0xffff, v12  }
0x238: {  	v33 =	vor.u32 v49, v8;
	v34 =	vor.u32 v0, v11;
	v0 =	vld [tilespmem:$0x1FDF0];
	[tilespmem:v20+s21+$0x0] =	vst.idx.msk $0xffff, v17  }
0x239: {  	v26 =	vld.idx.msk [tilespmem:v16+s2+$0x0], $0xffff;
	[tilespmem:v35+s21+$0x0] =	vst.idx.msk $0xffff, v22  }
0x23a: {  	v20 =	vld.idx.msk [tilespmem:v25+s2+$0x0], $0xffff;
	v25 =	vor.u32 $0x280, v16;
	[tilespmem:v21+s21+$0x0] =	vst.idx.msk $0xffff, v24  }
0x23b: {  	v22 =	vor.u32 $0x380, v16;
	v21 =	vld.idx.msk [tilespmem:v36+s2+$0x0], $0xffff;
	[tilespmem:v18+s21+$0x0] =	vst.idx.msk $0xffff, v23;
	v18 =	vshll.u32 v41, $0x3  }
0x23c: {  	v16 =	vadd.s32 $0x800, v16;
	v23 =	vld.idx.msk [tilespmem:v62+s2+$0x0], $0xffff;
	v35 =	vand.u32 $0x7F, v41;
	v36 =	vand.u32 $0xFFFFFC00, v18  }
0x23d: {  	v62 =	vmov v7;
	v7 =	vld [tilespmem:$0x1FD80];
	[tilespmem:v33+s21+$0x0] =	vst.idx.msk $0xffff, v14;
	v12 =	vor.u32 v35, v36  }
0x23e: {  	v17 =	vld.idx.msk [tilespmem:v34+s22+$0x0], $0xffff;
	v18 =	vor.u32 $0x80, v12  }
0x23f: {  	v24 =	vor.u32 v39, v6;
	v14 =	vld.idx.msk [tilespmem:v25+s2+$0x0], $0xffff;
	v28 =	vor.u32 $0x100, v12  }
0x240: {  	v25 =	vor.u32 v4, v6;
	v22 =	vld.idx.msk [tilespmem:v22+s2+$0x0], $0xffff;
	v32 =	vor.u32 $0x180, v12  }
0x241: {  	v30 =	vor.u32 v5, v6;
	v33 =	vld.idx.msk [tilespmem:v16+s2+$0x0], $0xffff;
	v35 =	vor.u32 $0x200, v12  }
0x242: {  	v27 =	vshll.u32 v27, $0xA;
	v31 =	vor.u32 v37, v6;
	v41 =	vmovc v61;
	v16 =	vor.u32 v38, v6;
	v38 =	vld.idx.msk [tilespmem:v12+s2+$0x0], $0xffff  }
0x243: {  	v61 =	vmovc v2;
	v2 =	vmovc v5;
	v5 =	vmov v4;
	v4 =	vmov v39;
	v39 =	vor.u32 $0x280, v12;
	v18 =	vld.idx.msk [tilespmem:v18+s2+$0x0], $0xffff  }
0x244: {  	v36 =	vor.u32 v0, v6;
	[tilespmem:v24+s21+$0x0] =	vst.idx.msk $0xffff, v26;
	v37 =	vand.u32 $0x7F, v17;
	v17 =	vshll.u32 v17, $0x3;
	v24 =	vld.idx.msk [tilespmem:v28+s2+$0x0], $0xffff  }
0x245: {  	v27 =	vand.u32 $0x6000, v27;
	v0 =	vmovc v40;
	v26 =	vor.u32 $0x380, v12;
	[tilespmem:v25+s21+$0x0] =	vst.idx.msk $0xffff, v20;
	v17 =	vand.u32 $0xFFFFFC00, v17;
	v20 =	vld.idx.msk [tilespmem:v32+s2+$0x0], $0xffff  }
0x246: {  	v40 =	vor.u32 $0x300, v12;
	v28 =	vand.u32 $0x380, v13;
	[tilespmem:v30+s21+$0x0] =	vst.idx.msk $0xffff, v15;
	v15 =	vor.u32 v37, v17;
	v17 =	vld.idx.msk [tilespmem:v35+s2+$0x0], $0xffff  }
0x247: {  	v25 =	vadd.s32 $0x800, v12;
	v12 =	vor.u32 v27, v28;
	v27 =	vld [tilespmem:$0x1FDB0]  }
0x248: {  	v28 =	vld.idx.msk [tilespmem:v39+s2+$0x0], $0xffff  }
0x249: {  	v34 =	vor.u32 v1, v6;
	v39 =	vld [tilespmem:$0x1FDC0]  }
0x24a: {  	[tilespmem:v31+s21+$0x0] =	vst.idx.msk $0xffff, v21;
	v26 =	vld.idx.msk [tilespmem:v26+s2+$0x0], $0xffff  }
0x24b: {  	[tilespmem:v16+s21+$0x0] =	vst.idx.msk $0xffff, v23;
	v23 =	vld.idx.msk [tilespmem:v40+s2+$0x0], $0xffff  }
0x24c: {  	v31 =	vor.u32 v43, v12;
	v43 =	vld [tilespmem:$0x1FE40]  }
0x24d: {  	v21 =	vor.u32 $0x80, v15;
	v32 =	vor.u32 v44, v12;
	v44 =	vld [tilespmem:$0x1FE50]  }
0x24e: {  	v16 =	vor.u32 $0x100, v15;
	[tilespmem:v34+s21+$0x0] =	vst.idx.msk $0xffff, v14;
	v34 =	vor.u32 v45, v12;
	v45 =	vld [tilespmem:$0x1FE60]  }
0x24f: {  	v14 =	vor.u32 $0x180, v15;
	v25 =	vld.idx.msk [tilespmem:v25+s2+$0x0], $0xffff  }
0x250: {  	[tilespmem:v36+s21+$0x0] =	vst.idx.msk $0xffff, v19;
	v19 =	vor.u32 $0x200, v15;
	v35 =	vld.idx.msk [tilespmem:v15+s2+$0x0], $0xffff  }
0x251: {  	v27 =	vor.u32 v27, v12;
	v30 =	vor.u32 v39, v12;
	v39 =	vld [tilespmem:$0x1FFD0]  }
0x252: {  	v21 =	vld.idx.msk [tilespmem:v21+s2+$0x0], $0xffff  }
0x253: {  	v16 =	vld.idx.msk [tilespmem:v16+s2+$0x0], $0xffff  }
0x254: {  	v14 =	vld.idx.msk [tilespmem:v14+s2+$0x0], $0xffff  }
0x255: {  	v36 =	vor.u32 $0x280, v15;
	v19 =	vld.idx.msk [tilespmem:v19+s2+$0x0], $0xffff  }
0x256: {  	v37 =	vand.u32 $0x7F, v29;
	[tilespmem:v27+s21+$0x0] =	vst.idx.msk $0xffff, v38;
	v27 =	vor.u32 v46, v12;
	v46 =	vld [tilespmem:$0x1FE70]  }
0x257: {  	v29 =	vshll.u32 v29, $0x3;
	v38 =	vor.u32 $0x300, v15;
	[tilespmem:v30+s21+$0x0] =	vst.idx.msk $0xffff, v18;
	v18 =	vor.u32 v47, v12;
	v47 =	vld [tilespmem:$0x1FE80]  }
0x258: {  	v40 =	vor.u32 $0x380, v15;
	v29 =	vand.u32 $0xFFFFFC00, v29;
	[tilespmem:v31+s21+$0x0] =	vst.idx.msk $0xffff, v24;
	v24 =	vor.u32 v48, v12;
	v48 =	vld [tilespmem:$0x1FE90]  }
0x259: {  	v15 =	vadd.s32 $0x800, v15;
	v31 =	vor.u32 v50, v8;
	[tilespmem:v32+s21+$0x0] =	vst.idx.msk $0xffff, v20;
	v20 =	vor.u32 v49, v12;
	v49 =	vld [tilespmem:$0x1FEA0]  }
0x25a: {  	v29 =	vor.u32 v37, v29;
	v32 =	vld.idx.msk [tilespmem:v36+s2+$0x0], $0xffff;
	[tilespmem:v34+s21+$0x0] =	vst.idx.msk $0xffff, v17  }
0x25b: {  	v17 =	vor.u32 v39, v13;
	v39 =	vld [tilespmem:$0x1FE00];
	[tilespmem:v27+s21+$0x0] =	vst.idx.msk $0xffff, v28  }
0x25c: {  	v34 =	vor.u32 v51, v8;
	v27 =	vor.u32 $0x80, v29;
	v28 =	vld.idx.msk [tilespmem:v38+s2+$0x0], $0xffff;
	[tilespmem:v18+s21+$0x0] =	vst.idx.msk $0xffff, v23  }
0x25d: {  	v36 =	vor.u32 v52, v8;
	v23 =	vld.idx.msk [tilespmem:v40+s2+$0x0], $0xffff;
	[tilespmem:v24+s21+$0x0] =	vst.idx.msk $0xffff, v26  }
0x25e: {  	v18 =	vor.u32 $0x100, v29;
	v26 =	vld.idx.msk [tilespmem:v15+s2+$0x0], $0xffff;
	[tilespmem:v31+s21+$0x0] =	vst.idx.msk $0xffff, v35  }
0x25f: {  	v30 =	vor.u32 v53, v8;
	v24 =	vor.u32 $0x180, v29;
	v31 =	vld.idx.msk [tilespmem:v29+s2+$0x0], $0xffff;
	[tilespmem:v20+s21+$0x0] =	vst.idx.msk $0xffff, v25  }
0x260: {  	v40 =	vor.u32 v54, v8;
	v17 =	vld.idx.msk [tilespmem:v17+s22+$0x0], $0xffff  }
0x261: {  	v35 =	vor.u32 $0x280, v29;
	[tilespmem:v34+s21+$0x0] =	vst.idx.msk $0xffff, v21;
	v27 =	vld.idx.msk [tilespmem:v27+s2+$0x0], $0xffff  }
0x262: {  	v20 =	vor.u32 $0x200, v29;
	v25 =	vor.u32 v55, v8;
	[tilespmem:v36+s21+$0x0] =	vst.idx.msk $0xffff, v16;
	v16 =	vld [tilespmem:$0x1FE10]  }
0x263: {  	v38 =	vor.u32 v39, v6;
	v18 =	vld.idx.msk [tilespmem:v18+s2+$0x0], $0xffff  }
0x264: {  	v21 =	vor.u32 v56, v8;
	v34 =	vor.u32 $0x300, v29;
	[tilespmem:v30+s21+$0x0] =	vst.idx.msk $0xffff, v14;
	v24 =	vld.idx.msk [tilespmem:v24+s2+$0x0], $0xffff  }
0x265: {  	v37 =	vor.u32 $0x380, v29;
	v29 =	vadd.s32 $0x800, v29;
	v36 =	vor.u32 v57, v8;
	[tilespmem:v40+s21+$0x0] =	vst.idx.msk $0xffff, v19;
	v40 =	vld [tilespmem:$0x1FFE0]  }
0x266: {  	v14 =	vld.idx.msk [tilespmem:v35+s2+$0x0], $0xffff  }
0x267: {  	v20 =	vld.idx.msk [tilespmem:v20+s2+$0x0], $0xffff;
	[tilespmem:v25+s21+$0x0] =	vst.idx.msk $0xffff, v32  }
0x268: {  	[tilespmem:v38+s21+$0x0] =	vst.idx.msk $0xffff, v22;
	v38 =	vld [tilespmem:$0x1FED0]  }
0x269: {  	[tilespmem:v21+s21+$0x0] =	vst.idx.msk $0xffff, v28;
	v39 =	vor.u32 v16, v6;
	v16 =	vld.idx.msk [tilespmem:v34+s2+$0x0], $0xffff  }
0x26a: {  	v30 =	vor.u32 v58, v8;
	v32 =	vshll.u32 v17, $0x3;
	[tilespmem:v36+s21+$0x0] =	vst.idx.msk $0xffff, v23;
	v23 =	vld.idx.msk [tilespmem:v29+s2+$0x0], $0xffff  }
0x26b: {  	v25 =	vor.u32 v7, v42;
	v17 =	vand.u32 $0x7F, v17;
	v15 =	vand.u32 $0xFFFFFC00, v32;
	v36 =	vld [tilespmem:$0x1FEB0]  }
0x26c: {  	v17 =	vor.u32 v17, v15;
	v15 =	vld.idx.msk [tilespmem:v37+s2+$0x0], $0xffff  }
0x26d: {  	v37 =	vld [tilespmem:$0x1FEC0];
	v19 =	vor.u32 v40, v11  }
0x26e: {  	v21 =	vor.u32 $0x80, v17;
	v40 =	vld [tilespmem:$0x1FEF0]  }
0x26f: {  	v22 =	vor.u32 $0x100, v17;
	[tilespmem:v39+s21+$0x0] =	vst.idx.msk $0xffff, v33;
	v39 =	vld [tilespmem:$0x1FEE0]  }
0x270: {  	[tilespmem:v30+s21+$0x0] =	vst.idx.msk $0xffff, v26;
	v26 =	vor.u32 $0x180, v17;
	v25 =	vld.idx.msk [tilespmem:v25+s22+$0x0], $0xffff  }
0x271: {  	v32 =	vld.idx.msk [tilespmem:v17+s2+$0x0], $0xffff  }
0x272: {  	v29 =	vor.u32 $0x200, v17;
	v28 =	vor.u32 v36, v9;
	v19 =	vld.idx.msk [tilespmem:v19+s22+$0x0], $0xffff  }
0x273: {  	v33 =	vor.u32 $0x280, v17;
	v30 =	vor.u32 v37, v9;
	v21 =	vld.idx.msk [tilespmem:v21+s2+$0x0], $0xffff  }
0x274: {  	v34 =	vor.u32 v38, v9;
	v36 =	vor.u32 $0x300, v17;
	v22 =	vld.idx.msk [tilespmem:v22+s2+$0x0], $0xffff  }
0x275: {  	v26 =	vld.idx.msk [tilespmem:v26+s2+$0x0], $0xffff;
	v35 =	vor.u32 v39, v9;
	v39 =	vor.u32 $0x380, v17  }
0x276: {  	v37 =	vor.u32 v40, v9;
	v40 =	vor.u32 v57, v12;
	v57 =	vld [tilespmem:$0x1FF30];
	v17 =	vadd.s32 $0x800, v17  }
0x277: {  	[tilespmem:v28+s21+$0x0] =	vst.idx.msk $0xffff, v31;
	v28 =	vld.idx.msk [tilespmem:v29+s2+$0x0], $0xffff;
	v29 =	vor.u32 v50, v12  }
0x278: {  	[tilespmem:v30+s21+$0x0] =	vst.idx.msk $0xffff, v27;
	v30 =	vld.idx.msk [tilespmem:v33+s2+$0x0], $0xffff  }
0x279: {  	v33 =	vld.idx.msk [tilespmem:v36+s2+$0x0], $0xffff;
	v38 =	vshll.u32 v19, $0x3;
	[tilespmem:v34+s21+$0x0] =	vst.idx.msk $0xffff, v18  }
0x27a: {  	v31 =	vor.u32 v51, v12;
	v19 =	vand.u32 $0x7F, v19;
	v38 =	vand.u32 $0xFFFFFC00, v38;
	[tilespmem:v35+s21+$0x0] =	vst.idx.msk $0xffff, v24;
	v35 =	vld.idx.msk [tilespmem:v39+s2+$0x0], $0xffff  }
0x27b: {  	v19 =	vor.u32 v19, v38;
	v17 =	vld.idx.msk [tilespmem:v17+s2+$0x0], $0xffff  }
0x27c: {  	v34 =	vor.u32 v52, v12;
	v27 =	vor.u32 $0x80, v19;
	[tilespmem:v29+s21+$0x0] =	vst.idx.msk $0xffff, v32;
	v32 =	vor.u32 v55, v12;
	v55 =	vld [tilespmem:$0x1FF10]  }
0x27d: {  	v18 =	vor.u32 $0x100, v19;
	v39 =	vmovc v3;
	v3 =	vmovc v4;
	v4 =	vmov v5;
	v5 =	vmov v2;
	v2 =	vld [tilespmem:$0x1FFE0]  }
0x27e: {  	v36 =	vor.u32 v53, v12;
	v24 =	vor.u32 $0x180, v19;
	[tilespmem:v37+s21+$0x0] =	vst.idx.msk $0xffff, v20;
	v37 =	vor.u32 v54, v12;
	v54 =	vld [tilespmem:$0x1FF00]  }
0x27f: {  	v29 =	vor.u32 $0x280, v19;
	[tilespmem:v31+s21+$0x0] =	vst.idx.msk $0xffff, v21;
	v31 =	vor.u32 v56, v12;
	v56 =	vld [tilespmem:$0x1FF20]  }
0x280: {  	v20 =	vor.u32 $0x200, v19;
	v38 =	vld.idx.msk [tilespmem:v19+s2+$0x0], $0xffff  }
0x281: {  	v21 =	vor.u32 $0x300, v19;
	v27 =	vld.idx.msk [tilespmem:v27+s2+$0x0], $0xffff  }
0x282: {  	[tilespmem:v34+s21+$0x0] =	vst.idx.msk $0xffff, v22;
	v18 =	vld.idx.msk [tilespmem:v18+s2+$0x0], $0xffff  }
0x283: {  	v22 =	vor.u32 $0x380, v19;
	[tilespmem:v36+s21+$0x0] =	vst.idx.msk $0xffff, v26;
	v26 =	vshll.u32 v25, $0x3;
	v36 =	vor.u32 v58, v12;
	v24 =	vld.idx.msk [tilespmem:v24+s2+$0x0], $0xffff  }
0x284: {  	v25 =	vand.u32 $0x7F, v25;
	v19 =	vadd.s32 $0x800, v19;
	v26 =	vand.u32 $0xFFFFFC00, v26;
	v29 =	vld.idx.msk [tilespmem:v29+s2+$0x0], $0xffff  }
0x285: {  	v20 =	vld.idx.msk [tilespmem:v20+s2+$0x0], $0xffff;
	[tilespmem:v37+s21+$0x0] =	vst.idx.msk $0xffff, v28;
	v28 =	vor.u32 v59, v8;
	v37 =	vor.u32 v2, v13  }
0x286: {  	v25 =	vor.u32 v25, v26;
	v21 =	vld.idx.msk [tilespmem:v21+s2+$0x0], $0xffff;
	[tilespmem:v32+s21+$0x0] =	vst.idx.msk $0xffff, v30;
	v30 =	vor.u32 v0, v8  }
0x287: {  	v26 =	vor.u32 v61, v8;
	v2 =	vld [tilespmem:$0x1FFF0];
	[tilespmem:v31+s21+$0x0] =	vst.idx.msk $0xffff, v33;
	v31 =	vor.u32 $0x80, v25  }
0x288: {  	v22 =	vld.idx.msk [tilespmem:v22+s2+$0x0], $0xffff;
	v32 =	vor.u32 v62, v8;
	[tilespmem:v40+s21+$0x0] =	vst.idx.msk $0xffff, v35  }
0x289: {  	v33 =	vor.u32 $0x100, v25;
	v19 =	vld.idx.msk [tilespmem:v19+s2+$0x0], $0xffff;
	v40 =	vor.u32 v63, v8;
	[tilespmem:v36+s21+$0x0] =	vst.idx.msk $0xffff, v17  }
0x28a: {  	v36 =	vor.u32 v54, v9;
	[tilespmem:v28+s21+$0x0] =	vst.idx.msk $0xffff, v38;
	v35 =	vld.idx.msk [tilespmem:v37+s22+$0x0], $0xffff  }
0x28b: {  	v17 =	vor.u32 $0x180, v25;
	v28 =	vor.u32 v60, v8;
	[tilespmem:v30+s21+$0x0] =	vst.idx.msk $0xffff, v27;
	v30 =	vld.idx.msk [tilespmem:v25+s2+$0x0], $0xffff  }
0x28c: {  	v37 =	vor.u32 $0x200, v25;
	v27 =	vor.u32 v41, v8;
	[tilespmem:v26+s21+$0x0] =	vst.idx.msk $0xffff, v18;
	v26 =	vld.idx.msk [tilespmem:v31+s2+$0x0], $0xffff  }
0x28d: {  	v18 =	vor.u32 v2, v8;
	v2 =	vld [tilespmem:$0x1FE20];
	[tilespmem:v32+s21+$0x0] =	vst.idx.msk $0xffff, v24  }
0x28e: {  	v34 =	vor.u32 v56, v9;
	v38 =	vor.u32 $0x280, v25;
	v33 =	vld.idx.msk [tilespmem:v33+s2+$0x0], $0xffff;
	[tilespmem:v40+s21+$0x0] =	vst.idx.msk $0xffff, v20  }
0x28f: {  	v31 =	vor.u32 $0x300, v25;
	v24 =	vor.u32 v39, v8;
	v32 =	vor.u32 v55, v9;
	v40 =	vld [tilespmem:$0x1FD70];
	[tilespmem:v36+s21+$0x0] =	vst.idx.msk $0xffff, v14  }
0x290: {  	v17 =	vld.idx.msk [tilespmem:v17+s2+$0x0], $0xffff;
	[tilespmem:v28+s21+$0x0] =	vst.idx.msk $0xffff, v29;
	v28 =	vor.u32 $0x380, v25;
	v29 =	vshll.u32 v35, $0x3;
	v25 =	vadd.s32 $0x800, v25  }
0x291: {  	v37 =	vld.idx.msk [tilespmem:v37+s2+$0x0], $0xffff;
	[tilespmem:v27+s21+$0x0] =	vst.idx.msk $0xffff, v21;
	v21 =	vand.u32 $0x7F, v35;
	v27 =	vand.u32 $0xFFFFFC00, v29;
	v29 =	vor.u32 v57, v9  }
0x292: {  	[tilespmem:v18+s21+$0x0] =	vst.idx.msk $0xffff, v22;
	v18 =	vor.u32 v21, v27;
	v14 =	vor.u32 v2, v6;
	v2 =	vld [tilespmem:$0x1FE30]  }
0x293: {  	v35 =	vld.idx.msk [tilespmem:v38+s2+$0x0], $0xffff  }
0x294: {  	v21 =	vld.idx.msk [tilespmem:v31+s2+$0x0], $0xffff;
	[tilespmem:v24+s21+$0x0] =	vst.idx.msk $0xffff, v19;
	v19 =	vor.u32 $0x80, v18  }
0x295: {  	[tilespmem:v32+s21+$0x0] =	vst.idx.msk $0xffff, v16;
	v20 =	vor.u32 v40, v11;
	v16 =	vld.idx.msk [tilespmem:v28+s2+$0x0], $0xffff  }
0x296: {  	v22 =	vor.u32 $0x100, v18;
	v27 =	vor.u32 $0x180, v18;
	[tilespmem:v34+s21+$0x0] =	vst.idx.msk $0xffff, v15;
	v15 =	vld.idx.msk [tilespmem:v25+s2+$0x0], $0xffff  }
0x297: {  	v31 =	vor.u32 $0x280, v18;
	v36 =	vor.u32 $0x300, v18;
	[tilespmem:v29+s21+$0x0] =	vst.idx.msk $0xffff, v23;
	v24 =	vor.u32 v2, v6;
	v29 =	vld.idx.msk [tilespmem:v18+s2+$0x0], $0xffff  }
0x298: {  	v38 =	vor.u32 $0x380, v18;
	v28 =	vor.u32 $0x200, v18;
	v18 =	vadd.s32 $0x800, v18;
	v2 =	vld [tilespmem:$0x1FDA0]  }
0x299: {  	v25 =	vor.u32 v43, v6;
	v19 =	vld.idx.msk [tilespmem:v19+s2+$0x0], $0xffff  }
0x29a: {  	v20 =	vld.idx.msk [tilespmem:v20+s22+$0x0], $0xffff  }
0x29b: {  	v23 =	vor.u32 v44, v6;
	[tilespmem:v14+s21+$0x0] =	vst.idx.msk $0xffff, v30;
	v22 =	vld.idx.msk [tilespmem:v22+s2+$0x0], $0xffff  }
0x29c: {  	[tilespmem:v24+s21+$0x0] =	vst.idx.msk $0xffff, v26;
	v26 =	vld.idx.msk [tilespmem:v27+s2+$0x0], $0xffff  }
0x29d: {  	v18 =	vld.idx.msk [tilespmem:v18+s2+$0x0], $0xffff  }
0x29e: {  	v32 =	vor.u32 v45, v6;
	[tilespmem:v25+s21+$0x0] =	vst.idx.msk $0xffff, v33;
	v33 =	vld.idx.msk [tilespmem:v38+s2+$0x0], $0xffff  }
0x29f: {  	v34 =	vor.u32 v46, v6;
	v27 =	vor.u32 v0, v12;
	v0 =	vmovc v61;
	v38 =	vld [tilespmem:$0x1FDD0];
	v30 =	vshll.u32 v20, $0x3  }
0x2a0: {  	v14 =	vor.u32 v47, v6;
	v20 =	vand.u32 $0x7F, v20;
	[tilespmem:v23+s21+$0x0] =	vst.idx.msk $0xffff, v17;
	v23 =	vld.idx.msk [tilespmem:v31+s2+$0x0], $0xffff;
	v24 =	vand.u32 $0xFFFFFC00, v30  }
0x2a1: {  	v30 =	vld.idx.msk [tilespmem:v36+s2+$0x0], $0xffff;
	v20 =	vor.u32 v20, v24  }
0x2a2: {  	v25 =	vor.u32 v59, v12;
	v31 =	vor.u32 v0, v12;
	v0 =	vmovc v62;
	v62 =	vld [tilespmem:$0x1FFF0];
	v17 =	vor.u32 $0x80, v20  }
0x2a3: {  	[tilespmem:v32+s21+$0x0] =	vst.idx.msk $0xffff, v37;
	v24 =	vld.idx.msk [tilespmem:v28+s2+$0x0], $0xffff;
	v28 =	vor.u32 $0x100, v20  }
0x2a4: {  	v37 =	vld [tilespmem:$0x1FDE0];
	[tilespmem:v34+s21+$0x0] =	vst.idx.msk $0xffff, v35;
	v32 =	vor.u32 $0x180, v20  }
0x2a5: {  	v34 =	vor.u32 v0, v12;
	v0 =	vld [tilespmem:$0x1FDF0];
	[tilespmem:v14+s21+$0x0] =	vst.idx.msk $0xffff, v21;
	v14 =	vor.u32 $0x200, v20  }
0x2a6: {  	v21 =	vor.u32 v63, v12;
	v36 =	vor.u32 $0x280, v20;
	v35 =	vld.idx.msk [tilespmem:v20+s2+$0x0], $0xffff  }
0x2a7: {  	[tilespmem:v25+s21+$0x0] =	vst.idx.msk $0xffff, v29;
	v25 =	vor.u32 v60, v12;
	v29 =	vor.u32 $0x300, v20;
	v17 =	vld.idx.msk [tilespmem:v17+s2+$0x0], $0xffff  }
0x2a8: {  	[tilespmem:v27+s21+$0x0] =	vst.idx.msk $0xffff, v19;
	v19 =	vor.u32 v41, v12;
	v27 =	vld.idx.msk [tilespmem:v28+s2+$0x0], $0xffff  }
0x2a9: {  	v61 =	vmov v41;
	v41 =	vor.u32 $0x380, v20;
	[tilespmem:v31+s21+$0x0] =	vst.idx.msk $0xffff, v22;
	v22 =	vor.u32 v62, v12;
	v31 =	vld.idx.msk [tilespmem:v32+s2+$0x0], $0xffff  }
0x2aa: {  	v20 =	vadd.s32 $0x800, v20;
	[tilespmem:v34+s21+$0x0] =	vst.idx.msk $0xffff, v26;
	v26 =	vor.u32 v39, v12;
	v14 =	vld.idx.msk [tilespmem:v14+s2+$0x0], $0xffff  }
0x2ab: {  	[tilespmem:v21+s21+$0x0] =	vst.idx.msk $0xffff, v24;
	v21 =	vor.u32 v40, v13;
	v24 =	vld.idx.msk [tilespmem:v36+s2+$0x0], $0xffff  }
0x2ac: {  	v40 =	vor.u32 v3, v8;
	[tilespmem:v25+s21+$0x0] =	vst.idx.msk $0xffff, v23;
	v23 =	vld.idx.msk [tilespmem:v29+s2+$0x0], $0xffff  }
0x2ad: {  	v25 =	vor.u32 v4, v8;
	[tilespmem:v19+s21+$0x0] =	vst.idx.msk $0xffff, v30;
	v30 =	vor.u32 v0, v8;
	v0 =	vld [tilespmem:$0x1FE00]  }
0x2ae: {  	v19 =	vld.idx.msk [tilespmem:v41+s2+$0x0], $0xffff;
	[tilespmem:v22+s21+$0x0] =	vst.idx.msk $0xffff, v33  }
0x2af: {  	v39 =	vor.u32 v48, v6;
	v20 =	vld.idx.msk [tilespmem:v20+s2+$0x0], $0xffff;
	[tilespmem:v26+s21+$0x0] =	vst.idx.msk $0xffff, v18  }
0x2b0: {  	v41 =	vor.u32 v5, v8;
	v18 =	vld.idx.msk [tilespmem:v21+s22+$0x0], $0xffff  }
0x2b1: {  	v22 =	vor.u32 v37, v8;
	[tilespmem:v40+s21+$0x0] =	vst.idx.msk $0xffff, v35;
	v40 =	vld [tilespmem:$0x1FD90]  }
0x2b2: {  	v29 =	vor.u32 v38, v8;
	[tilespmem:v25+s21+$0x0] =	vst.idx.msk $0xffff, v17;
	v25 =	vor.u32 v0, v8;
	v0 =	vld [tilespmem:$0x1FE10]  }
0x2b3: {  	v26 =	vor.u32 v49, v6  }
0x2b4: {  	[tilespmem:v39+s21+$0x0] =	vst.idx.msk $0xffff, v16;
	v21 =	vor.u32 v1, v8  }
0x2b5: {  	v50 =	vld [tilespmem:$0x1FEC0];
	v10 =	vor.u32 v2, v10;
	[tilespmem:v41+s21+$0x0] =	vst.idx.msk $0xffff, v27  }
0x2b6: {  	v51 =	vld [tilespmem:$0x1FED0];
	[tilespmem:v22+s21+$0x0] =	vst.idx.msk $0xffff, v31;
	v33 =	vshll.u32 v18, $0x3;
	v27 =	vor.u32 v40, v42  }
0x2b7: {  	v53 =	vld [tilespmem:$0x1FEF0];
	[tilespmem:v29+s21+$0x0] =	vst.idx.msk $0xffff, v14;
	v18 =	vand.u32 $0x7F, v18;
	v16 =	vand.u32 $0xFFFFFC00, v33;
	v22 =	vor.u32 v0, v8  }
0x2b8: {  	v52 =	vld [tilespmem:$0x1FEE0];
	[tilespmem:v26+s21+$0x0] =	vst.idx.msk $0xffff, v15;
	v16 =	vor.u32 v18, v16  }
0x2b9: {  	v58 =	vld [tilespmem:$0x1FF40];
	v32 =	vor.u32 v7, v11;
	[tilespmem:v21+s21+$0x0] =	vst.idx.msk $0xffff, v24  }
0x2ba: {  	v10 =	vld.idx.msk [tilespmem:v10+s22+$0x0], $0xffff;
	[tilespmem:v30+s21+$0x0] =	vst.idx.msk $0xffff, v23;
	v34 =	vor.u32 $0x80, v16  }
0x2bb: {  	[tilespmem:v25+s21+$0x0] =	vst.idx.msk $0xffff, v19;
	v0 =	vld [tilespmem:$0x1FE00];
	v18 =	vor.u32 $0x100, v16  }
0x2bc: {  	v19 =	vor.u32 $0x180, v16;
	[tilespmem:v22+s21+$0x0] =	vst.idx.msk $0xffff, v20;
	v20 =	vld.idx.msk [tilespmem:v27+s22+$0x0], $0xffff  }
0x2bd: {  	v21 =	vor.u32 $0x200, v16;
	v22 =	vld.idx.msk [tilespmem:v16+s2+$0x0], $0xffff  }
0x2be: {  	v23 =	vor.u32 $0x280, v16;
	v35 =	vld.idx.msk [tilespmem:v32+s22+$0x0], $0xffff  }
0x2bf: {  	v24 =	vor.u32 $0x300, v16;
	v17 =	vld.idx.msk [tilespmem:v34+s2+$0x0], $0xffff  }
0x2c0: {  	v25 =	vor.u32 $0x380, v16;
	v18 =	vld.idx.msk [tilespmem:v18+s2+$0x0], $0xffff  }
0x2c1: {  	v26 =	vor.u32 v3, v12;
	v16 =	vadd.s32 $0x800, v16;
	v19 =	vld.idx.msk [tilespmem:v19+s2+$0x0], $0xffff  }
0x2c2: {  	v27 =	vor.u32 v4, v12;
	v21 =	vld.idx.msk [tilespmem:v21+s2+$0x0], $0xffff  }
0x2c3: {  	v29 =	vor.u32 v5, v12;
	v23 =	vld.idx.msk [tilespmem:v23+s2+$0x0], $0xffff  }
0x2c4: {  	v36 =	vshll.u32 v10, $0x3;
	v24 =	vld.idx.msk [tilespmem:v24+s2+$0x0], $0xffff  }
0x2c5: {  	v10 =	vand.u32 $0x7F, v10;
	v14 =	vand.u32 $0xFFFFFC00, v36;
	v25 =	vld.idx.msk [tilespmem:v25+s2+$0x0], $0xffff  }
0x2c6: {  	v14 =	vor.u32 v10, v14;
	v16 =	vld.idx.msk [tilespmem:v16+s2+$0x0], $0xffff;
	[tilespmem:v26+s21+$0x0] =	vst.idx.msk $0xffff, v22  }
0x2c7: {  	v59 =	vld [tilespmem:$0x1FF50];
	v36 =	vor.u32 v37, v12;
	v39 =	vshll.u32 v35, $0x3;
	[tilespmem:v27+s21+$0x0] =	vst.idx.msk $0xffff, v17  }
0x2c8: {  	v15 =	vand.u32 $0x7F, v35;
	v10 =	vand.u32 $0xFFFFFC00, v39;
	[tilespmem:v29+s21+$0x0] =	vst.idx.msk $0xffff, v18;
	v18 =	vor.u32 v0, v12;
	v0 =	vld [tilespmem:$0x1FE10]  }
0x2c9: {  	v63 =	vld [tilespmem:$0x1FF70];
	v15 =	vor.u32 v15, v10  }
0x2ca: {  	v60 =	vld [tilespmem:$0x1FF60];
	v28 =	vor.u32 $0x80, v15  }
0x2cb: {  	v10 =	vld.idx.msk [tilespmem:v14+s2+$0x0], $0xffff;
	v41 =	vor.u32 $0x100, v15  }
0x2cc: {  	v33 =	vor.u32 v38, v12;
	v39 =	vmov v3;
	v3 =	vld [tilespmem:$0x1FDF0];
	v32 =	vor.u32 $0x180, v15  }
0x2cd: {  	v22 =	vor.u32 v1, v12;
	[tilespmem:v36+s21+$0x0] =	vst.idx.msk $0xffff, v19;
	v19 =	vor.u32 v0, v12;
	v0 =	vld [tilespmem:$0x1FE20]  }
0x2ce: {  	v36 =	vshll.u32 v20, $0x3;
	v34 =	vor.u32 $0x200, v15;
	v26 =	vld.idx.msk [tilespmem:v15+s2+$0x0], $0xffff  }
0x2cf: {  	v20 =	vand.u32 $0x7F, v20;
	v35 =	vor.u32 $0x280, v15;
	v31 =	vand.u32 $0xFFFFFC00, v36;
	v27 =	vld.idx.msk [tilespmem:v28+s2+$0x0], $0xffff  }
0x2d0: {  	v20 =	vor.u32 v20, v31;
	v29 =	vld.idx.msk [tilespmem:v41+s2+$0x0], $0xffff  }
0x2d1: {  	[tilespmem:v33+s21+$0x0] =	vst.idx.msk $0xffff, v21;
	v31 =	vor.u32 $0x200, v20;
	v17 =	vor.u32 v3, v12;
	v32 =	vld.idx.msk [tilespmem:v32+s2+$0x0], $0xffff  }
0x2d2: {  	[tilespmem:v22+s21+$0x0] =	vst.idx.msk $0xffff, v23;
	v28 =	vor.u32 $0x300, v15;
	v23 =	vor.u32 v0, v8;
	v0 =	vld [tilespmem:$0x1FE30]  }
0x2d3: {  	v41 =	vor.u32 $0x380, v15;
	v33 =	vld.idx.msk [tilespmem:v34+s2+$0x0], $0xffff;
	v15 =	vadd.s32 $0x800, v15  }
0x2d4: {  	v21 =	vor.u32 v7, v13;
	v22 =	vld.idx.msk [tilespmem:v35+s2+$0x0], $0xffff  }
0x2d5: {  	v35 =	vld.idx.msk [tilespmem:v20+s2+$0x0], $0xffff  }
0x2d6: {  	v31 =	vld.idx.msk [tilespmem:v31+s2+$0x0], $0xffff;
	[tilespmem:v17+s21+$0x0] =	vst.idx.msk $0xffff, v24  }
0x2d7: {  	v17 =	vor.u32 $0x80, v20;
	v24 =	vld.idx.msk [tilespmem:v28+s2+$0x0], $0xffff;
	[tilespmem:v18+s21+$0x0] =	vst.idx.msk $0xffff, v25;
	v28 =	vor.u32 v0, v8  }
0x2d8: {  	v30 =	vor.u32 v43, v8;
	v15 =	vld.idx.msk [tilespmem:v15+s2+$0x0], $0xffff;
	v18 =	vor.u32 $0x100, v20;
	[tilespmem:v19+s21+$0x0] =	vst.idx.msk $0xffff, v16  }
0x2d9: {  	v16 =	vor.u32 $0x180, v20;
	v19 =	vor.u32 v44, v8;
	v21 =	vld.idx.msk [tilespmem:v21+s22+$0x0], $0xffff  }
0x2da: {  	v36 =	vor.u32 $0x280, v20;
	v25 =	vld.idx.msk [tilespmem:v41+s2+$0x0], $0xffff;
	v41 =	vor.u32 v45, v8  }
0x2db: {  	[tilespmem:v23+s21+$0x0] =	vst.idx.msk $0xffff, v26;
	v23 =	vor.u32 v46, v8;
	v26 =	vor.u32 $0x300, v20;
	v0 =	vld [tilespmem:$0x1FEB0]  }
0x2dc: {  	v17 =	vld.idx.msk [tilespmem:v17+s2+$0x0], $0xffff;
	[tilespmem:v28+s21+$0x0] =	vst.idx.msk $0xffff, v27;
	v27 =	vor.u32 v47, v8  }
0x2dd: {  	v18 =	vld.idx.msk [tilespmem:v18+s2+$0x0], $0xffff;
	v28 =	vor.u32 $0x380, v20;
	[tilespmem:v30+s21+$0x0] =	vst.idx.msk $0xffff, v29;
	v29 =	vor.u32 v48, v8  }
0x2de: {  	v16 =	vld.idx.msk [tilespmem:v16+s2+$0x0], $0xffff;
	v20 =	vadd.s32 $0x800, v20;
	v30 =	vshll.u32 v21, $0x3;
	[tilespmem:v19+s21+$0x0] =	vst.idx.msk $0xffff, v32;
	v19 =	vor.u32 v49, v8  }
0x2df: {  	v21 =	vand.u32 $0x7F, v21;
	v30 =	vand.u32 $0xFFFFFC00, v30;
	[tilespmem:v41+s21+$0x0] =	vst.idx.msk $0xffff, v33;
	v41 =	vor.u32 v40, v11;
	v33 =	vld.idx.msk [tilespmem:v36+s2+$0x0], $0xffff  }
0x2e0: {  	v21 =	vor.u32 v21, v30;
	[tilespmem:v23+s21+$0x0] =	vst.idx.msk $0xffff, v22;
	v22 =	vld.idx.msk [tilespmem:v26+s2+$0x0], $0xffff  }
0x2e1: {  	v23 =	vor.u32 v0, v6;
	v0 =	vld [tilespmem:$0x1FE20];
	[tilespmem:v27+s21+$0x0] =	vst.idx.msk $0xffff, v24;
	v24 =	vor.u32 $0x80, v21  }
0x2e2: {  	v26 =	vld.idx.msk [tilespmem:v28+s2+$0x0], $0xffff;
	v27 =	vor.u32 v50, v6;
	[tilespmem:v29+s21+$0x0] =	vst.idx.msk $0xffff, v25;
	v25 =	vor.u32 $0x100, v21  }
0x2e3: {  	v20 =	vld.idx.msk [tilespmem:v20+s2+$0x0], $0xffff;
	v28 =	vor.u32 v51, v6;
	[tilespmem:v19+s21+$0x0] =	vst.idx.msk $0xffff, v15  }
0x2e4: {  	v15 =	vor.u32 $0x180, v21;
	v29 =	vld.idx.msk [tilespmem:v41+s22+$0x0], $0xffff  }
0x2e5: {  	v30 =	vor.u32 $0x200, v21;
	v19 =	vor.u32 v52, v6;
	v34 =	vld.idx.msk [tilespmem:v21+s2+$0x0], $0xffff  }
0x2e6: {  	v32 =	vor.u32 v53, v6;
	v36 =	vor.u32 $0x280, v21;
	[tilespmem:v23+s21+$0x0] =	vst.idx.msk $0xffff, v35;
	v24 =	vld.idx.msk [tilespmem:v24+s2+$0x0], $0xffff  }
0x2e7: {  	v41 =	vor.u32 $0x300, v21;
	v23 =	vor.u32 v54, v6;
	[tilespmem:v27+s21+$0x0] =	vst.idx.msk $0xffff, v17;
	v25 =	vld.idx.msk [tilespmem:v25+s2+$0x0], $0xffff  }
0x2e8: {  	v17 =	vor.u32 v55, v6;
	v27 =	vor.u32 $0x380, v21;
	[tilespmem:v28+s21+$0x0] =	vst.idx.msk $0xffff, v18;
	v28 =	vor.u32 v0, v12;
	v0 =	vld [tilespmem:$0x1FE30]  }
0x2e9: {  	v21 =	vadd.s32 $0x800, v21;
	v18 =	vor.u32 v56, v6;
	v15 =	vld.idx.msk [tilespmem:v15+s2+$0x0], $0xffff  }
0x2ea: {  	[tilespmem:v19+s21+$0x0] =	vst.idx.msk $0xffff, v16;
	v19 =	vld.idx.msk [tilespmem:v30+s2+$0x0], $0xffff  }
0x2eb: {  	v16 =	vor.u32 $0x80, v14;
	[tilespmem:v32+s21+$0x0] =	vst.idx.msk $0xffff, v31;
	v31 =	vld.idx.msk [tilespmem:v36+s2+$0x0], $0xffff  }
0x2ec: {  	v30 =	vor.u32 $0x100, v14;
	[tilespmem:v23+s21+$0x0] =	vst.idx.msk $0xffff, v33;
	v33 =	vld.idx.msk [tilespmem:v41+s2+$0x0], $0xffff  }
0x2ed: {  	v23 =	vor.u32 $0x180, v14;
	v41 =	vor.u32 v43, v12;
	[tilespmem:v17+s21+$0x0] =	vst.idx.msk $0xffff, v22;
	v22 =	vld.idx.msk [tilespmem:v27+s2+$0x0], $0xffff  }
0x2ee: {  	v43 =	vor.u32 $0x200, v14;
	v32 =	vor.u32 v0, v12;
	[tilespmem:v18+s21+$0x0] =	vst.idx.msk $0xffff, v26;
	v18 =	vld.idx.msk [tilespmem:v21+s2+$0x0], $0xffff  }
0x2ef: {  	v21 =	vor.u32 v45, v12;
	v45 =	vor.u32 v46, v12;
	v46 =	vor.u32 $0x300, v14;
	v0 =	vld [tilespmem:$0x1FF80]  }
0x2f0: {  	v27 =	vor.u32 v44, v12;
	v16 =	vld.idx.msk [tilespmem:v16+s2+$0x0], $0xffff  }
0x2f1: {  	v30 =	vld.idx.msk [tilespmem:v30+s2+$0x0], $0xffff  }
0x2f2: {  	v26 =	vor.u32 $0x280, v14;
	[tilespmem:v28+s21+$0x0] =	vst.idx.msk $0xffff, v34;
	v23 =	vld.idx.msk [tilespmem:v23+s2+$0x0], $0xffff  }
0x2f3: {  	v17 =	vld.idx.msk [tilespmem:v43+s2+$0x0], $0xffff;
	[tilespmem:v32+s21+$0x0] =	vst.idx.msk $0xffff, v24;
	v24 =	vor.u32 v47, v12;
	v47 =	vor.u32 $0x380, v14  }
0x2f4: {  	v14 =	vadd.s32 $0x800, v14;
	v28 =	vld.idx.msk [tilespmem:v46+s2+$0x0], $0xffff;
	[tilespmem:v41+s21+$0x0] =	vst.idx.msk $0xffff, v25;
	v25 =	vor.u32 v48, v12  }
0x2f5: {  	v44 =	vor.u32 v0, v9;
	v0 =	vld [tilespmem:$0x1FF90];
	v48 =	vor.u32 v49, v12;
	[tilespmem:v27+s21+$0x0] =	vst.idx.msk $0xffff, v15  }
0x2f6: {  	v49 =	vshll.u32 v29, $0x3;
	v41 =	vld [tilespmem:$0x1FEB0];
	v27 =	vor.u32 v57, v6;
	[tilespmem:v21+s21+$0x0] =	vst.idx.msk $0xffff, v19;
	v19 =	vor.u32 v40, v13  }
0x2f7: {  	v7 =	vor.u32 v2, v42;
	v35 =	vand.u32 $0xFFFFFC00, v49;
	v21 =	vld.idx.msk [tilespmem:v26+s2+$0x0], $0xffff;
	v26 =	vand.u32 $0x7F, v29;
	[tilespmem:v45+s21+$0x0] =	vst.idx.msk $0xffff, v31  }
0x2f8: {  	v26 =	vor.u32 v26, v35;
	[tilespmem:v24+s21+$0x0] =	vst.idx.msk $0xffff, v33;
	v24 =	vld.idx.msk [tilespmem:v47+s2+$0x0], $0xffff  }
0x2f9: {  	v14 =	vld.idx.msk [tilespmem:v14+s2+$0x0], $0xffff;
	[tilespmem:v25+s21+$0x0] =	vst.idx.msk $0xffff, v22;
	v22 =	vor.u32 v58, v9;
	v25 =	vor.u32 $0x100, v26  }
0x2fa: {  	v40 =	vor.u32 v59, v9;
	v46 =	vor.u32 v0, v9;
	v0 =	vld [tilespmem:$0x1FFA0];
	[tilespmem:v48+s21+$0x0] =	vst.idx.msk $0xffff, v18;
	v18 =	vor.u32 $0x180, v26  }
0x2fb: {  	[tilespmem:v27+s21+$0x0] =	vst.idx.msk $0xffff, v20;
	v20 =	vor.u32 v60, v9;
	v27 =	vor.u32 $0x200, v26;
	v19 =	vld.idx.msk [tilespmem:v19+s22+$0x0], $0xffff  }
0x2fc: {  	v42 =	vor.u32 v63, v9;
	v29 =	vor.u32 $0x80, v26;
	v7 =	vld.idx.msk [tilespmem:v7+s22+$0x0], $0xffff  }
0x2fd: {  	v43 =	vor.u32 $0x280, v26;
	v32 =	vld.idx.msk [tilespmem:v26+s2+$0x0], $0xffff  }
0x2fe: {  	[tilespmem:v22+s21+$0x0] =	vst.idx.msk $0xffff, v10;
	v22 =	vld.idx.msk [tilespmem:v25+s2+$0x0], $0xffff;
	v25 =	vor.u32 $0x380, v26  }
0x2ff: {  	v47 =	vor.u32 v0, v9;
	[tilespmem:v40+s21+$0x0] =	vst.idx.msk $0xffff, v16;
	v48 =	vld.idx.msk [tilespmem:v18+s2+$0x0], $0xffff;
	v18 =	vadd.s32 $0x800, v26  }
0x300: {  	v45 =	vor.u32 $0x300, v26;
	v26 =	vshll.u32 v19, $0x3;
	[tilespmem:v20+s21+$0x0] =	vst.idx.msk $0xffff, v30;
	v20 =	vld.idx.msk [tilespmem:v27+s2+$0x0], $0xffff;
	v27 =	vor.u32 v41, v8  }
0x301: {  	v49 =	vor.u32 v50, v8;
	v29 =	vld.idx.msk [tilespmem:v29+s2+$0x0], $0xffff;
	v19 =	vand.u32 $0x7F, v19;
	v26 =	vand.u32 $0xFFFFFC00, v26;
	[tilespmem:v42+s21+$0x0] =	vst.idx.msk $0xffff, v23  }
0x302: {  	v23 =	vld.idx.msk [tilespmem:v43+s2+$0x0], $0xffff;
	v19 =	vor.u32 v19, v26;
	[tilespmem:v44+s21+$0x0] =	vst.idx.msk $0xffff, v17;
	v26 =	vor.u32 v51, v8  }
0x303: {  	v40 =	vor.u32 $0x80, v19;
	[tilespmem:v46+s21+$0x0] =	vst.idx.msk $0xffff, v21;
	v10 =	vld.idx.msk [tilespmem:v25+s2+$0x0], $0xffff;
	v21 =	vor.u32 v52, v8  }
0x304: {  	v25 =	vor.u32 $0x100, v19;
	[tilespmem:v47+s21+$0x0] =	vst.idx.msk $0xffff, v28;
	v15 =	vld.idx.msk [tilespmem:v18+s2+$0x0], $0xffff;
	v18 =	vor.u32 v53, v8  }
0x305: {  	v17 =	vld.idx.msk [tilespmem:v45+s2+$0x0], $0xffff;
	v45 =	vor.u32 $0x300, v19;
	[tilespmem:v27+s21+$0x0] =	vst.idx.msk $0xffff, v32  }
0x306: {  	v0 =	vld [tilespmem:$0x1FFB0];
	v43 =	vor.u32 v54, v8;
	v42 =	vor.u32 $0x180, v19;
	[tilespmem:v49+s21+$0x0] =	vst.idx.msk $0xffff, v29  }
0x307: {  	v27 =	vor.u32 $0x200, v19;
	v30 =	vld.idx.msk [tilespmem:v19+s2+$0x0], $0xffff;
	[tilespmem:v26+s21+$0x0] =	vst.idx.msk $0xffff, v22;
	v22 =	vor.u32 v55, v8  }
0x308: {  	v44 =	vor.u32 $0x280, v19;
	v47 =	vor.u32 v56, v8;
	v26 =	vld.idx.msk [tilespmem:v40+s2+$0x0], $0xffff;
	[tilespmem:v21+s21+$0x0] =	vst.idx.msk $0xffff, v48  }
0x309: {  	v21 =	vld.idx.msk [tilespmem:v25+s2+$0x0], $0xffff;
	v25 =	vor.u32 $0x380, v19;
	[tilespmem:v18+s21+$0x0] =	vst.idx.msk $0xffff, v20;
	v18 =	vor.u32 v57, v8  }
0x30a: {  	v19 =	vadd.s32 $0x800, v19;
	v48 =	vor.u32 v41, v12;
	v40 =	vld.idx.msk [tilespmem:v45+s2+$0x0], $0xffff  }
0x30b: {  	v49 =	vor.u32 v50, v12;
	v20 =	vld.idx.msk [tilespmem:v42+s2+$0x0], $0xffff;
	[tilespmem:v43+s21+$0x0] =	vst.idx.msk $0xffff, v23  }
0x30c: {  	v27 =	vld.idx.msk [tilespmem:v27+s2+$0x0], $0xffff;
	[tilespmem:v22+s21+$0x0] =	vst.idx.msk $0xffff, v17;
	v22 =	vor.u32 v51, v12  }
0x30d: {  	v23 =	vld.idx.msk [tilespmem:v44+s2+$0x0], $0xffff;
	v43 =	vor.u32 v52, v12;
	[tilespmem:v47+s21+$0x0] =	vst.idx.msk $0xffff, v10  }
0x30e: {  	v42 =	vld.idx.msk [tilespmem:v25+s2+$0x0], $0xffff;
	[tilespmem:v18+s21+$0x0] =	vst.idx.msk $0xffff, v15;
	v18 =	vor.u32 v53, v12  }
0x30f: {  	v44 =	vld.idx.msk [tilespmem:v19+s2+$0x0], $0xffff;
	[tilespmem:v48+s21+$0x0] =	vst.idx.msk $0xffff, v30  }
0x310: {  	[tilespmem:v49+s21+$0x0] =	vst.idx.msk $0xffff, v26  }
0x311: {  	[tilespmem:v22+s21+$0x0] =	vst.idx.msk $0xffff, v21  }
0x312: {  	[tilespmem:v43+s21+$0x0] =	vst.idx.msk $0xffff, v20  }
0x313: {  	[tilespmem:v18+s21+$0x0] =	vst.idx.msk $0xffff, v27;
	v18 =	vor.u32 v0, v9;
	v0 =	vld [tilespmem:$0x1FFC0]  }
0x314: {  	v46 =	vand.u32 $0x7F, v7;
	v7 =	vshll.u32 v7, $0x3  }
0x315: {  	v7 =	vand.u32 $0xFFFFFC00, v7  }
0x316: {  	v7 =	vor.u32 v46, v7  }
0x317: {  	v50 =	vor.u32 $0x80, v7  }
0x318: {  	v9 =	vor.u32 v0, v9;
	v0 =	vld [tilespmem:$0x1FF80]  }
0x319: {  	v41 =	vor.u32 $0x100, v7  }
0x31a: {  	v11 =	vor.u32 v2, v11  }
0x31b: {  	v45 =	vor.u32 v54, v12;
	v46 =	vld.idx.msk [tilespmem:v7+s2+$0x0], $0xffff;
	v25 =	vor.u32 $0x180, v7  }
0x31c: {  	v32 =	vld.idx.msk [tilespmem:v50+s2+$0x0], $0xffff;
	v19 =	vor.u32 $0x200, v7;
	v47 =	vor.u32 v55, v12  }
0x31d: {  	v22 =	vor.u32 v56, v12;
	v55 =	vor.u32 v0, v6;
	v0 =	vld [tilespmem:$0x1FF90]  }
0x31e: {  	v31 =	vld.idx.msk [tilespmem:v41+s2+$0x0], $0xffff;
	v48 =	vor.u32 $0x380, v7  }
0x31f: {  	v26 =	vor.u32 $0x280, v7;
	v11 =	vld.idx.msk [tilespmem:v11+s22+$0x0], $0xffff  }
0x320: {  	v21 =	vor.u32 $0x300, v7;
	v25 =	vld.idx.msk [tilespmem:v25+s2+$0x0], $0xffff;
	[tilespmem:v45+s21+$0x0] =	vst.idx.msk $0xffff, v23  }
0x321: {  	v49 =	vor.u32 v58, v6;
	v7 =	vadd.s32 $0x800, v7;
	v19 =	vld.idx.msk [tilespmem:v19+s2+$0x0], $0xffff;
	[tilespmem:v47+s21+$0x0] =	vst.idx.msk $0xffff, v40  }
0x322: {  	v27 =	vor.u32 v59, v6;
	[tilespmem:v22+s21+$0x0] =	vst.idx.msk $0xffff, v42;
	v22 =	vor.u32 v0, v6;
	v0 =	vld [tilespmem:$0x1FFA0]  }
0x323: {  	v50 =	vld.idx.msk [tilespmem:v48+s2+$0x0], $0xffff  }
0x324: {  	v26 =	vld.idx.msk [tilespmem:v26+s2+$0x0], $0xffff  }
0x325: {  	v21 =	vld.idx.msk [tilespmem:v21+s2+$0x0], $0xffff  }
0x326: {  	v7 =	vld.idx.msk [tilespmem:v7+s2+$0x0], $0xffff;
	[tilespmem:v49+s21+$0x0] =	vst.idx.msk $0xffff, v46  }
0x327: {  	[tilespmem:v27+s21+$0x0] =	vst.idx.msk $0xffff, v32;
	v27 =	vor.u32 v0, v6;
	v0 =	vld [tilespmem:$0x1FFB0]  }
0x328: {  	v20 =	vor.u32 v57, v12  }
0x329: {  	v23 =	vshll.u32 v11, $0x3  }
0x32a: {  	v13 =	vor.u32 v2, v13;
	v11 =	vand.u32 $0x7F, v11;
	v23 =	vand.u32 $0xFFFFFC00, v23  }
0x32b: {  	v52 =	vor.u32 v60, v6;
	v11 =	vor.u32 v11, v23  }
0x32c: {  	v53 =	vor.u32 v63, v6;
	v56 =	vor.u32 v0, v6;
	v0 =	vld [tilespmem:$0x1FFC0]  }
0x32d: {  	v51 =	vor.u32 $0x80, v11;
	[tilespmem:v20+s21+$0x0] =	vst.idx.msk $0xffff, v44  }
0x32e: {  	v2 =	vld [tilespmem:$0x1FFB0];
	[tilespmem:v18+s21+$0x0] =	vst.idx.msk $0xffff, v24;
	v18 =	vor.u32 $0x100, v11  }
0x32f: {  	v54 =	vor.u32 $0x180, v11;
	v13 =	vld.idx.msk [tilespmem:v13+s22+$0x0], $0xffff  }
0x330: {  	v20 =	vor.u32 $0x200, v11;
	[tilespmem:v52+s21+$0x0] =	vst.idx.msk $0xffff, v31;
	v23 =	vld.idx.msk [tilespmem:v11+s2+$0x0], $0xffff  }
0x331: {  	[tilespmem:v53+s21+$0x0] =	vst.idx.msk $0xffff, v25;
	v6 =	vor.u32 v0, v6;
	v0 =	vld [tilespmem:$0x1FF80]  }
0x332: {  	v24 =	vor.u32 $0x280, v11;
	v16 =	vld.idx.msk [tilespmem:v51+s2+$0x0], $0xffff;
	[tilespmem:v55+s21+$0x0] =	vst.idx.msk $0xffff, v19  }
0x333: {  	v40 =	vld.idx.msk [tilespmem:v18+s2+$0x0], $0xffff;
	v18 =	vor.u32 $0x380, v11;
	[tilespmem:v22+s21+$0x0] =	vst.idx.msk $0xffff, v26  }
0x334: {  	v57 =	vor.u32 $0x300, v11;
	v42 =	vld.idx.msk [tilespmem:v54+s2+$0x0], $0xffff;
	[tilespmem:v27+s21+$0x0] =	vst.idx.msk $0xffff, v21  }
0x335: {  	v44 =	vld.idx.msk [tilespmem:v20+s2+$0x0], $0xffff;
	v11 =	vadd.s32 $0x800, v11;
	[tilespmem:v56+s21+$0x0] =	vst.idx.msk $0xffff, v50  }
0x336: {  	v41 =	vshll.u32 v13, $0x3;
	v19 =	vor.u32 v58, v8;
	[tilespmem:v6+s21+$0x0] =	vst.idx.msk $0xffff, v7;
	v7 =	vor.u32 v0, v8;
	v0 =	vld [tilespmem:$0x1FF90]  }
0x337: {  	v13 =	vand.u32 $0x7F, v13;
	v45 =	vld.idx.msk [tilespmem:v24+s2+$0x0], $0xffff;
	v43 =	vand.u32 $0xFFFFFC00, v41  }
0x338: {  	v13 =	vor.u32 v13, v43;
	v46 =	vld.idx.msk [tilespmem:v18+s2+$0x0], $0xffff  }
0x339: {  	v26 =	vor.u32 $0x180, v13;
	v21 =	vld.idx.msk [tilespmem:v57+s2+$0x0], $0xffff  }
0x33a: {  	v20 =	vor.u32 v59, v8;
	v22 =	vor.u32 $0x80, v13;
	v6 =	vld.idx.msk [tilespmem:v11+s2+$0x0], $0xffff  }
0x33b: {  	v27 =	vor.u32 $0x280, v13;
	[tilespmem:v19+s21+$0x0] =	vst.idx.msk $0xffff, v23;
	v19 =	vor.u32 v0, v8;
	v0 =	vld [tilespmem:$0x1FFA0]  }
0x33c: {  	v24 =	vor.u32 v60, v8;
	v25 =	vor.u32 $0x100, v13  }
0x33d: {  	v49 =	vor.u32 v2, v8;
	v2 =	vld [tilespmem:$0x1FFC0];
	v18 =	vor.u32 v63, v8  }
0x33e: {  	v47 =	vor.u32 $0x200, v13;
	v50 =	vld.idx.msk [tilespmem:v26+s2+$0x0], $0xffff  }
0x33f: {  	[tilespmem:v20+s21+$0x0] =	vst.idx.msk $0xffff, v16;
	v20 =	vld.idx.msk [tilespmem:v22+s2+$0x0], $0xffff;
	v22 =	vor.u32 $0x300, v13  }
0x340: {  	v52 =	vld.idx.msk [tilespmem:v27+s2+$0x0], $0xffff;
	v48 =	vor.u32 v0, v8  }
0x341: {  	[tilespmem:v24+s21+$0x0] =	vst.idx.msk $0xffff, v40;
	v24 =	vld.idx.msk [tilespmem:v25+s2+$0x0], $0xffff;
	v25 =	vor.u32 $0x380, v13  }
0x342: {  	v23 =	vld.idx.msk [tilespmem:v13+s2+$0x0], $0xffff;
	[tilespmem:v18+s21+$0x0] =	vst.idx.msk $0xffff, v42;
	v8 =	vor.u32 v2, v8  }
0x343: {  	v51 =	vor.u32 v58, v12;
	v13 =	vadd.s32 $0x800, v13;
	[tilespmem:v7+s21+$0x0] =	vst.idx.msk $0xffff, v44;
	v7 =	vld.idx.msk [tilespmem:v47+s2+$0x0], $0xffff  }
0x344: {  	v53 =	vor.u32 v59, v12;
	v54 =	vld.idx.msk [tilespmem:v22+s2+$0x0], $0xffff;
	[tilespmem:v19+s21+$0x0] =	vst.idx.msk $0xffff, v45  }
0x345: {  	v18 =	vor.u32 v60, v12;
	v22 =	vld [tilespmem:$0x1FF90];
	[tilespmem:v48+s21+$0x0] =	vst.idx.msk $0xffff, v21  }
0x346: {  	v55 =	vld.idx.msk [tilespmem:v25+s2+$0x0], $0xffff;
	[tilespmem:v49+s21+$0x0] =	vst.idx.msk $0xffff, v46  }
0x347: {  	v19 =	vld [tilespmem:$0x1FF80];
	[tilespmem:v8+s21+$0x0] =	vst.idx.msk $0xffff, v6  }
0x348: {  	v6 =	vld.idx.msk [tilespmem:v13+s2+$0x0], $0xffff;
	[tilespmem:v51+s21+$0x0] =	vst.idx.msk $0xffff, v23  }
0x349: {  	[tilespmem:v53+s21+$0x0] =	vst.idx.msk $0xffff, v20  }
0x34a: {  	[tilespmem:v18+s21+$0x0] =	vst.idx.msk $0xffff, v24;
	v18 =	vld [tilespmem:$0x1FFB0]  }
0x34b: {  	v56 =	vor.u32 v63, v12  }
0x34c: {  	v57 =	vor.u32 v19, v12  }
0x34d: {  	v58 =	vor.u32 v22, v12  }
0x34e: {  	v34 =	vld [tilespmem:$0x1FE20];
	v59 =	vor.u32 v0, v12  }
0x34f: {  	v35 =	vld [tilespmem:$0x1FE30];
	[tilespmem:v9+s21+$0x0] =	vst.idx.msk $0xffff, v14;
	v60 =	vor.u32 v18, v12  }
0x350: {  	p2 =	slt.u32 s23, $0x1C;
	v33 =	vld [tilespmem:$0x1FE10];
	v63 =	vor.u32 v2, v12;
	[tilespmem:v56+s21+$0x0] =	vst.idx.msk $0xffff, v50  }
.Ltmp0:
0x351: {  	v32 =	vld [tilespmem:$0x1FE00];
	[tilespmem:v57+s21+$0x0] =	vst.idx.msk $0xffff, v7;
	(pc) =	sbr.rel @p2 .LBB2_3-.Ltmp0, $4  }
0x352: {  	v25 =	vld [tilespmem:$0x1FFE0];
	[tilespmem:v58+s21+$0x0] =	vst.idx.msk $0xffff, v52  }
0x353: {  	v21 =	vld [tilespmem:$0x1FDC0];
	[tilespmem:v59+s21+$0x0] =	vst.idx.msk $0xffff, v54  }
0x354: {  	v20 =	vld [tilespmem:$0x1FDB0];
	[tilespmem:v60+s21+$0x0] =	vst.idx.msk $0xffff, v55  }
0x355: {  	s23 =	sadd.s32 $0x4, s23;
	v36 =	vlaneseq.u32;
	v24 =	vld [tilespmem:$0x1FFD0];
	[tilespmem:v63+s21+$0x0] =	vst.idx.msk $0xffff, v6  }
0x356: {  	p2 =	seq.s32 s18, $0xF  }
0x357: {  	p1 =	por p2, p1  }
0x358: {  	_ =	strace $0x9000004B;
	s19 =	sshll.u32 @p1 s19, $0xC  }
0x359: {  	_ =	strace @p1 $0x8000004C;
	s19 =	sand.u32 @p1 $0x1FFFF000, s19  }
0x35a: {  	s20 =	sor.u32 @p1 $0x4, s20;
	s22 =	simm.s32 @p1 $0x0;
	s19 =	sadd.s32 @p1 s5, s19  }
0x35b: {  	[hbm4b:s19+s22] =	stream.linear.scatter @p1 [tilespmem:s21], [sflag:s20], $0x8000, $0x200038;
	[tilespmem:$0x13000] =	vst v63  }
0x35c: {  	s19 =	simm.s32 $0x1  }
0x35d: {  	s21 =	simm.s32 $0x1;
	s19 =	simm.s32 @!p0 $0x0;
	p0 =	seq.s32 s18, $0x0  }
0x35e: {  	_ =	strace @p1 $0x9000004C;
	s17 =	sadd.s32 s19, s17;
	s19 =	simm.s32 $0x1  }
0x35f: {  	s19 =	simm.s32 @!p1 $0x0;
	p1 =	sne.s32 s18, $0x0;
	s18 =	sadd.s32 $0x1, s18  }
0x360: {  	s20 =	sand.u32 @!p0 $0x1, s14;
	s21 =	simm.s32 @!p1 $0x0;
	p1 =	sne.s32 s18, $0x10  }
.Ltmp1:
0x361: {  	_ =	strace @!p0 $0x8000004D;
	s20 =	sor.u32 @!p0 $0x4, s20;
	(pc) =	sbr.rel @p1 .LBB2_2-.Ltmp1, $4  }
0x362: {  	_ =	swait.ge @!p0 [sflag:s20], $0x8000  }
0x363: {  	[sflag:s20] =	ssyncset.done @!p0 $0x0  }
0x364: {  	s15 =	sadd.s32 s19, s15;
	[sflag:s20] =	ssyncadd.s32 @!p0 $0xFFFF8000  }
0x365: {  	s16 =	sadd.s32 s19, s16;
	s14 =	sadd.s32 s21, s14;
	_ =	strace @!p0 $0x9000004D  }
0x366: {  	s12 =	sadd.s32 $0x1, s12  }
0x367: {  	p0 =	sne.s32 s12, s8  }
.Ltmp2:
0x368: {  	_ =	strace $0x8000004E;
	(pc) =	sbr.rel @p0 .LBB2_1-.Ltmp2, $4  }
0x369: {  	_ =	swait.ge [sflag:s11], $0x8000  }
0x36a: {  	[sflag:s11] =	ssyncset.done $0x0  }
0x36b: {  	[sflag:s11] =	ssyncadd.s32 $0xFFFF8000  }
0x36c: {  	_ =	strace $0x9000004E  }
0x36d: {  	_ =	sfence.sel $0x180000  }
0x36e: {  	[bflag:$0x0] =	sbarrier.arrive $0xFFFF  }
0x36f: {  	p0 =	sne.s32 s4, $0x0;
	_ =	strace $0x90000047  }
0x370: {  	s0 =	sadd.s32 @!p0 $0x100000, s0;
	[bflag:$0x2] =	sbarrier.arrive $0xFFFF  }
0x371: {  	[sflag:s0] =	ssyncadd.tile.s32 @!p0 $0x1;
	_ =	shalt  }
.Lfunc_end2:
_tile_overlayer_lowered:
.L_overlay_start_2:
0x372: {  	(tag) =	ssettag $0x2  }
0x373: {  	s0 =	rddreg [dreg:$0x0];
	s2 =	stileid.u32  }
0x374: {  	s1 =	rddreg [dreg:$0x1];
	p0 =	sne.s32 s2, $0x0  }
0x375: {  	s3 =	rddreg [dreg:$0x2];
	[bflag:$0x3] =	sbarrier.arrive $0xFFFF;
	s2 =	simm.s32 @!p0 $0x1C02  }
0x376: {  	[timem:s3], [sflag:s2] =	dma.local @!p0 [hbm:s0], s1  }
0x377: {  	s0 =	simm.s32 @!p0 $0x2  }
0x378: {  	_ =	swait.ge @!p0 [sflag:s0], s1  }
0x379: {  	s1 =	ssub.s32 @!p0 $0x0, s1;
	[sflag:s0] =	ssyncset.done @!p0 $0x0  }
0x37a: {  	[sflag:s0] =	ssyncadd.s32 @!p0 s1  }
0x37b: {  	[bflag:$0x3] =	sbarrier.arrive $0xFFFF  }
0x37c: {  	_ =	shalt  }

</sc_bundles>
